<compile_context>
chip_gen: v7x
topology: tpu7x:2x2x1
jax: 0.10.2.dev20260603
libtpu: 0.0.44.dev20260713+nightly
codegen_flags: <defaults>
</compile_context>

<pallas_src>
import functools

import jax
import jax.numpy as jnp
from jax import lax
from jax.experimental import pallas as pl
from jax.experimental.pallas import tpu as pltpu
from jax.experimental.pallas import tpu_sc as plsc

N = 10000
E = 320000
D = 128
HALF = 64

NS = 16
CHUNK = 128
PAD_CHUNKS = 2560
TILE_CHUNKS = PAD_CHUNKS // NS
DEG_W = 32

BLK = 80
NBLK = N // BLK
BLK_PER_TILE = -(-NBLK // NS)

NBUF = 8
NBODY = TILE_CHUNKS // NBUF


def _sc_body(x_hbm, src0, dst0, src1, dst1,
             acc0_hbm, deg0_hbm, acc1_hbm, deg1_hbm,
             src_v, dst_v, rows_v, ones_v, x_s, acc_s, deg_s,
             gs0, gs1, gs2, gs3, gs4, gs5, gs6, gs7,
             ss0, ss1, ss2, ss3, ss4, ss5, ss6, ss7):
    gsem = [gs0, gs1, gs2, gs3, gs4, gs5, gs6, gs7]
    ssem = [ss0, ss1, ss2, ss3, ss4, ss5, ss6, ss7]
    c = lax.axis_index("c")
    s = lax.axis_index("s")

    @pl.loop(0, CHUNK)
    def _fill(i):
        ones_v[i, :] = jnp.ones((DEG_W,), jnp.bfloat16)

    span = pl.multiple_of(s * TILE_CHUNKS, 8)

    @pl.when(c == 0)
    def _stage0():
        pltpu.sync_copy(src0.at[pl.ds(span, TILE_CHUNKS)], src_v)
        pltpu.sync_copy(dst0.at[pl.ds(span, TILE_CHUNKS)], dst_v)

    @pl.when(c == 1)
    def _stage1():
        pltpu.sync_copy(src1.at[pl.ds(span, TILE_CHUNKS)], src_v)
        pltpu.sync_copy(dst1.at[pl.ds(span, TILE_CHUNKS)], dst_v)

    for h in range(2):
        col = h * HALF

        @pl.loop(0, BLK_PER_TILE)
        def _init(k):
            bid = s * BLK_PER_TILE + k

            @pl.when(bid < NBLK)
            def _():
                off = pl.multiple_of(bid * BLK, 8)
                pltpu.sync_copy(
                    x_hbm.at[pl.ds(off, BLK), pl.ds(col, HALF)],
                    x_s.at[pl.ds(off, BLK)])
                pltpu.sync_copy(x_s.at[pl.ds(off, BLK)],
                                acc_s.at[pl.ds(off, BLK)])
                if h == 0:
                    pltpu.sync_copy(ones_v.at[pl.ds(0, BLK)],
                                    deg_s.at[pl.ds(off, BLK)])

        plsc.subcore_barrier()

        for b in range(NBUF):
            pltpu.async_copy(x_s.at[src_v.at[b]], rows_v.at[b], gsem[b])

        @pl.loop(0, NBODY)
        def _body(t):
            base = t * NBUF
            for b in range(NBUF):
                k = base + b
                pltpu.make_async_copy(
                    x_s.at[src_v.at[k]], rows_v.at[b], gsem[b]).wait()
                pltpu.async_copy(rows_v.at[b], acc_s.at[dst_v.at[k]],
                                 ssem[b], add=True)
                if h == 0:
                    pltpu.async_copy(ones_v, deg_s.at[dst_v.at[k]],
                                     ssem[b], add=True)
            for b in range(NBUF):
                k = base + b
                pltpu.make_async_copy(
                    rows_v.at[b], acc_s.at[dst_v.at[k]], ssem[b]).wait()
                if h == 0:
                    pltpu.make_async_copy(
                        ones_v, deg_s.at[dst_v.at[k]], ssem[b]).wait()

                @pl.when(t < NBODY - 1)
                def _():
                    kn = base + NBUF + b
                    pltpu.async_copy(x_s.at[src_v.at[kn]],
                                     rows_v.at[b], gsem[b])

        plsc.subcore_barrier()

        def copy_out(acc_hbm, deg_hbm):
            @pl.loop(0, BLK_PER_TILE)
            def _out(k):
                bid = s * BLK_PER_TILE + k

                @pl.when(bid < NBLK)
                def _():
                    off = pl.multiple_of(bid * BLK, 8)
                    pltpu.sync_copy(
                        acc_s.at[pl.ds(off, BLK)],
                        acc_hbm.at[pl.ds(off, BLK), pl.ds(col, HALF)])
                    if h == 0:
                        pltpu.sync_copy(deg_s.at[pl.ds(off, BLK)],
                                        deg_hbm.at[pl.ds(off, BLK)])

        @pl.when(c == 0)
        def _out0():
            copy_out(acc0_hbm, deg0_hbm)

        @pl.when(c == 1)
        def _out1():
            copy_out(acc1_hbm, deg1_hbm)


_sc_aggregate = functools.partial(
    pl.kernel,
    out_type=(
        jax.ShapeDtypeStruct((N, D), jnp.bfloat16),
        jax.ShapeDtypeStruct((N, DEG_W), jnp.bfloat16),
        jax.ShapeDtypeStruct((N, D), jnp.bfloat16),
        jax.ShapeDtypeStruct((N, DEG_W), jnp.bfloat16),
    ),
    mesh=plsc.VectorSubcoreMesh(core_axis_name="c", subcore_axis_name="s"),
    compiler_params=pltpu.CompilerParams(use_tc_tiling_on_sc=False),
    scratch_types=[
        pltpu.VMEM((TILE_CHUNKS, CHUNK), jnp.int32),
        pltpu.VMEM((TILE_CHUNKS, CHUNK), jnp.int32),
        pltpu.VMEM((NBUF, CHUNK, HALF), jnp.bfloat16),
        pltpu.VMEM((CHUNK, DEG_W), jnp.bfloat16),
        pltpu.VMEM_SHARED((N, HALF), jnp.bfloat16),
        pltpu.VMEM_SHARED((N + 8, HALF), jnp.bfloat16),
        pltpu.VMEM_SHARED((N + 8, DEG_W), jnp.bfloat16),
    ] + [pltpu.SemaphoreType.DMA] * 16,
)(_sc_body)


ROW_BLK = 400


def _tc_body(acc0, deg0, acc1, deg1, w0, w1, b0, b1, out):
    h0 = acc0[:, :].astype(jnp.float32) / deg0[:, 0:1].astype(jnp.float32)
    h1 = acc1[:, :].astype(jnp.float32) / deg1[:, 0:1].astype(jnp.float32)
    y = (jnp.dot(h0, w0[:, :], preferred_element_type=jnp.float32)
         + jnp.dot(h1, w1[:, :], preferred_element_type=jnp.float32))
    out[:, :] = 0.5 * y + 0.5 * (b0[:, :] + b1[:, :])


def _tc_combine(acc0, deg0, acc1, deg1, w0, w1, b0, b1):
    grid = (N // ROW_BLK,)
    row_spec = pl.BlockSpec((ROW_BLK, D), lambda i: (i, 0))
    deg_spec = pl.BlockSpec((ROW_BLK, DEG_W), lambda i: (i, 0))
    full_spec = pl.BlockSpec((D, D), lambda i: (0, 0))
    bias_spec = pl.BlockSpec((1, D), lambda i: (0, 0))
    return pl.pallas_call(
        _tc_body,
        grid=grid,
        in_specs=[row_spec, deg_spec, row_spec, deg_spec,
                  full_spec, full_spec, bias_spec, bias_spec],
        out_specs=row_spec,
        out_shape=jax.ShapeDtypeStruct((N, D), jnp.float32),
    )(acc0, deg0, acc1, deg1, w0, w1, b0, b1)


def _pad_edges(edge_index):
    pad = PAD_CHUNKS * CHUNK - E
    src = jnp.concatenate(
        [edge_index[0], jnp.zeros((pad,), jnp.int32)]).reshape(PAD_CHUNKS, CHUNK)
    dst = jnp.concatenate(
        [edge_index[1], jnp.full((pad,), N, jnp.int32)]).reshape(PAD_CHUNKS, CHUNK)
    return src, dst


def kernel(x, edge_index_view0, edge_index_view1,
           W_view0, b_view0, W_view1, b_view1):
    src0, dst0 = _pad_edges(edge_index_view0)
    src1, dst1 = _pad_edges(edge_index_view1)
    x_bf = x.astype(jnp.bfloat16)
    acc0, deg0, acc1, deg1 = _sc_aggregate(x_bf, src0, dst0, src1, dst1)
    return _tc_combine(acc0, deg0, acc1, deg1,
                       W_view0, W_view1,
                       b_view0.reshape(1, D), b_view1.reshape(1, D))

# --- scband reference (transcript-rebuilt; emitter-appended) ---
"""Pipeline reference for scband-rsagelayer-46548855554714 (READ-ONLY COPY).

The authoritative reference and input builder live on the scoring server;
editing this copy changes nothing except your own understanding.
"""

import jax, jax.numpy as jnp
import numpy as np

N = 10000
E = 320000
D_IN = 128
D_OUT = 128


def setup_inputs(seed: int = 0) -> dict:
    key = jax.random.key(seed)
    ks = jax.random.split(key, 8)
    x = jax.random.normal(ks[0], (N, D_IN), dtype=jnp.float32)
    edge_index_view0 = jax.random.randint(ks[1], (2, E), 0, N, dtype=jnp.int32)
    edge_index_view1 = jax.random.randint(ks[2], (2, E), 0, N, dtype=jnp.int32)
    # Learned params: one SAGEConv (aggregator_type='gcn') per view.
    # DGL gcn aggregator uses a single fc_neigh Linear (no fc_self) + bias.
    s0 = 1.0 / np.sqrt(D_IN)
    W_view0 = jax.random.uniform(ks[3], (D_IN, D_OUT), dtype=jnp.float32, minval=-s0, maxval=s0)
    b_view0 = jnp.zeros((D_OUT,), dtype=jnp.float32)
    W_view1 = jax.random.uniform(ks[4], (D_IN, D_OUT), dtype=jnp.float32, minval=-s0, maxval=s0)
    b_view1 = jnp.zeros((D_OUT,), dtype=jnp.float32)
    return {
        'x': x,
        'edge_index_view0': edge_index_view0,
        'edge_index_view1': edge_index_view1,
        'W_view0': W_view0,
        'b_view0': b_view0,
        'W_view1': W_view1,
        'b_view1': b_view1,
    }


def _sage_gcn(x, edge_index, W, b):
    # DGL SAGEConv with aggregator_type='gcn':
    #   neigh_sum[v] = sum_{(u->v) in E} x[u]
    #   h[v] = (neigh_sum[v] + x[v]) / (in_deg[v] + 1)
    #   out  = h @ W + b   (activation=None)
    src = edge_index[0]
    dst = edge_index[1]
    msg = jnp.take(x, src, axis=0)                      # gather
    neigh = jnp.zeros_like(x).at[dst].add(msg)          # scatter-add
    deg = jnp.zeros((x.shape[0],), dtype=x.dtype).at[dst].add(1.0)
    h = (neigh + x) / (deg[:, None] + 1.0)
    return h @ W + b


def reference(x, edge_index_view0, edge_index_view1, W_view0, b_view0, W_view1, b_view1):
    e0 = _sage_gcn(x, edge_index_view0, W_view0, b_view0)
    e1 = _sage_gcn(x, edge_index_view1, W_view1, b_view1)
    # torch.stack(list(view_embeddings.values())).mean(dim=0)
    embedding = jnp.stack([e0, e1], axis=0).mean(axis=0)
    return embedding

if __name__ == "__main__":
    import jax
    _d = setup_inputs()
    print(jax.jit(kernel)(*tuple(_d.values())))

</pallas_src>

<mosaic_0001>
#map = affine_map<(d0, d1) -> (0, 0)>
module attributes {stable_mosaic.version = 14 : i64} {
  func.func @_sc_body(%arg0: i32, %arg1: i32, %arg2: memref<10000x128xbf16, #tpu.memory_space<hbm>>, %arg3: memref<2560x128xi32, #tpu.memory_space<hbm>>, %arg4: memref<2560x128xi32, #tpu.memory_space<hbm>>, %arg5: memref<2560x128xi32, #tpu.memory_space<hbm>>, %arg6: memref<2560x128xi32, #tpu.memory_space<hbm>>, %arg7: memref<10000x128xbf16, #tpu.memory_space<hbm>>, %arg8: memref<10000x32xbf16, #tpu.memory_space<hbm>>, %arg9: memref<10000x128xbf16, #tpu.memory_space<hbm>>, %arg10: memref<10000x32xbf16, #tpu.memory_space<hbm>>, %arg11: memref<160x128xi32, #tpu.memory_space<vmem>>, %arg12: memref<160x128xi32, #tpu.memory_space<vmem>>, %arg13: memref<8x128x64xbf16, #tpu.memory_space<vmem>>, %arg14: memref<128x32xbf16, #tpu.memory_space<vmem>>, %arg15: memref<10000x64xbf16, #tpu.memory_space<vmem_shared>>, %arg16: memref<10008x64xbf16, #tpu.memory_space<vmem_shared>>, %arg17: memref<10008x32xbf16, #tpu.memory_space<vmem_shared>>, %arg18: memref<!tpu.dma_semaphore, #tpu.memory_space<semaphore_mem>>, %arg19: memref<!tpu.dma_semaphore, #tpu.memory_space<semaphore_mem>>, %arg20: memref<!tpu.dma_semaphore, #tpu.memory_space<semaphore_mem>>, %arg21: memref<!tpu.dma_semaphore, #tpu.memory_space<semaphore_mem>>, %arg22: memref<!tpu.dma_semaphore, #tpu.memory_space<semaphore_mem>>, %arg23: memref<!tpu.dma_semaphore, #tpu.memory_space<semaphore_mem>>, %arg24: memref<!tpu.dma_semaphore, #tpu.memory_space<semaphore_mem>>, %arg25: memref<!tpu.dma_semaphore, #tpu.memory_space<semaphore_mem>>, %arg26: memref<!tpu.dma_semaphore, #tpu.memory_space<semaphore_mem>>, %arg27: memref<!tpu.dma_semaphore, #tpu.memory_space<semaphore_mem>>, %arg28: memref<!tpu.dma_semaphore, #tpu.memory_space<semaphore_mem>>, %arg29: memref<!tpu.dma_semaphore, #tpu.memory_space<semaphore_mem>>, %arg30: memref<!tpu.dma_semaphore, #tpu.memory_space<semaphore_mem>>, %arg31: memref<!tpu.dma_semaphore, #tpu.memory_space<semaphore_mem>>, %arg32: memref<!tpu.dma_semaphore, #tpu.memory_space<semaphore_mem>>, %arg33: memref<!tpu.dma_semaphore, #tpu.memory_space<semaphore_mem>>) attributes {dimension_semantics = [#tpu.dimension_semantics<core_parallel>, #tpu.dimension_semantics<subcore_parallel>], iteration_bounds = array<i64: 2, 16>, scalar_prefetch = 0 : i64, scratch_operands = 23 : i64, tpu.core_type = #tpu.core_type<sc_vector_subcore>, window_params = [{transform_indices = #map}, {transform_indices = #map}, {transform_indices = #map}, {transform_indices = #map}, {transform_indices = #map}, {transform_indices = #map}, {transform_indices = #map}, {transform_indices = #map}, {transform_indices = #map}]} {
    %scan3A = arith.constant 0 : i32
    %scan3A_0 = arith.constant 128 : i32
    %scan3A_1 = arith.addi %scan3A, %scan3A_0 : i32
    %scan3A_2 = arith.constant 1 : i32
    scf.for %scan3A_246 = %scan3A to %scan3A_1 step %scan3A_2  : i32 {
      %mul3A_247 = arith.constant 1 : i32
      %mul3A_248 = arith.muli %scan3A_246, %mul3A_247 : i32
      %add3A = arith.constant 0 : i32
      %add3A_249 = arith.addi %add3A, %mul3A_248 : i32
      %broadcast_in_dim3A = arith.constant 1.000000e+00 : bf16
      %broadcast_in_dim3A_250 = vector.broadcast %broadcast_in_dim3A : bf16 to vector<32xbf16>
      %swap3A = arith.index_cast %add3A_249 : i32 to index
      %swap3A_251 = arith.constant 0 : index
      %swap3A_252 = tpu.vector_load %arg14[%swap3A, %swap3A_251] {strides = array<i32>} : memref<128x32xbf16, #tpu.memory_space<vmem>>, vector<1x32xbf16>,
      %swap3A_253 = vector.shape_cast %swap3A_252 : vector<1x32xbf16> to vector<32xbf16>
      %swap3A_254 = vector.shape_cast %broadcast_in_dim3A_250 : vector<32xbf16> to vector<1x32xbf16>
      tpu.vector_store %arg14[%swap3A, %swap3A_251], %swap3A_254 {strides = array<i32>} : memref<128x32xbf16, #tpu.memory_space<vmem>>, vector<1x32xbf16>,
    }
    %scan3A_3 = arith.constant 128 : i32
    %mul3A = arith.constant 160 : i32
    %mul3A_4 = arith.muli %arg1, %mul3A : i32
    %multiple_of3A = tpu.assume_multiple %mul3A_4, 8 : i32
    %eq3A = arith.constant 0 : i32
    %eq3A_5 = arith.cmpi eq, %arg0, %eq3A : i32
    %convert_element_type3A = arith.extui %eq3A_5 : i1 to i32
    %cond3A = arith.constant 0 : i32
    %cond3A_6 = arith.cmpi ne, %convert_element_type3A, %cond3A : i32
    scf.if %cond3A_6 {
      "tpu.region"() ({
        %run_scoped3A = tpu.sem_alloc : memref<!tpu.dma_semaphore, #tpu.memory_space<semaphore_mem>>
        %dma_start3A_246 = arith.constant 0 : i32
        %dma_start3A_247 = tpu.memref_slice %arg3[%multiple_of3A, %dma_start3A_246] : memref<2560x128xi32, #tpu.memory_space<hbm>> -> memref<160x128xi32, #tpu.memory_space<hbm>>
        %dma_start3A_248 = arith.constant 0 : i32
        %dma_start3A_249 = tpu.memref_slice %arg3[%multiple_of3A, %dma_start3A_248] : memref<2560x128xi32, #tpu.memory_space<hbm>> -> memref<160x128xi32, #tpu.memory_space<hbm>>
        tpu.enqueue_dma source(%dma_start3A_249 : memref<160x128xi32, #tpu.memory_space<hbm>>) target(%arg11 : memref<160x128xi32, #tpu.memory_space<vmem>>) target_semaphore(%run_scoped3A : memref<!tpu.dma_semaphore, #tpu.memory_space<semaphore_mem>>)
        %dma_wait3A = arith.constant 0 : i32
        %dma_wait3A_250 = tpu.memref_slice %arg3[%multiple_of3A, %dma_wait3A] : memref<2560x128xi32, #tpu.memory_space<hbm>> -> memref<160x128xi32, #tpu.memory_space<hbm>>
        %dma_wait3A_251 = arith.constant 0 : i32
        %dma_wait3A_252 = tpu.memref_slice %arg3[%multiple_of3A, %dma_wait3A_251] : memref<2560x128xi32, #tpu.memory_space<hbm>> -> memref<160x128xi32, #tpu.memory_space<hbm>>
        tpu.wait_dma2 semaphore(%run_scoped3A : memref<!tpu.dma_semaphore, #tpu.memory_space<semaphore_mem>>) src(%dma_wait3A_252 : memref<160x128xi32, #tpu.memory_space<hbm>>) dst(%arg11 : memref<160x128xi32, #tpu.memory_space<vmem>>)
        tpu.yield
      }) : () -> ()
      "tpu.region"() ({
        %run_scoped3A = tpu.sem_alloc : memref<!tpu.dma_semaphore, #tpu.memory_space<semaphore_mem>>
        %dma_start3A_246 = arith.constant 0 : i32
        %dma_start3A_247 = tpu.memref_slice %arg4[%multiple_of3A, %dma_start3A_246] : memref<2560x128xi32, #tpu.memory_space<hbm>> -> memref<160x128xi32, #tpu.memory_space<hbm>>
        %dma_start3A_248 = arith.constant 0 : i32
        %dma_start3A_249 = tpu.memref_slice %arg4[%multiple_of3A, %dma_start3A_248] : memref<2560x128xi32, #tpu.memory_space<hbm>> -> memref<160x128xi32, #tpu.memory_space<hbm>>
        tpu.enqueue_dma source(%dma_start3A_249 : memref<160x128xi32, #tpu.memory_space<hbm>>) target(%arg12 : memref<160x128xi32, #tpu.memory_space<vmem>>) target_semaphore(%run_scoped3A : memref<!tpu.dma_semaphore, #tpu.memory_space<semaphore_mem>>)
        %dma_wait3A = arith.constant 0 : i32
        %dma_wait3A_250 = tpu.memref_slice %arg4[%multiple_of3A, %dma_wait3A] : memref<2560x128xi32, #tpu.memory_space<hbm>> -> memref<160x128xi32, #tpu.memory_space<hbm>>
        %dma_wait3A_251 = arith.constant 0 : i32
        %dma_wait3A_252 = tpu.memref_slice %arg4[%multiple_of3A, %dma_wait3A_251] : memref<2560x128xi32, #tpu.memory_space<hbm>> -> memref<160x128xi32, #tpu.memory_space<hbm>>
        tpu.wait_dma2 semaphore(%run_scoped3A : memref<!tpu.dma_semaphore, #tpu.memory_space<semaphore_mem>>) src(%dma_wait3A_252 : memref<160x128xi32, #tpu.memory_space<hbm>>) dst(%arg12 : memref<160x128xi32, #tpu.memory_space<vmem>>)
        tpu.yield
      }) : () -> ()
    } else {
    }
    %eq3A_7 = arith.constant 1 : i32
    %eq3A_8 = arith.cmpi eq, %arg0, %eq3A_7 : i32
    %convert_element_type3A_9 = arith.extui %eq3A_8 : i1 to i32
    %cond3A_10 = arith.constant 0 : i32
    %cond3A_11 = arith.cmpi ne, %convert_element_type3A_9, %cond3A_10 : i32
    scf.if %cond3A_11 {
      "tpu.region"() ({
        %run_scoped3A = tpu.sem_alloc : memref<!tpu.dma_semaphore, #tpu.memory_space<semaphore_mem>>
        %dma_start3A_246 = arith.constant 0 : i32
        %dma_start3A_247 = tpu.memref_slice %arg5[%multiple_of3A, %dma_start3A_246] : memref<2560x128xi32, #tpu.memory_space<hbm>> -> memref<160x128xi32, #tpu.memory_space<hbm>>
        %dma_start3A_248 = arith.constant 0 : i32
        %dma_start3A_249 = tpu.memref_slice %arg5[%multiple_of3A, %dma_start3A_248] : memref<2560x128xi32, #tpu.memory_space<hbm>> -> memref<160x128xi32, #tpu.memory_space<hbm>>
        tpu.enqueue_dma source(%dma_start3A_249 : memref<160x128xi32, #tpu.memory_space<hbm>>) target(%arg11 : memref<160x128xi32, #tpu.memory_space<vmem>>) target_semaphore(%run_scoped3A : memref<!tpu.dma_semaphore, #tpu.memory_space<semaphore_mem>>)
        %dma_wait3A = arith.constant 0 : i32
        %dma_wait3A_250 = tpu.memref_slice %arg5[%multiple_of3A, %dma_wait3A] : memref<2560x128xi32, #tpu.memory_space<hbm>> -> memref<160x128xi32, #tpu.memory_space<hbm>>
        %dma_wait3A_251 = arith.constant 0 : i32
        %dma_wait3A_252 = tpu.memref_slice %arg5[%multiple_of3A, %dma_wait3A_251] : memref<2560x128xi32, #tpu.memory_space<hbm>> -> memref<160x128xi32, #tpu.memory_space<hbm>>
        tpu.wait_dma2 semaphore(%run_scoped3A : memref<!tpu.dma_semaphore, #tpu.memory_space<semaphore_mem>>) src(%dma_wait3A_252 : memref<160x128xi32, #tpu.memory_space<hbm>>) dst(%arg11 : memref<160x128xi32, #tpu.memory_space<vmem>>)
        tpu.yield
      }) : () -> ()
      "tpu.region"() ({
        %run_scoped3A = tpu.sem_alloc : memref<!tpu.dma_semaphore, #tpu.memory_space<semaphore_mem>>
        %dma_start3A_246 = arith.constant 0 : i32
        %dma_start3A_247 = tpu.memref_slice %arg6[%multiple_of3A, %dma_start3A_246] : memref<2560x128xi32, #tpu.memory_space<hbm>> -> memref<160x128xi32, #tpu.memory_space<hbm>>
        %dma_start3A_248 = arith.constant 0 : i32
        %dma_start3A_249 = tpu.memref_slice %arg6[%multiple_of3A, %dma_start3A_248] : memref<2560x128xi32, #tpu.memory_space<hbm>> -> memref<160x128xi32, #tpu.memory_space<hbm>>
        tpu.enqueue_dma source(%dma_start3A_249 : memref<160x128xi32, #tpu.memory_space<hbm>>) target(%arg12 : memref<160x128xi32, #tpu.memory_space<vmem>>) target_semaphore(%run_scoped3A : memref<!tpu.dma_semaphore, #tpu.memory_space<semaphore_mem>>)
        %dma_wait3A = arith.constant 0 : i32
        %dma_wait3A_250 = tpu.memref_slice %arg6[%multiple_of3A, %dma_wait3A] : memref<2560x128xi32, #tpu.memory_space<hbm>> -> memref<160x128xi32, #tpu.memory_space<hbm>>
        %dma_wait3A_251 = arith.constant 0 : i32
        %dma_wait3A_252 = tpu.memref_slice %arg6[%multiple_of3A, %dma_wait3A_251] : memref<2560x128xi32, #tpu.memory_space<hbm>> -> memref<160x128xi32, #tpu.memory_space<hbm>>
        tpu.wait_dma2 semaphore(%run_scoped3A : memref<!tpu.dma_semaphore, #tpu.memory_space<semaphore_mem>>) src(%dma_wait3A_252 : memref<160x128xi32, #tpu.memory_space<hbm>>) dst(%arg12 : memref<160x128xi32, #tpu.memory_space<vmem>>)
        tpu.yield
      }) : () -> ()
    } else {
    }
    %scan3A_12 = arith.constant 0 : i32
    %scan3A_13 = arith.constant 8 : i32
    %scan3A_14 = arith.addi %scan3A_12, %scan3A_13 : i32
    %scan3A_15 = arith.constant 1 : i32
    scf.for %scan3A_246 = %scan3A_12 to %scan3A_14 step %scan3A_15  : i32 {
      %mul3A_247 = arith.constant 1 : i32
      %mul3A_248 = arith.muli %scan3A_246, %mul3A_247 : i32
      %add3A = arith.constant 0 : i32
      %add3A_249 = arith.addi %add3A, %mul3A_248 : i32
      %mul3A_250 = arith.constant 8 : i32
      %mul3A_251 = arith.muli %arg1, %mul3A_250 : i32
      %add3A_252 = arith.addi %mul3A_251, %add3A_249 : i32
      %lt3A = arith.constant 125 : i32
      %lt3A_253 = arith.cmpi slt, %add3A_252, %lt3A : i32
      %convert_element_type3A_254 = arith.extui %lt3A_253 : i1 to i32
      %cond3A_255 = arith.constant 0 : i32
      %cond3A_256 = arith.cmpi ne, %convert_element_type3A_254, %cond3A_255 : i32
      scf.if %cond3A_256 {
        %mul3A_257 = arith.constant 80 : i32
        %mul3A_258 = arith.muli %add3A_252, %mul3A_257 : i32
        %multiple_of3A_259 = tpu.assume_multiple %mul3A_258, 8 : i32
        "tpu.region"() ({
          %run_scoped3A = tpu.sem_alloc : memref<!tpu.dma_semaphore, #tpu.memory_space<semaphore_mem>>
          %dma_start3A_260 = arith.constant 0 : i32
          %dma_start3A_261 = tpu.memref_slice %arg15[%multiple_of3A_259, %dma_start3A_260] : memref<10000x64xbf16, #tpu.memory_space<vmem_shared>> -> memref<80x64xbf16, #tpu.memory_space<vmem_shared>>
          %dma_start3A_262 = arith.constant 0 : i32
          %dma_start3A_263 = tpu.memref_slice %arg2[%multiple_of3A_259, %dma_start3A_262] : memref<10000x128xbf16, #tpu.memory_space<hbm>> -> memref<80x64xbf16, #tpu.memory_space<hbm>>
          tpu.enqueue_dma source(%dma_start3A_263 : memref<80x64xbf16, #tpu.memory_space<hbm>>) target(%dma_start3A_261 : memref<80x64xbf16, #tpu.memory_space<vmem_shared>>) target_semaphore(%run_scoped3A : memref<!tpu.dma_semaphore, #tpu.memory_space<semaphore_mem>>)
          %dma_wait3A = arith.constant 0 : i32
          %dma_wait3A_264 = tpu.memref_slice %arg15[%multiple_of3A_259, %dma_wait3A] : memref<10000x64xbf16, #tpu.memory_space<vmem_shared>> -> memref<80x64xbf16, #tpu.memory_space<vmem_shared>>
          %dma_wait3A_265 = arith.constant 0 : i32
          %dma_wait3A_266 = tpu.memref_slice %arg2[%multiple_of3A_259, %dma_wait3A_265] : memref<10000x128xbf16, #tpu.memory_space<hbm>> -> memref<80x64xbf16, #tpu.memory_space<hbm>>
          tpu.wait_dma2 semaphore(%run_scoped3A : memref<!tpu.dma_semaphore, #tpu.memory_space<semaphore_mem>>) src(%dma_wait3A_266 : memref<80x64xbf16, #tpu.memory_space<hbm>>) dst(%dma_wait3A_264 : memref<80x64xbf16, #tpu.memory_space<vmem_shared>>)
          tpu.yield
        }) : () -> ()
        "tpu.region"() ({
          %run_scoped3A = tpu.sem_alloc : memref<!tpu.dma_semaphore, #tpu.memory_space<semaphore_mem>>
          %dma_start3A_260 = arith.constant 0 : i32
          %dma_start3A_261 = tpu.memref_slice %arg16[%multiple_of3A_259, %dma_start3A_260] : memref<10008x64xbf16, #tpu.memory_space<vmem_shared>> -> memref<80x64xbf16, #tpu.memory_space<vmem_shared>>
          %dma_start3A_262 = arith.constant 0 : i32
          %dma_start3A_263 = tpu.memref_slice %arg15[%multiple_of3A_259, %dma_start3A_262] : memref<10000x64xbf16, #tpu.memory_space<vmem_shared>> -> memref<80x64xbf16, #tpu.memory_space<vmem_shared>>
          tpu.enqueue_dma source(%dma_start3A_263 : memref<80x64xbf16, #tpu.memory_space<vmem_shared>>) target(%dma_start3A_261 : memref<80x64xbf16, #tpu.memory_space<vmem_shared>>) target_semaphore(%run_scoped3A : memref<!tpu.dma_semaphore, #tpu.memory_space<semaphore_mem>>)
          %dma_wait3A = arith.constant 0 : i32
          %dma_wait3A_264 = tpu.memref_slice %arg16[%multiple_of3A_259, %dma_wait3A] : memref<10008x64xbf16, #tpu.memory_space<vmem_shared>> -> memref<80x64xbf16, #tpu.memory_space<vmem_shared>>
          %dma_wait3A_265 = arith.constant 0 : i32
          %dma_wait3A_266 = tpu.memref_slice %arg15[%multiple_of3A_259, %dma_wait3A_265] : memref<10000x64xbf16, #tpu.memory_space<vmem_shared>> -> memref<80x64xbf16, #tpu.memory_space<vmem_shared>>
          tpu.wait_dma2 semaphore(%run_scoped3A : memref<!tpu.dma_semaphore, #tpu.memory_space<semaphore_mem>>) src(%dma_wait3A_266 : memref<80x64xbf16, #tpu.memory_space<vmem_shared>>) dst(%dma_wait3A_264 : memref<80x64xbf16, #tpu.memory_space<vmem_shared>>)
          tpu.yield
        }) : () -> ()
        "tpu.region"() ({
          %run_scoped3A = tpu.sem_alloc : memref<!tpu.dma_semaphore, #tpu.memory_space<semaphore_mem>>
          %dma_start3A_260 = arith.constant 0 : i32
          %dma_start3A_261 = arith.constant 0 : i32
          %dma_start3A_262 = tpu.memref_slice %arg14[%dma_start3A_260, %dma_start3A_261] : memref<128x32xbf16, #tpu.memory_space<vmem>> -> memref<80x32xbf16, #tpu.memory_space<vmem>>
          %dma_start3A_263 = arith.constant 0 : i32
          %dma_start3A_264 = tpu.memref_slice %arg17[%multiple_of3A_259, %dma_start3A_263] : memref<10008x32xbf16, #tpu.memory_space<vmem_shared>> -> memref<80x32xbf16, #tpu.memory_space<vmem_shared>>
          %dma_start3A_265 = arith.constant 0 : i32
          %dma_start3A_266 = tpu.memref_slice %arg17[%multiple_of3A_259, %dma_start3A_265] : memref<10008x32xbf16, #tpu.memory_space<vmem_shared>> -> memref<80x32xbf16, #tpu.memory_space<vmem_shared>>
          %dma_start3A_267 = arith.constant 0 : i32
          %dma_start3A_268 = arith.constant 0 : i32
          %dma_start3A_269 = tpu.memref_slice %arg14[%dma_start3A_267, %dma_start3A_268] : memref<128x32xbf16, #tpu.memory_space<vmem>> -> memref<80x32xbf16, #tpu.memory_space<vmem>>
          tpu.enqueue_dma source(%dma_start3A_269 : memref<80x32xbf16, #tpu.memory_space<vmem>>) target(%dma_start3A_266 : memref<80x32xbf16, #tpu.memory_space<vmem_shared>>) target_semaphore(%run_scoped3A : memref<!tpu.dma_semaphore, #tpu.memory_space<semaphore_mem>>)
          %dma_wait3A = arith.constant 0 : i32
          %dma_wait3A_270 = arith.constant 0 : i32
          %dma_wait3A_271 = tpu.memref_slice %arg14[%dma_wait3A, %dma_wait3A_270] : memref<128x32xbf16, #tpu.memory_space<vmem>> -> memref<80x32xbf16, #tpu.memory_space<vmem>>
          %dma_wait3A_272 = arith.constant 0 : i32
          %dma_wait3A_273 = tpu.memref_slice %arg17[%multiple_of3A_259, %dma_wait3A_272] : memref<10008x32xbf16, #tpu.memory_space<vmem_shared>> -> memref<80x32xbf16, #tpu.memory_space<vmem_shared>>
          %dma_wait3A_274 = arith.constant 0 : i32
          %dma_wait3A_275 = tpu.memref_slice %arg17[%multiple_of3A_259, %dma_wait3A_274] : memref<10008x32xbf16, #tpu.memory_space<vmem_shared>> -> memref<80x32xbf16, #tpu.memory_space<vmem_shared>>
          %dma_wait3A_276 = arith.constant 0 : i32
          %dma_wait3A_277 = arith.constant 0 : i32
          %dma_wait3A_278 = tpu.memref_slice %arg14[%dma_wait3A_276, %dma_wait3A_277] : memref<128x32xbf16, #tpu.memory_space<vmem>> -> memref<80x32xbf16, #tpu.memory_space<vmem>>
          tpu.wait_dma2 semaphore(%run_scoped3A : memref<!tpu.dma_semaphore, #tpu.memory_space<semaphore_mem>>) src(%dma_wait3A_278 : memref<80x32xbf16, #tpu.memory_space<vmem>>) dst(%dma_wait3A_275 : memref<80x32xbf16, #tpu.memory_space<vmem_shared>>)
          tpu.yield
        }) : () -> ()
      } else {
      }
    }
    %scan3A_16 = arith.constant 8 : i32
    %barrier3A = arith.constant 0 : index
    tpu.barrier barrier_id(%barrier3A)
    %dma_start3A = arith.constant 0 : i32
    %dma_start3A_17 = arith.constant 0 : i32
    %dma_start3A_18 = arith.constant 0 : i32
    %dma_start3A_19 = arith.constant 0 : i32
    %dma_start3A_20 = tpu.memref_slice %arg13[%dma_start3A_17, %dma_start3A_18, %dma_start3A_19] : memref<8x128x64xbf16, #tpu.memory_space<vmem>> -> memref<1x128x64xbf16, #tpu.memory_space<vmem>>
    %dma_start3A_21 = tpu.memref_squeeze %dma_start3A_20 : memref<1x128x64xbf16, #tpu.memory_space<vmem>> -> memref<128x64xbf16, #tpu.memory_space<vmem>>
    %dma_start3A_22 = arith.constant 0 : i32
    %dma_start3A_23 = tpu.memref_slice %arg11[%dma_start3A, %dma_start3A_22] : memref<160x128xi32, #tpu.memory_space<vmem>> -> memref<1x128xi32, #tpu.memory_space<vmem>>
    %dma_start3A_24 = tpu.memref_squeeze %dma_start3A_23 : memref<1x128xi32, #tpu.memory_space<vmem>> -> memref<128xi32, #tpu.memory_space<vmem>>
    %dma_start3A_25 = arith.constant 0 : i32
    %dma_start3A_26 = arith.constant 0 : i32
    %dma_start3A_27 = tpu.memref_slice %arg15[%dma_start3A_25, %dma_start3A_26] : memref<10000x64xbf16, #tpu.memory_space<vmem_shared>> -> memref<10000x64xbf16, #tpu.memory_space<vmem_shared>>
    tpu.enqueue_indirect_dma source(%dma_start3A_27 : memref<10000x64xbf16, #tpu.memory_space<vmem_shared>>) target(%dma_start3A_21 : memref<128x64xbf16, #tpu.memory_space<vmem>>) offsets(%dma_start3A_24 : memref<128xi32, #tpu.memory_space<vmem>>) semaphore(%arg18 : memref<!tpu.dma_semaphore, #tpu.memory_space<semaphore_mem>>)
    %dma_start3A_28 = arith.constant 1 : i32
    %dma_start3A_29 = arith.constant 1 : i32
    %dma_start3A_30 = arith.constant 0 : i32
    %dma_start3A_31 = arith.constant 0 : i32
    %dma_start3A_32 = tpu.memref_slice %arg13[%dma_start3A_29, %dma_start3A_30, %dma_start3A_31] : memref<8x128x64xbf16, #tpu.memory_space<vmem>> -> memref<1x128x64xbf16, #tpu.memory_space<vmem>>
    %dma_start3A_33 = tpu.memref_squeeze %dma_start3A_32 : memref<1x128x64xbf16, #tpu.memory_space<vmem>> -> memref<128x64xbf16, #tpu.memory_space<vmem>>
    %dma_start3A_34 = arith.constant 0 : i32
    %dma_start3A_35 = tpu.memref_slice %arg11[%dma_start3A_28, %dma_start3A_34] : memref<160x128xi32, #tpu.memory_space<vmem>> -> memref<1x128xi32, #tpu.memory_space<vmem>>
    %dma_start3A_36 = tpu.memref_squeeze %dma_start3A_35 : memref<1x128xi32, #tpu.memory_space<vmem>> -> memref<128xi32, #tpu.memory_space<vmem>>
    %dma_start3A_37 = arith.constant 0 : i32
    %dma_start3A_38 = arith.constant 0 : i32
    %dma_start3A_39 = tpu.memref_slice %arg15[%dma_start3A_37, %dma_start3A_38] : memref<10000x64xbf16, #tpu.memory_space<vmem_shared>> -> memref<10000x64xbf16, #tpu.memory_space<vmem_shared>>
    tpu.enqueue_indirect_dma source(%dma_start3A_39 : memref<10000x64xbf16, #tpu.memory_space<vmem_shared>>) target(%dma_start3A_33 : memref<128x64xbf16, #tpu.memory_space<vmem>>) offsets(%dma_start3A_36 : memref<128xi32, #tpu.memory_space<vmem>>) semaphore(%arg19 : memref<!tpu.dma_semaphore, #tpu.memory_space<semaphore_mem>>)
    %dma_start3A_40 = arith.constant 2 : i32
    %dma_start3A_41 = arith.constant 2 : i32
    %dma_start3A_42 = arith.constant 0 : i32
    %dma_start3A_43 = arith.constant 0 : i32
    %dma_start3A_44 = tpu.memref_slice %arg13[%dma_start3A_41, %dma_start3A_42, %dma_start3A_43] : memref<8x128x64xbf16, #tpu.memory_space<vmem>> -> memref<1x128x64xbf16, #tpu.memory_space<vmem>>
    %dma_start3A_45 = tpu.memref_squeeze %dma_start3A_44 : memref<1x128x64xbf16, #tpu.memory_space<vmem>> -> memref<128x64xbf16, #tpu.memory_space<vmem>>
    %dma_start3A_46 = arith.constant 0 : i32
    %dma_start3A_47 = tpu.memref_slice %arg11[%dma_start3A_40, %dma_start3A_46] : memref<160x128xi32, #tpu.memory_space<vmem>> -> memref<1x128xi32, #tpu.memory_space<vmem>>
    %dma_start3A_48 = tpu.memref_squeeze %dma_start3A_47 : memref<1x128xi32, #tpu.memory_space<vmem>> -> memref<128xi32, #tpu.memory_space<vmem>>
    %dma_start3A_49 = arith.constant 0 : i32
    %dma_start3A_50 = arith.constant 0 : i32
    %dma_start3A_51 = tpu.memref_slice %arg15[%dma_start3A_49, %dma_start3A_50] : memref<10000x64xbf16, #tpu.memory_space<vmem_shared>> -> memref<10000x64xbf16, #tpu.memory_space<vmem_shared>>
    tpu.enqueue_indirect_dma source(%dma_start3A_51 : memref<10000x64xbf16, #tpu.memory_space<vmem_shared>>) target(%dma_start3A_45 : memref<128x64xbf16, #tpu.memory_space<vmem>>) offsets(%dma_start3A_48 : memref<128xi32, #tpu.memory_space<vmem>>) semaphore(%arg20 : memref<!tpu.dma_semaphore, #tpu.memory_space<semaphore_mem>>)
    %dma_start3A_52 = arith.constant 3 : i32
    %dma_start3A_53 = arith.constant 3 : i32
    %dma_start3A_54 = arith.constant 0 : i32
    %dma_start3A_55 = arith.constant 0 : i32
    %dma_start3A_56 = tpu.memref_slice %arg13[%dma_start3A_53, %dma_start3A_54, %dma_start3A_55] : memref<8x128x64xbf16, #tpu.memory_space<vmem>> -> memref<1x128x64xbf16, #tpu.memory_space<vmem>>
    %dma_start3A_57 = tpu.memref_squeeze %dma_start3A_56 : memref<1x128x64xbf16, #tpu.memory_space<vmem>> -> memref<128x64xbf16, #tpu.memory_space<vmem>>
    %dma_start3A_58 = arith.constant 0 : i32
    %dma_start3A_59 = tpu.memref_slice %arg11[%dma_start3A_52, %dma_start3A_58] : memref<160x128xi32, #tpu.memory_space<vmem>> -> memref<1x128xi32, #tpu.memory_space<vmem>>
    %dma_start3A_60 = tpu.memref_squeeze %dma_start3A_59 : memref<1x128xi32, #tpu.memory_space<vmem>> -> memref<128xi32, #tpu.memory_space<vmem>>
    %dma_start3A_61 = arith.constant 0 : i32
    %dma_start3A_62 = arith.constant 0 : i32
    %dma_start3A_63 = tpu.memref_slice %arg15[%dma_start3A_61, %dma_start3A_62] : memref<10000x64xbf16, #tpu.memory_space<vmem_shared>> -> memref<10000x64xbf16, #tpu.memory_space<vmem_shared>>
    tpu.enqueue_indirect_dma source(%dma_start3A_63 : memref<10000x64xbf16, #tpu.memory_space<vmem_shared>>) target(%dma_start3A_57 : memref<128x64xbf16, #tpu.memory_space<vmem>>) offsets(%dma_start3A_60 : memref<128xi32, #tpu.memory_space<vmem>>) semaphore(%arg21 : memref<!tpu.dma_semaphore, #tpu.memory_space<semaphore_mem>>)
    %dma_start3A_64 = arith.constant 4 : i32
    %dma_start3A_65 = arith.constant 4 : i32
    %dma_start3A_66 = arith.constant 0 : i32
    %dma_start3A_67 = arith.constant 0 : i32
    %dma_start3A_68 = tpu.memref_slice %arg13[%dma_start3A_65, %dma_start3A_66, %dma_start3A_67] : memref<8x128x64xbf16, #tpu.memory_space<vmem>> -> memref<1x128x64xbf16, #tpu.memory_space<vmem>>
    %dma_start3A_69 = tpu.memref_squeeze %dma_start3A_68 : memref<1x128x64xbf16, #tpu.memory_space<vmem>> -> memref<128x64xbf16, #tpu.memory_space<vmem>>
    %dma_start3A_70 = arith.constant 0 : i32
    %dma_start3A_71 = tpu.memref_slice %arg11[%dma_start3A_64, %dma_start3A_70] : memref<160x128xi32, #tpu.memory_space<vmem>> -> memref<1x128xi32, #tpu.memory_space<vmem>>
    %dma_start3A_72 = tpu.memref_squeeze %dma_start3A_71 : memref<1x128xi32, #tpu.memory_space<vmem>> -> memref<128xi32, #tpu.memory_space<vmem>>
    %dma_start3A_73 = arith.constant 0 : i32
    %dma_start3A_74 = arith.constant 0 : i32
    %dma_start3A_75 = tpu.memref_slice %arg15[%dma_start3A_73, %dma_start3A_74] : memref<10000x64xbf16, #tpu.memory_space<vmem_shared>> -> memref<10000x64xbf16, #tpu.memory_space<vmem_shared>>
    tpu.enqueue_indirect_dma source(%dma_start3A_75 : memref<10000x64xbf16, #tpu.memory_space<vmem_shared>>) target(%dma_start3A_69 : memref<128x64xbf16, #tpu.memory_space<vmem>>) offsets(%dma_start3A_72 : memref<128xi32, #tpu.memory_space<vmem>>) semaphore(%arg22 : memref<!tpu.dma_semaphore, #tpu.memory_space<semaphore_mem>>)
    %dma_start3A_76 = arith.constant 5 : i32
    %dma_start3A_77 = arith.constant 5 : i32
    %dma_start3A_78 = arith.constant 0 : i32
    %dma_start3A_79 = arith.constant 0 : i32
    %dma_start3A_80 = tpu.memref_slice %arg13[%dma_start3A_77, %dma_start3A_78, %dma_start3A_79] : memref<8x128x64xbf16, #tpu.memory_space<vmem>> -> memref<1x128x64xbf16, #tpu.memory_space<vmem>>
    %dma_start3A_81 = tpu.memref_squeeze %dma_start3A_80 : memref<1x128x64xbf16, #tpu.memory_space<vmem>> -> memref<128x64xbf16, #tpu.memory_space<vmem>>
    %dma_start3A_82 = arith.constant 0 : i32
    %dma_start3A_83 = tpu.memref_slice %arg11[%dma_start3A_76, %dma_start3A_82] : memref<160x128xi32, #tpu.memory_space<vmem>> -> memref<1x128xi32, #tpu.memory_space<vmem>>
    %dma_start3A_84 = tpu.memref_squeeze %dma_start3A_83 : memref<1x128xi32, #tpu.memory_space<vmem>> -> memref<128xi32, #tpu.memory_space<vmem>>
    %dma_start3A_85 = arith.constant 0 : i32
    %dma_start3A_86 = arith.constant 0 : i32
    %dma_start3A_87 = tpu.memref_slice %arg15[%dma_start3A_85, %dma_start3A_86] : memref<10000x64xbf16, #tpu.memory_space<vmem_shared>> -> memref<10000x64xbf16, #tpu.memory_space<vmem_shared>>
    tpu.enqueue_indirect_dma source(%dma_start3A_87 : memref<10000x64xbf16, #tpu.memory_space<vmem_shared>>) target(%dma_start3A_81 : memref<128x64xbf16, #tpu.memory_space<vmem>>) offsets(%dma_start3A_84 : memref<128xi32, #tpu.memory_space<vmem>>) semaphore(%arg23 : memref<!tpu.dma_semaphore, #tpu.memory_space<semaphore_mem>>)
    %dma_start3A_88 = arith.constant 6 : i32
    %dma_start3A_89 = arith.constant 6 : i32
    %dma_start3A_90 = arith.constant 0 : i32
    %dma_start3A_91 = arith.constant 0 : i32
    %dma_start3A_92 = tpu.memref_slice %arg13[%dma_start3A_89, %dma_start3A_90, %dma_start3A_91] : memref<8x128x64xbf16, #tpu.memory_space<vmem>> -> memref<1x128x64xbf16, #tpu.memory_space<vmem>>
    %dma_start3A_93 = tpu.memref_squeeze %dma_start3A_92 : memref<1x128x64xbf16, #tpu.memory_space<vmem>> -> memref<128x64xbf16, #tpu.memory_space<vmem>>
    %dma_start3A_94 = arith.constant 0 : i32
    %dma_start3A_95 = tpu.memref_slice %arg11[%dma_start3A_88, %dma_start3A_94] : memref<160x128xi32, #tpu.memory_space<vmem>> -> memref<1x128xi32, #tpu.memory_space<vmem>>
    %dma_start3A_96 = tpu.memref_squeeze %dma_start3A_95 : memref<1x128xi32, #tpu.memory_space<vmem>> -> memref<128xi32, #tpu.memory_space<vmem>>
    %dma_start3A_97 = arith.constant 0 : i32
    %dma_start3A_98 = arith.constant 0 : i32
    %dma_start3A_99 = tpu.memref_slice %arg15[%dma_start3A_97, %dma_start3A_98] : memref<10000x64xbf16, #tpu.memory_space<vmem_shared>> -> memref<10000x64xbf16, #tpu.memory_space<vmem_shared>>
    tpu.enqueue_indirect_dma source(%dma_start3A_99 : memref<10000x64xbf16, #tpu.memory_space<vmem_shared>>) target(%dma_start3A_93 : memref<128x64xbf16, #tpu.memory_space<vmem>>) offsets(%dma_start3A_96 : memref<128xi32, #tpu.memory_space<vmem>>) semaphore(%arg24 : memref<!tpu.dma_semaphore, #tpu.memory_space<semaphore_mem>>)
    %dma_start3A_100 = arith.constant 7 : i32
    %dma_start3A_101 = arith.constant 7 : i32
    %dma_start3A_102 = arith.constant 0 : i32
    %dma_start3A_103 = arith.constant 0 : i32
    %dma_start3A_104 = tpu.memref_slice %arg13[%dma_start3A_101, %dma_start3A_102, %dma_start3A_103] : memref<8x128x64xbf16, #tpu.memory_space<vmem>> -> memref<1x128x64xbf16, #tpu.memory_space<vmem>>
    %dma_start3A_105 = tpu.memref_squeeze %dma_start3A_104 : memref<1x128x64xbf16, #tpu.memory_space<vmem>> -> memref<128x64xbf16, #tpu.memory_space<vmem>>
    %dma_start3A_106 = arith.constant 0 : i32
    %dma_start3A_107 = tpu.memref_slice %arg11[%dma_start3A_100, %dma_start3A_106] : memref<160x128xi32, #tpu.memory_space<vmem>> -> memref<1x128xi32, #tpu.memory_space<vmem>>
    %dma_start3A_108 = tpu.memref_squeeze %dma_start3A_107 : memref<1x128xi32, #tpu.memory_space<vmem>> -> memref<128xi32, #tpu.memory_space<vmem>>
    %dma_start3A_109 = arith.constant 0 : i32
    %dma_start3A_110 = arith.constant 0 : i32
    %dma_start3A_111 = tpu.memref_slice %arg15[%dma_start3A_109, %dma_start3A_110] : memref<10000x64xbf16, #tpu.memory_space<vmem_shared>> -> memref<10000x64xbf16, #tpu.memory_space<vmem_shared>>
    tpu.enqueue_indirect_dma source(%dma_start3A_111 : memref<10000x64xbf16, #tpu.memory_space<vmem_shared>>) target(%dma_start3A_105 : memref<128x64xbf16, #tpu.memory_space<vmem>>) offsets(%dma_start3A_108 : memref<128xi32, #tpu.memory_space<vmem>>) semaphore(%arg25 : memref<!tpu.dma_semaphore, #tpu.memory_space<semaphore_mem>>)
    %scan3A_112 = arith.constant 0 : i32
    %scan3A_113 = arith.constant 20 : i32
    %scan3A_114 = arith.addi %scan3A_112, %scan3A_113 : i32
    %scan3A_115 = arith.constant 1 : i32
    scf.for %scan3A_246 = %scan3A_112 to %scan3A_114 step %scan3A_115  : i32 {
      %mul3A_247 = arith.constant 1 : i32
      %mul3A_248 = arith.muli %scan3A_246, %mul3A_247 : i32
      %add3A = arith.constant 0 : i32
      %add3A_249 = arith.addi %add3A, %mul3A_248 : i32
      %mul3A_250 = arith.constant 8 : i32
      %mul3A_251 = arith.muli %add3A_249, %mul3A_250 : i32
      %add3A_252 = arith.constant 0 : i32
      %add3A_253 = arith.addi %mul3A_251, %add3A_252 : i32
      %dma_wait3A = arith.constant 0 : i32
      %dma_wait3A_254 = arith.constant 0 : i32
      %dma_wait3A_255 = arith.constant 0 : i32
      %dma_wait3A_256 = tpu.memref_slice %arg13[%dma_wait3A, %dma_wait3A_254, %dma_wait3A_255] : memref<8x128x64xbf16, #tpu.memory_space<vmem>> -> memref<1x128x64xbf16, #tpu.memory_space<vmem>>
      %dma_wait3A_257 = tpu.memref_squeeze %dma_wait3A_256 : memref<1x128x64xbf16, #tpu.memory_space<vmem>> -> memref<128x64xbf16, #tpu.memory_space<vmem>>
      %dma_wait3A_258 = arith.constant 0 : i32
      %dma_wait3A_259 = tpu.memref_slice %arg11[%add3A_253, %dma_wait3A_258] : memref<160x128xi32, #tpu.memory_space<vmem>> -> memref<1x128xi32, #tpu.memory_space<vmem>>
      %dma_wait3A_260 = tpu.memref_squeeze %dma_wait3A_259 : memref<1x128xi32, #tpu.memory_space<vmem>> -> memref<128xi32, #tpu.memory_space<vmem>>
      %dma_wait3A_261 = arith.constant 0 : i32
      %dma_wait3A_262 = arith.constant 0 : i32
      %dma_wait3A_263 = tpu.memref_slice %arg15[%dma_wait3A_261, %dma_wait3A_262] : memref<10000x64xbf16, #tpu.memory_space<vmem_shared>> -> memref<10000x64xbf16, #tpu.memory_space<vmem_shared>>
      tpu.wait_indirect_dma semaphore(%arg18 : memref<!tpu.dma_semaphore, #tpu.memory_space<semaphore_mem>>) src(%dma_wait3A_263 : memref<10000x64xbf16, #tpu.memory_space<vmem_shared>>) dst(%dma_wait3A_257 : memref<128x64xbf16, #tpu.memory_space<vmem>>)
      %dma_start3A_264 = arith.constant 0 : i32
      %dma_start3A_265 = arith.constant 0 : i32
      %dma_start3A_266 = arith.constant 0 : i32
      %dma_start3A_267 = tpu.memref_slice %arg13[%dma_start3A_264, %dma_start3A_265, %dma_start3A_266] : memref<8x128x64xbf16, #tpu.memory_space<vmem>> -> memref<1x128x64xbf16, #tpu.memory_space<vmem>>
      %dma_start3A_268 = tpu.memref_squeeze %dma_start3A_267 : memref<1x128x64xbf16, #tpu.memory_space<vmem>> -> memref<128x64xbf16, #tpu.memory_space<vmem>>
      %dma_start3A_269 = arith.constant 0 : i32
      %dma_start3A_270 = tpu.memref_slice %arg12[%add3A_253, %dma_start3A_269] : memref<160x128xi32, #tpu.memory_space<vmem>> -> memref<1x128xi32, #tpu.memory_space<vmem>>
      %dma_start3A_271 = tpu.memref_squeeze %dma_start3A_270 : memref<1x128xi32, #tpu.memory_space<vmem>> -> memref<128xi32, #tpu.memory_space<vmem>>
      %dma_start3A_272 = arith.constant 0 : i32
      %dma_start3A_273 = arith.constant 0 : i32
      %dma_start3A_274 = tpu.memref_slice %arg16[%dma_start3A_272, %dma_start3A_273] : memref<10008x64xbf16, #tpu.memory_space<vmem_shared>> -> memref<10008x64xbf16, #tpu.memory_space<vmem_shared>>
      tpu.enqueue_indirect_dma source(%dma_start3A_268 : memref<128x64xbf16, #tpu.memory_space<vmem>>) target(%dma_start3A_274 : memref<10008x64xbf16, #tpu.memory_space<vmem_shared>>) offsets(%dma_start3A_271 : memref<128xi32, #tpu.memory_space<vmem>>) semaphore(%arg26 : memref<!tpu.dma_semaphore, #tpu.memory_space<semaphore_mem>>) {add = true}
      %dma_start3A_275 = arith.constant 0 : i32
      %dma_start3A_276 = tpu.memref_slice %arg12[%add3A_253, %dma_start3A_275] : memref<160x128xi32, #tpu.memory_space<vmem>> -> memref<1x128xi32, #tpu.memory_space<vmem>>
      %dma_start3A_277 = tpu.memref_squeeze %dma_start3A_276 : memref<1x128xi32, #tpu.memory_space<vmem>> -> memref<128xi32, #tpu.memory_space<vmem>>
      %dma_start3A_278 = arith.constant 0 : i32
      %dma_start3A_279 = arith.constant 0 : i32
      %dma_start3A_280 = tpu.memref_slice %arg17[%dma_start3A_278, %dma_start3A_279] : memref<10008x32xbf16, #tpu.memory_space<vmem_shared>> -> memref<10008x32xbf16, #tpu.memory_space<vmem_shared>>
      tpu.enqueue_indirect_dma source(%arg14 : memref<128x32xbf16, #tpu.memory_space<vmem>>) target(%dma_start3A_280 : memref<10008x32xbf16, #tpu.memory_space<vmem_shared>>) offsets(%dma_start3A_277 : memref<128xi32, #tpu.memory_space<vmem>>) semaphore(%arg26 : memref<!tpu.dma_semaphore, #tpu.memory_space<semaphore_mem>>) {add = true}
      %add3A_281 = arith.constant 1 : i32
      %add3A_282 = arith.addi %mul3A_251, %add3A_281 : i32
      %dma_wait3A_283 = arith.constant 1 : i32
      %dma_wait3A_284 = arith.constant 0 : i32
      %dma_wait3A_285 = arith.constant 0 : i32
      %dma_wait3A_286 = tpu.memref_slice %arg13[%dma_wait3A_283, %dma_wait3A_284, %dma_wait3A_285] : memref<8x128x64xbf16, #tpu.memory_space<vmem>> -> memref<1x128x64xbf16, #tpu.memory_space<vmem>>
      %dma_wait3A_287 = tpu.memref_squeeze %dma_wait3A_286 : memref<1x128x64xbf16, #tpu.memory_space<vmem>> -> memref<128x64xbf16, #tpu.memory_space<vmem>>
      %dma_wait3A_288 = arith.constant 0 : i32
      %dma_wait3A_289 = tpu.memref_slice %arg11[%add3A_282, %dma_wait3A_288] : memref<160x128xi32, #tpu.memory_space<vmem>> -> memref<1x128xi32, #tpu.memory_space<vmem>>
      %dma_wait3A_290 = tpu.memref_squeeze %dma_wait3A_289 : memref<1x128xi32, #tpu.memory_space<vmem>> -> memref<128xi32, #tpu.memory_space<vmem>>
      %dma_wait3A_291 = arith.constant 0 : i32
      %dma_wait3A_292 = arith.constant 0 : i32
      %dma_wait3A_293 = tpu.memref_slice %arg15[%dma_wait3A_291, %dma_wait3A_292] : memref<10000x64xbf16, #tpu.memory_space<vmem_shared>> -> memref<10000x64xbf16, #tpu.memory_space<vmem_shared>>
      tpu.wait_indirect_dma semaphore(%arg19 : memref<!tpu.dma_semaphore, #tpu.memory_space<semaphore_mem>>) src(%dma_wait3A_293 : memref<10000x64xbf16, #tpu.memory_space<vmem_shared>>) dst(%dma_wait3A_287 : memref<128x64xbf16, #tpu.memory_space<vmem>>)
      %dma_start3A_294 = arith.constant 1 : i32
      %dma_start3A_295 = arith.constant 0 : i32
      %dma_start3A_296 = arith.constant 0 : i32
      %dma_start3A_297 = tpu.memref_slice %arg13[%dma_start3A_294, %dma_start3A_295, %dma_start3A_296] : memref<8x128x64xbf16, #tpu.memory_space<vmem>> -> memref<1x128x64xbf16, #tpu.memory_space<vmem>>
      %dma_start3A_298 = tpu.memref_squeeze %dma_start3A_297 : memref<1x128x64xbf16, #tpu.memory_space<vmem>> -> memref<128x64xbf16, #tpu.memory_space<vmem>>
      %dma_start3A_299 = arith.constant 0 : i32
      %dma_start3A_300 = tpu.memref_slice %arg12[%add3A_282, %dma_start3A_299] : memref<160x128xi32, #tpu.memory_space<vmem>> -> memref<1x128xi32, #tpu.memory_space<vmem>>
      %dma_start3A_301 = tpu.memref_squeeze %dma_start3A_300 : memref<1x128xi32, #tpu.memory_space<vmem>> -> memref<128xi32, #tpu.memory_space<vmem>>
      %dma_start3A_302 = arith.constant 0 : i32
      %dma_start3A_303 = arith.constant 0 : i32
      %dma_start3A_304 = tpu.memref_slice %arg16[%dma_start3A_302, %dma_start3A_303] : memref<10008x64xbf16, #tpu.memory_space<vmem_shared>> -> memref<10008x64xbf16, #tpu.memory_space<vmem_shared>>
      tpu.enqueue_indirect_dma source(%dma_start3A_298 : memref<128x64xbf16, #tpu.memory_space<vmem>>) target(%dma_start3A_304 : memref<10008x64xbf16, #tpu.memory_space<vmem_shared>>) offsets(%dma_start3A_301 : memref<128xi32, #tpu.memory_space<vmem>>) semaphore(%arg27 : memref<!tpu.dma_semaphore, #tpu.memory_space<semaphore_mem>>) {add = true}
      %dma_start3A_305 = arith.constant 0 : i32
      %dma_start3A_306 = tpu.memref_slice %arg12[%add3A_282, %dma_start3A_305] : memref<160x128xi32, #tpu.memory_space<vmem>> -> memref<1x128xi32, #tpu.memory_space<vmem>>
      %dma_start3A_307 = tpu.memref_squeeze %dma_start3A_306 : memref<1x128xi32, #tpu.memory_space<vmem>> -> memref<128xi32, #tpu.memory_space<vmem>>
      %dma_start3A_308 = arith.constant 0 : i32
      %dma_start3A_309 = arith.constant 0 : i32
      %dma_start3A_310 = tpu.memref_slice %arg17[%dma_start3A_308, %dma_start3A_309] : memref<10008x32xbf16, #tpu.memory_space<vmem_shared>> -> memref<10008x32xbf16, #tpu.memory_space<vmem_shared>>
      tpu.enqueue_indirect_dma source(%arg14 : memref<128x32xbf16, #tpu.memory_space<vmem>>) target(%dma_start3A_310 : memref<10008x32xbf16, #tpu.memory_space<vmem_shared>>) offsets(%dma_start3A_307 : memref<128xi32, #tpu.memory_space<vmem>>) semaphore(%arg27 : memref<!tpu.dma_semaphore, #tpu.memory_space<semaphore_mem>>) {add = true}
      %add3A_311 = arith.constant 2 : i32
      %add3A_312 = arith.addi %mul3A_251, %add3A_311 : i32
      %dma_wait3A_313 = arith.constant 2 : i32
      %dma_wait3A_314 = arith.constant 0 : i32
      %dma_wait3A_315 = arith.constant 0 : i32
      %dma_wait3A_316 = tpu.memref_slice %arg13[%dma_wait3A_313, %dma_wait3A_314, %dma_wait3A_315] : memref<8x128x64xbf16, #tpu.memory_space<vmem>> -> memref<1x128x64xbf16, #tpu.memory_space<vmem>>
      %dma_wait3A_317 = tpu.memref_squeeze %dma_wait3A_316 : memref<1x128x64xbf16, #tpu.memory_space<vmem>> -> memref<128x64xbf16, #tpu.memory_space<vmem>>
      %dma_wait3A_318 = arith.constant 0 : i32
      %dma_wait3A_319 = tpu.memref_slice %arg11[%add3A_312, %dma_wait3A_318] : memref<160x128xi32, #tpu.memory_space<vmem>> -> memref<1x128xi32, #tpu.memory_space<vmem>>
      %dma_wait3A_320 = tpu.memref_squeeze %dma_wait3A_319 : memref<1x128xi32, #tpu.memory_space<vmem>> -> memref<128xi32, #tpu.memory_space<vmem>>
      %dma_wait3A_321 = arith.constant 0 : i32
      %dma_wait3A_322 = arith.constant 0 : i32
      %dma_wait3A_323 = tpu.memref_slice %arg15[%dma_wait3A_321, %dma_wait3A_322] : memref<10000x64xbf16, #tpu.memory_space<vmem_shared>> -> memref<10000x64xbf16, #tpu.memory_space<vmem_shared>>
      tpu.wait_indirect_dma semaphore(%arg20 : memref<!tpu.dma_semaphore, #tpu.memory_space<semaphore_mem>>) src(%dma_wait3A_323 : memref<10000x64xbf16, #tpu.memory_space<vmem_shared>>) dst(%dma_wait3A_317 : memref<128x64xbf16, #tpu.memory_space<vmem>>)
      %dma_start3A_324 = arith.constant 2 : i32
      %dma_start3A_325 = arith.constant 0 : i32
      %dma_start3A_326 = arith.constant 0 : i32
      %dma_start3A_327 = tpu.memref_slice %arg13[%dma_start3A_324, %dma_start3A_325, %dma_start3A_326] : memref<8x128x64xbf16, #tpu.memory_space<vmem>> -> memref<1x128x64xbf16, #tpu.memory_space<vmem>>
      %dma_start3A_328 = tpu.memref_squeeze %dma_start3A_327 : memref<1x128x64xbf16, #tpu.memory_space<vmem>> -> memref<128x64xbf16, #tpu.memory_space<vmem>>
      %dma_start3A_329 = arith.constant 0 : i32
      %dma_start3A_330 = tpu.memref_slice %arg12[%add3A_312, %dma_start3A_329] : memref<160x128xi32, #tpu.memory_space<vmem>> -> memref<1x128xi32, #tpu.memory_space<vmem>>
      %dma_start3A_331 = tpu.memref_squeeze %dma_start3A_330 : memref<1x128xi32, #tpu.memory_space<vmem>> -> memref<128xi32, #tpu.memory_space<vmem>>
      %dma_start3A_332 = arith.constant 0 : i32
      %dma_start3A_333 = arith.constant 0 : i32
      %dma_start3A_334 = tpu.memref_slice %arg16[%dma_start3A_332, %dma_start3A_333] : memref<10008x64xbf16, #tpu.memory_space<vmem_shared>> -> memref<10008x64xbf16, #tpu.memory_space<vmem_shared>>
      tpu.enqueue_indirect_dma source(%dma_start3A_328 : memref<128x64xbf16, #tpu.memory_space<vmem>>) target(%dma_start3A_334 : memref<10008x64xbf16, #tpu.memory_space<vmem_shared>>) offsets(%dma_start3A_331 : memref<128xi32, #tpu.memory_space<vmem>>) semaphore(%arg28 : memref<!tpu.dma_semaphore, #tpu.memory_space<semaphore_mem>>) {add = true}
      %dma_start3A_335 = arith.constant 0 : i32
      %dma_start3A_336 = tpu.memref_slice %arg12[%add3A_312, %dma_start3A_335] : memref<160x128xi32, #tpu.memory_space<vmem>> -> memref<1x128xi32, #tpu.memory_space<vmem>>
      %dma_start3A_337 = tpu.memref_squeeze %dma_start3A_336 : memref<1x128xi32, #tpu.memory_space<vmem>> -> memref<128xi32, #tpu.memory_space<vmem>>
      %dma_start3A_338 = arith.constant 0 : i32
      %dma_start3A_339 = arith.constant 0 : i32
      %dma_start3A_340 = tpu.memref_slice %arg17[%dma_start3A_338, %dma_start3A_339] : memref<10008x32xbf16, #tpu.memory_space<vmem_shared>> -> memref<10008x32xbf16, #tpu.memory_space<vmem_shared>>
      tpu.enqueue_indirect_dma source(%arg14 : memref<128x32xbf16, #tpu.memory_space<vmem>>) target(%dma_start3A_340 : memref<10008x32xbf16, #tpu.memory_space<vmem_shared>>) offsets(%dma_start3A_337 : memref<128xi32, #tpu.memory_space<vmem>>) semaphore(%arg28 : memref<!tpu.dma_semaphore, #tpu.memory_space<semaphore_mem>>) {add = true}
      %add3A_341 = arith.constant 3 : i32
      %add3A_342 = arith.addi %mul3A_251, %add3A_341 : i32
      %dma_wait3A_343 = arith.constant 3 : i32
      %dma_wait3A_344 = arith.constant 0 : i32
      %dma_wait3A_345 = arith.constant 0 : i32
      %dma_wait3A_346 = tpu.memref_slice %arg13[%dma_wait3A_343, %dma_wait3A_344, %dma_wait3A_345] : memref<8x128x64xbf16, #tpu.memory_space<vmem>> -> memref<1x128x64xbf16, #tpu.memory_space<vmem>>
      %dma_wait3A_347 = tpu.memref_squeeze %dma_wait3A_346 : memref<1x128x64xbf16, #tpu.memory_space<vmem>> -> memref<128x64xbf16, #tpu.memory_space<vmem>>
      %dma_wait3A_348 = arith.constant 0 : i32
      %dma_wait3A_349 = tpu.memref_slice %arg11[%add3A_342, %dma_wait3A_348] : memref<160x128xi32, #tpu.memory_space<vmem>> -> memref<1x128xi32, #tpu.memory_space<vmem>>
      %dma_wait3A_350 = tpu.memref_squeeze %dma_wait3A_349 : memref<1x128xi32, #tpu.memory_space<vmem>> -> memref<128xi32, #tpu.memory_space<vmem>>
      %dma_wait3A_351 = arith.constant 0 : i32
      %dma_wait3A_352 = arith.constant 0 : i32
      %dma_wait3A_353 = tpu.memref_slice %arg15[%dma_wait3A_351, %dma_wait3A_352] : memref<10000x64xbf16, #tpu.memory_space<vmem_shared>> -> memref<10000x64xbf16, #tpu.memory_space<vmem_shared>>
      tpu.wait_indirect_dma semaphore(%arg21 : memref<!tpu.dma_semaphore, #tpu.memory_space<semaphore_mem>>) src(%dma_wait3A_353 : memref<10000x64xbf16, #tpu.memory_space<vmem_shared>>) dst(%dma_wait3A_347 : memref<128x64xbf16, #tpu.memory_space<vmem>>)
      %dma_start3A_354 = arith.constant 3 : i32
      %dma_start3A_355 = arith.constant 0 : i32
      %dma_start3A_356 = arith.constant 0 : i32
      %dma_start3A_357 = tpu.memref_slice %arg13[%dma_start3A_354, %dma_start3A_355, %dma_start3A_356] : memref<8x128x64xbf16, #tpu.memory_space<vmem>> -> memref<1x128x64xbf16, #tpu.memory_space<vmem>>
      %dma_start3A_358 = tpu.memref_squeeze %dma_start3A_357 : memref<1x128x64xbf16, #tpu.memory_space<vmem>> -> memref<128x64xbf16, #tpu.memory_space<vmem>>
      %dma_start3A_359 = arith.constant 0 : i32
      %dma_start3A_360 = tpu.memref_slice %arg12[%add3A_342, %dma_start3A_359] : memref<160x128xi32, #tpu.memory_space<vmem>> -> memref<1x128xi32, #tpu.memory_space<vmem>>
      %dma_start3A_361 = tpu.memref_squeeze %dma_start3A_360 : memref<1x128xi32, #tpu.memory_space<vmem>> -> memref<128xi32, #tpu.memory_space<vmem>>
      %dma_start3A_362 = arith.constant 0 : i32
      %dma_start3A_363 = arith.constant 0 : i32
      %dma_start3A_364 = tpu.memref_slice %arg16[%dma_start3A_362, %dma_start3A_363] : memref<10008x64xbf16, #tpu.memory_space<vmem_shared>> -> memref<10008x64xbf16, #tpu.memory_space<vmem_shared>>
      tpu.enqueue_indirect_dma source(%dma_start3A_358 : memref<128x64xbf16, #tpu.memory_space<vmem>>) target(%dma_start3A_364 : memref<10008x64xbf16, #tpu.memory_space<vmem_shared>>) offsets(%dma_start3A_361 : memref<128xi32, #tpu.memory_space<vmem>>) semaphore(%arg29 : memref<!tpu.dma_semaphore, #tpu.memory_space<semaphore_mem>>) {add = true}
      %dma_start3A_365 = arith.constant 0 : i32
      %dma_start3A_366 = tpu.memref_slice %arg12[%add3A_342, %dma_start3A_365] : memref<160x128xi32, #tpu.memory_space<vmem>> -> memref<1x128xi32, #tpu.memory_space<vmem>>
      %dma_start3A_367 = tpu.memref_squeeze %dma_start3A_366 : memref<1x128xi32, #tpu.memory_space<vmem>> -> memref<128xi32, #tpu.memory_space<vmem>>
      %dma_start3A_368 = arith.constant 0 : i32
      %dma_start3A_369 = arith.constant 0 : i32
      %dma_start3A_370 = tpu.memref_slice %arg17[%dma_start3A_368, %dma_start3A_369] : memref<10008x32xbf16, #tpu.memory_space<vmem_shared>> -> memref<10008x32xbf16, #tpu.memory_space<vmem_shared>>
      tpu.enqueue_indirect_dma source(%arg14 : memref<128x32xbf16, #tpu.memory_space<vmem>>) target(%dma_start3A_370 : memref<10008x32xbf16, #tpu.memory_space<vmem_shared>>) offsets(%dma_start3A_367 : memref<128xi32, #tpu.memory_space<vmem>>) semaphore(%arg29 : memref<!tpu.dma_semaphore, #tpu.memory_space<semaphore_mem>>) {add = true}
      %add3A_371 = arith.constant 4 : i32
      %add3A_372 = arith.addi %mul3A_251, %add3A_371 : i32
      %dma_wait3A_373 = arith.constant 4 : i32
      %dma_wait3A_374 = arith.constant 0 : i32
      %dma_wait3A_375 = arith.constant 0 : i32
      %dma_wait3A_376 = tpu.memref_slice %arg13[%dma_wait3A_373, %dma_wait3A_374, %dma_wait3A_375] : memref<8x128x64xbf16, #tpu.memory_space<vmem>> -> memref<1x128x64xbf16, #tpu.memory_space<vmem>>
      %dma_wait3A_377 = tpu.memref_squeeze %dma_wait3A_376 : memref<1x128x64xbf16, #tpu.memory_space<vmem>> -> memref<128x64xbf16, #tpu.memory_space<vmem>>
      %dma_wait3A_378 = arith.constant 0 : i32
      %dma_wait3A_379 = tpu.memref_slice %arg11[%add3A_372, %dma_wait3A_378] : memref<160x128xi32, #tpu.memory_space<vmem>> -> memref<1x128xi32, #tpu.memory_space<vmem>>
      %dma_wait3A_380 = tpu.memref_squeeze %dma_wait3A_379 : memref<1x128xi32, #tpu.memory_space<vmem>> -> memref<128xi32, #tpu.memory_space<vmem>>
      %dma_wait3A_381 = arith.constant 0 : i32
      %dma_wait3A_382 = arith.constant 0 : i32
      %dma_wait3A_383 = tpu.memref_slice %arg15[%dma_wait3A_381, %dma_wait3A_382] : memref<10000x64xbf16, #tpu.memory_space<vmem_shared>> -> memref<10000x64xbf16, #tpu.memory_space<vmem_shared>>
      tpu.wait_indirect_dma semaphore(%arg22 : memref<!tpu.dma_semaphore, #tpu.memory_space<semaphore_mem>>) src(%dma_wait3A_383 : memref<10000x64xbf16, #tpu.memory_space<vmem_shared>>) dst(%dma_wait3A_377 : memref<128x64xbf16, #tpu.memory_space<vmem>>)
      %dma_start3A_384 = arith.constant 4 : i32
      %dma_start3A_385 = arith.constant 0 : i32
      %dma_start3A_386 = arith.constant 0 : i32
      %dma_start3A_387 = tpu.memref_slice %arg13[%dma_start3A_384, %dma_start3A_385, %dma_start3A_386] : memref<8x128x64xbf16, #tpu.memory_space<vmem>> -> memref<1x128x64xbf16, #tpu.memory_space<vmem>>
      %dma_start3A_388 = tpu.memref_squeeze %dma_start3A_387 : memref<1x128x64xbf16, #tpu.memory_space<vmem>> -> memref<128x64xbf16, #tpu.memory_space<vmem>>
      %dma_start3A_389 = arith.constant 0 : i32
      %dma_start3A_390 = tpu.memref_slice %arg12[%add3A_372, %dma_start3A_389] : memref<160x128xi32, #tpu.memory_space<vmem>> -> memref<1x128xi32, #tpu.memory_space<vmem>>
      %dma_start3A_391 = tpu.memref_squeeze %dma_start3A_390 : memref<1x128xi32, #tpu.memory_space<vmem>> -> memref<128xi32, #tpu.memory_space<vmem>>
      %dma_start3A_392 = arith.constant 0 : i32
      %dma_start3A_393 = arith.constant 0 : i32
      %dma_start3A_394 = tpu.memref_slice %arg16[%dma_start3A_392, %dma_start3A_393] : memref<10008x64xbf16, #tpu.memory_space<vmem_shared>> -> memref<10008x64xbf16, #tpu.memory_space<vmem_shared>>
      tpu.enqueue_indirect_dma source(%dma_start3A_388 : memref<128x64xbf16, #tpu.memory_space<vmem>>) target(%dma_start3A_394 : memref<10008x64xbf16, #tpu.memory_space<vmem_shared>>) offsets(%dma_start3A_391 : memref<128xi32, #tpu.memory_space<vmem>>) semaphore(%arg30 : memref<!tpu.dma_semaphore, #tpu.memory_space<semaphore_mem>>) {add = true}
      %dma_start3A_395 = arith.constant 0 : i32
      %dma_start3A_396 = tpu.memref_slice %arg12[%add3A_372, %dma_start3A_395] : memref<160x128xi32, #tpu.memory_space<vmem>> -> memref<1x128xi32, #tpu.memory_space<vmem>>
      %dma_start3A_397 = tpu.memref_squeeze %dma_start3A_396 : memref<1x128xi32, #tpu.memory_space<vmem>> -> memref<128xi32, #tpu.memory_space<vmem>>
      %dma_start3A_398 = arith.constant 0 : i32
      %dma_start3A_399 = arith.constant 0 : i32
      %dma_start3A_400 = tpu.memref_slice %arg17[%dma_start3A_398, %dma_start3A_399] : memref<10008x32xbf16, #tpu.memory_space<vmem_shared>> -> memref<10008x32xbf16, #tpu.memory_space<vmem_shared>>
      tpu.enqueue_indirect_dma source(%arg14 : memref<128x32xbf16, #tpu.memory_space<vmem>>) target(%dma_start3A_400 : memref<10008x32xbf16, #tpu.memory_space<vmem_shared>>) offsets(%dma_start3A_397 : memref<128xi32, #tpu.memory_space<vmem>>) semaphore(%arg30 : memref<!tpu.dma_semaphore, #tpu.memory_space<semaphore_mem>>) {add = true}
      %add3A_401 = arith.constant 5 : i32
      %add3A_402 = arith.addi %mul3A_251, %add3A_401 : i32
      %dma_wait3A_403 = arith.constant 5 : i32
      %dma_wait3A_404 = arith.constant 0 : i32
      %dma_wait3A_405 = arith.constant 0 : i32
      %dma_wait3A_406 = tpu.memref_slice %arg13[%dma_wait3A_403, %dma_wait3A_404, %dma_wait3A_405] : memref<8x128x64xbf16, #tpu.memory_space<vmem>> -> memref<1x128x64xbf16, #tpu.memory_space<vmem>>
      %dma_wait3A_407 = tpu.memref_squeeze %dma_wait3A_406 : memref<1x128x64xbf16, #tpu.memory_space<vmem>> -> memref<128x64xbf16, #tpu.memory_space<vmem>>
      %dma_wait3A_408 = arith.constant 0 : i32
      %dma_wait3A_409 = tpu.memref_slice %arg11[%add3A_402, %dma_wait3A_408] : memref<160x128xi32, #tpu.memory_space<vmem>> -> memref<1x128xi32, #tpu.memory_space<vmem>>
      %dma_wait3A_410 = tpu.memref_squeeze %dma_wait3A_409 : memref<1x128xi32, #tpu.memory_space<vmem>> -> memref<128xi32, #tpu.memory_space<vmem>>
      %dma_wait3A_411 = arith.constant 0 : i32
      %dma_wait3A_412 = arith.constant 0 : i32
      %dma_wait3A_413 = tpu.memref_slice %arg15[%dma_wait3A_411, %dma_wait3A_412] : memref<10000x64xbf16, #tpu.memory_space<vmem_shared>> -> memref<10000x64xbf16, #tpu.memory_space<vmem_shared>>
      tpu.wait_indirect_dma semaphore(%arg23 : memref<!tpu.dma_semaphore, #tpu.memory_space<semaphore_mem>>) src(%dma_wait3A_413 : memref<10000x64xbf16, #tpu.memory_space<vmem_shared>>) dst(%dma_wait3A_407 : memref<128x64xbf16, #tpu.memory_space<vmem>>)
      %dma_start3A_414 = arith.constant 5 : i32
      %dma_start3A_415 = arith.constant 0 : i32
      %dma_start3A_416 = arith.constant 0 : i32
      %dma_start3A_417 = tpu.memref_slice %arg13[%dma_start3A_414, %dma_start3A_415, %dma_start3A_416] : memref<8x128x64xbf16, #tpu.memory_space<vmem>> -> memref<1x128x64xbf16, #tpu.memory_space<vmem>>
      %dma_start3A_418 = tpu.memref_squeeze %dma_start3A_417 : memref<1x128x64xbf16, #tpu.memory_space<vmem>> -> memref<128x64xbf16, #tpu.memory_space<vmem>>
      %dma_start3A_419 = arith.constant 0 : i32
      %dma_start3A_420 = tpu.memref_slice %arg12[%add3A_402, %dma_start3A_419] : memref<160x128xi32, #tpu.memory_space<vmem>> -> memref<1x128xi32, #tpu.memory_space<vmem>>
      %dma_start3A_421 = tpu.memref_squeeze %dma_start3A_420 : memref<1x128xi32, #tpu.memory_space<vmem>> -> memref<128xi32, #tpu.memory_space<vmem>>
      %dma_start3A_422 = arith.constant 0 : i32
      %dma_start3A_423 = arith.constant 0 : i32
      %dma_start3A_424 = tpu.memref_slice %arg16[%dma_start3A_422, %dma_start3A_423] : memref<10008x64xbf16, #tpu.memory_space<vmem_shared>> -> memref<10008x64xbf16, #tpu.memory_space<vmem_shared>>
      tpu.enqueue_indirect_dma source(%dma_start3A_418 : memref<128x64xbf16, #tpu.memory_space<vmem>>) target(%dma_start3A_424 : memref<10008x64xbf16, #tpu.memory_space<vmem_shared>>) offsets(%dma_start3A_421 : memref<128xi32, #tpu.memory_space<vmem>>) semaphore(%arg31 : memref<!tpu.dma_semaphore, #tpu.memory_space<semaphore_mem>>) {add = true}
      %dma_start3A_425 = arith.constant 0 : i32
      %dma_start3A_426 = tpu.memref_slice %arg12[%add3A_402, %dma_start3A_425] : memref<160x128xi32, #tpu.memory_space<vmem>> -> memref<1x128xi32, #tpu.memory_space<vmem>>
      %dma_start3A_427 = tpu.memref_squeeze %dma_start3A_426 : memref<1x128xi32, #tpu.memory_space<vmem>> -> memref<128xi32, #tpu.memory_space<vmem>>
      %dma_start3A_428 = arith.constant 0 : i32
      %dma_start3A_429 = arith.constant 0 : i32
      %dma_start3A_430 = tpu.memref_slice %arg17[%dma_start3A_428, %dma_start3A_429] : memref<10008x32xbf16, #tpu.memory_space<vmem_shared>> -> memref<10008x32xbf16, #tpu.memory_space<vmem_shared>>
      tpu.enqueue_indirect_dma source(%arg14 : memref<128x32xbf16, #tpu.memory_space<vmem>>) target(%dma_start3A_430 : memref<10008x32xbf16, #tpu.memory_space<vmem_shared>>) offsets(%dma_start3A_427 : memref<128xi32, #tpu.memory_space<vmem>>) semaphore(%arg31 : memref<!tpu.dma_semaphore, #tpu.memory_space<semaphore_mem>>) {add = true}
      %add3A_431 = arith.constant 6 : i32
      %add3A_432 = arith.addi %mul3A_251, %add3A_431 : i32
      %dma_wait3A_433 = arith.constant 6 : i32
      %dma_wait3A_434 = arith.constant 0 : i32
      %dma_wait3A_435 = arith.constant 0 : i32
      %dma_wait3A_436 = tpu.memref_slice %arg13[%dma_wait3A_433, %dma_wait3A_434, %dma_wait3A_435] : memref<8x128x64xbf16, #tpu.memory_space<vmem>> -> memref<1x128x64xbf16, #tpu.memory_space<vmem>>
      %dma_wait3A_437 = tpu.memref_squeeze %dma_wait3A_436 : memref<1x128x64xbf16, #tpu.memory_space<vmem>> -> memref<128x64xbf16, #tpu.memory_space<vmem>>
      %dma_wait3A_438 = arith.constant 0 : i32
      %dma_wait3A_439 = tpu.memref_slice %arg11[%add3A_432, %dma_wait3A_438] : memref<160x128xi32, #tpu.memory_space<vmem>> -> memref<1x128xi32, #tpu.memory_space<vmem>>
      %dma_wait3A_440 = tpu.memref_squeeze %dma_wait3A_439 : memref<1x128xi32, #tpu.memory_space<vmem>> -> memref<128xi32, #tpu.memory_space<vmem>>
      %dma_wait3A_441 = arith.constant 0 : i32
      %dma_wait3A_442 = arith.constant 0 : i32
      %dma_wait3A_443 = tpu.memref_slice %arg15[%dma_wait3A_441, %dma_wait3A_442] : memref<10000x64xbf16, #tpu.memory_space<vmem_shared>> -> memref<10000x64xbf16, #tpu.memory_space<vmem_shared>>
      tpu.wait_indirect_dma semaphore(%arg24 : memref<!tpu.dma_semaphore, #tpu.memory_space<semaphore_mem>>) src(%dma_wait3A_443 : memref<10000x64xbf16, #tpu.memory_space<vmem_shared>>) dst(%dma_wait3A_437 : memref<128x64xbf16, #tpu.memory_space<vmem>>)
      %dma_start3A_444 = arith.constant 6 : i32
      %dma_start3A_445 = arith.constant 0 : i32
      %dma_start3A_446 = arith.constant 0 : i32
      %dma_start3A_447 = tpu.memref_slice %arg13[%dma_start3A_444, %dma_start3A_445, %dma_start3A_446] : memref<8x128x64xbf16, #tpu.memory_space<vmem>> -> memref<1x128x64xbf16, #tpu.memory_space<vmem>>
      %dma_start3A_448 = tpu.memref_squeeze %dma_start3A_447 : memref<1x128x64xbf16, #tpu.memory_space<vmem>> -> memref<128x64xbf16, #tpu.memory_space<vmem>>
      %dma_start3A_449 = arith.constant 0 : i32
      %dma_start3A_450 = tpu.memref_slice %arg12[%add3A_432, %dma_start3A_449] : memref<160x128xi32, #tpu.memory_space<vmem>> -> memref<1x128xi32, #tpu.memory_space<vmem>>
      %dma_start3A_451 = tpu.memref_squeeze %dma_start3A_450 : memref<1x128xi32, #tpu.memory_space<vmem>> -> memref<128xi32, #tpu.memory_space<vmem>>
      %dma_start3A_452 = arith.constant 0 : i32
      %dma_start3A_453 = arith.constant 0 : i32
      %dma_start3A_454 = tpu.memref_slice %arg16[%dma_start3A_452, %dma_start3A_453] : memref<10008x64xbf16, #tpu.memory_space<vmem_shared>> -> memref<10008x64xbf16, #tpu.memory_space<vmem_shared>>
      tpu.enqueue_indirect_dma source(%dma_start3A_448 : memref<128x64xbf16, #tpu.memory_space<vmem>>) target(%dma_start3A_454 : memref<10008x64xbf16, #tpu.memory_space<vmem_shared>>) offsets(%dma_start3A_451 : memref<128xi32, #tpu.memory_space<vmem>>) semaphore(%arg32 : memref<!tpu.dma_semaphore, #tpu.memory_space<semaphore_mem>>) {add = true}
      %dma_start3A_455 = arith.constant 0 : i32
      %dma_start3A_456 = tpu.memref_slice %arg12[%add3A_432, %dma_start3A_455] : memref<160x128xi32, #tpu.memory_space<vmem>> -> memref<1x128xi32, #tpu.memory_space<vmem>>
      %dma_start3A_457 = tpu.memref_squeeze %dma_start3A_456 : memref<1x128xi32, #tpu.memory_space<vmem>> -> memref<128xi32, #tpu.memory_space<vmem>>
      %dma_start3A_458 = arith.constant 0 : i32
      %dma_start3A_459 = arith.constant 0 : i32
      %dma_start3A_460 = tpu.memref_slice %arg17[%dma_start3A_458, %dma_start3A_459] : memref<10008x32xbf16, #tpu.memory_space<vmem_shared>> -> memref<10008x32xbf16, #tpu.memory_space<vmem_shared>>
      tpu.enqueue_indirect_dma source(%arg14 : memref<128x32xbf16, #tpu.memory_space<vmem>>) target(%dma_start3A_460 : memref<10008x32xbf16, #tpu.memory_space<vmem_shared>>) offsets(%dma_start3A_457 : memref<128xi32, #tpu.memory_space<vmem>>) semaphore(%arg32 : memref<!tpu.dma_semaphore, #tpu.memory_space<semaphore_mem>>) {add = true}
      %add3A_461 = arith.constant 7 : i32
      %add3A_462 = arith.addi %mul3A_251, %add3A_461 : i32
      %dma_wait3A_463 = arith.constant 7 : i32
      %dma_wait3A_464 = arith.constant 0 : i32
      %dma_wait3A_465 = arith.constant 0 : i32
      %dma_wait3A_466 = tpu.memref_slice %arg13[%dma_wait3A_463, %dma_wait3A_464, %dma_wait3A_465] : memref<8x128x64xbf16, #tpu.memory_space<vmem>> -> memref<1x128x64xbf16, #tpu.memory_space<vmem>>
      %dma_wait3A_467 = tpu.memref_squeeze %dma_wait3A_466 : memref<1x128x64xbf16, #tpu.memory_space<vmem>> -> memref<128x64xbf16, #tpu.memory_space<vmem>>
      %dma_wait3A_468 = arith.constant 0 : i32
      %dma_wait3A_469 = tpu.memref_slice %arg11[%add3A_462, %dma_wait3A_468] : memref<160x128xi32, #tpu.memory_space<vmem>> -> memref<1x128xi32, #tpu.memory_space<vmem>>
      %dma_wait3A_470 = tpu.memref_squeeze %dma_wait3A_469 : memref<1x128xi32, #tpu.memory_space<vmem>> -> memref<128xi32, #tpu.memory_space<vmem>>
      %dma_wait3A_471 = arith.constant 0 : i32
      %dma_wait3A_472 = arith.constant 0 : i32
      %dma_wait3A_473 = tpu.memref_slice %arg15[%dma_wait3A_471, %dma_wait3A_472] : memref<10000x64xbf16, #tpu.memory_space<vmem_shared>> -> memref<10000x64xbf16, #tpu.memory_space<vmem_shared>>
      tpu.wait_indirect_dma semaphore(%arg25 : memref<!tpu.dma_semaphore, #tpu.memory_space<semaphore_mem>>) src(%dma_wait3A_473 : memref<10000x64xbf16, #tpu.memory_space<vmem_shared>>) dst(%dma_wait3A_467 : memref<128x64xbf16, #tpu.memory_space<vmem>>)
      %dma_start3A_474 = arith.constant 7 : i32
      %dma_start3A_475 = arith.constant 0 : i32
      %dma_start3A_476 = arith.constant 0 : i32
      %dma_start3A_477 = tpu.memref_slice %arg13[%dma_start3A_474, %dma_start3A_475, %dma_start3A_476] : memref<8x128x64xbf16, #tpu.memory_space<vmem>> -> memref<1x128x64xbf16, #tpu.memory_space<vmem>>
      %dma_start3A_478 = tpu.memref_squeeze %dma_start3A_477 : memref<1x128x64xbf16, #tpu.memory_space<vmem>> -> memref<128x64xbf16, #tpu.memory_space<vmem>>
      %dma_start3A_479 = arith.constant 0 : i32
      %dma_start3A_480 = tpu.memref_slice %arg12[%add3A_462, %dma_start3A_479] : memref<160x128xi32, #tpu.memory_space<vmem>> -> memref<1x128xi32, #tpu.memory_space<vmem>>
      %dma_start3A_481 = tpu.memref_squeeze %dma_start3A_480 : memref<1x128xi32, #tpu.memory_space<vmem>> -> memref<128xi32, #tpu.memory_space<vmem>>
      %dma_start3A_482 = arith.constant 0 : i32
      %dma_start3A_483 = arith.constant 0 : i32
      %dma_start3A_484 = tpu.memref_slice %arg16[%dma_start3A_482, %dma_start3A_483] : memref<10008x64xbf16, #tpu.memory_space<vmem_shared>> -> memref<10008x64xbf16, #tpu.memory_space<vmem_shared>>
      tpu.enqueue_indirect_dma source(%dma_start3A_478 : memref<128x64xbf16, #tpu.memory_space<vmem>>) target(%dma_start3A_484 : memref<10008x64xbf16, #tpu.memory_space<vmem_shared>>) offsets(%dma_start3A_481 : memref<128xi32, #tpu.memory_space<vmem>>) semaphore(%arg33 : memref<!tpu.dma_semaphore, #tpu.memory_space<semaphore_mem>>) {add = true}
      %dma_start3A_485 = arith.constant 0 : i32
      %dma_start3A_486 = tpu.memref_slice %arg12[%add3A_462, %dma_start3A_485] : memref<160x128xi32, #tpu.memory_space<vmem>> -> memref<1x128xi32, #tpu.memory_space<vmem>>
      %dma_start3A_487 = tpu.memref_squeeze %dma_start3A_486 : memref<1x128xi32, #tpu.memory_space<vmem>> -> memref<128xi32, #tpu.memory_space<vmem>>
      %dma_start3A_488 = arith.constant 0 : i32
      %dma_start3A_489 = arith.constant 0 : i32
      %dma_start3A_490 = tpu.memref_slice %arg17[%dma_start3A_488, %dma_start3A_489] : memref<10008x32xbf16, #tpu.memory_space<vmem_shared>> -> memref<10008x32xbf16, #tpu.memory_space<vmem_shared>>
      tpu.enqueue_indirect_dma source(%arg14 : memref<128x32xbf16, #tpu.memory_space<vmem>>) target(%dma_start3A_490 : memref<10008x32xbf16, #tpu.memory_space<vmem_shared>>) offsets(%dma_start3A_487 : memref<128xi32, #tpu.memory_space<vmem>>) semaphore(%arg33 : memref<!tpu.dma_semaphore, #tpu.memory_space<semaphore_mem>>) {add = true}
      %add3A_491 = arith.constant 0 : i32
      %add3A_492 = arith.addi %mul3A_251, %add3A_491 : i32
      %dma_wait3A_493 = arith.constant 0 : i32
      %dma_wait3A_494 = arith.constant 0 : i32
      %dma_wait3A_495 = arith.constant 0 : i32
      %dma_wait3A_496 = tpu.memref_slice %arg13[%dma_wait3A_493, %dma_wait3A_494, %dma_wait3A_495] : memref<8x128x64xbf16, #tpu.memory_space<vmem>> -> memref<1x128x64xbf16, #tpu.memory_space<vmem>>
      %dma_wait3A_497 = tpu.memref_squeeze %dma_wait3A_496 : memref<1x128x64xbf16, #tpu.memory_space<vmem>> -> memref<128x64xbf16, #tpu.memory_space<vmem>>
      %dma_wait3A_498 = arith.constant 0 : i32
      %dma_wait3A_499 = tpu.memref_slice %arg12[%add3A_492, %dma_wait3A_498] : memref<160x128xi32, #tpu.memory_space<vmem>> -> memref<1x128xi32, #tpu.memory_space<vmem>>
      %dma_wait3A_500 = tpu.memref_squeeze %dma_wait3A_499 : memref<1x128xi32, #tpu.memory_space<vmem>> -> memref<128xi32, #tpu.memory_space<vmem>>
      %dma_wait3A_501 = arith.constant 0 : i32
      %dma_wait3A_502 = arith.constant 0 : i32
      %dma_wait3A_503 = tpu.memref_slice %arg16[%dma_wait3A_501, %dma_wait3A_502] : memref<10008x64xbf16, #tpu.memory_space<vmem_shared>> -> memref<10008x64xbf16, #tpu.memory_space<vmem_shared>>
      tpu.wait_indirect_dma semaphore(%arg26 : memref<!tpu.dma_semaphore, #tpu.memory_space<semaphore_mem>>) src(%dma_wait3A_497 : memref<128x64xbf16, #tpu.memory_space<vmem>>) dst(%dma_wait3A_503 : memref<10008x64xbf16, #tpu.memory_space<vmem_shared>>)
      %dma_wait3A_504 = arith.constant 0 : i32
      %dma_wait3A_505 = tpu.memref_slice %arg12[%add3A_492, %dma_wait3A_504] : memref<160x128xi32, #tpu.memory_space<vmem>> -> memref<1x128xi32, #tpu.memory_space<vmem>>
      %dma_wait3A_506 = tpu.memref_squeeze %dma_wait3A_505 : memref<1x128xi32, #tpu.memory_space<vmem>> -> memref<128xi32, #tpu.memory_space<vmem>>
      %dma_wait3A_507 = arith.constant 0 : i32
      %dma_wait3A_508 = arith.constant 0 : i32
      %dma_wait3A_509 = tpu.memref_slice %arg17[%dma_wait3A_507, %dma_wait3A_508] : memref<10008x32xbf16, #tpu.memory_space<vmem_shared>> -> memref<10008x32xbf16, #tpu.memory_space<vmem_shared>>
      tpu.wait_indirect_dma semaphore(%arg26 : memref<!tpu.dma_semaphore, #tpu.memory_space<semaphore_mem>>) src(%arg14 : memref<128x32xbf16, #tpu.memory_space<vmem>>) dst(%dma_wait3A_509 : memref<10008x32xbf16, #tpu.memory_space<vmem_shared>>)
      %lt3A = arith.constant 19 : i32
      %lt3A_510 = arith.cmpi slt, %add3A_249, %lt3A : i32
      %convert_element_type3A_511 = arith.extui %lt3A_510 : i1 to i32
      %cond3A_512 = arith.constant 0 : i32
      %cond3A_513 = arith.cmpi ne, %convert_element_type3A_511, %cond3A_512 : i32
      scf.if %cond3A_513 {
        %add3A_682 = arith.constant 8 : i32
        %add3A_683 = arith.addi %mul3A_251, %add3A_682 : i32
        %add3A_684 = arith.constant 0 : i32
        %add3A_685 = arith.addi %add3A_683, %add3A_684 : i32
        %dma_start3A_686 = arith.constant 0 : i32
        %dma_start3A_687 = arith.constant 0 : i32
        %dma_start3A_688 = arith.constant 0 : i32
        %dma_start3A_689 = tpu.memref_slice %arg13[%dma_start3A_686, %dma_start3A_687, %dma_start3A_688] : memref<8x128x64xbf16, #tpu.memory_space<vmem>> -> memref<1x128x64xbf16, #tpu.memory_space<vmem>>
        %dma_start3A_690 = tpu.memref_squeeze %dma_start3A_689 : memref<1x128x64xbf16, #tpu.memory_space<vmem>> -> memref<128x64xbf16, #tpu.memory_space<vmem>>
        %dma_start3A_691 = arith.constant 0 : i32
        %dma_start3A_692 = tpu.memref_slice %arg11[%add3A_685, %dma_start3A_691] : memref<160x128xi32, #tpu.memory_space<vmem>> -> memref<1x128xi32, #tpu.memory_space<vmem>>
        %dma_start3A_693 = tpu.memref_squeeze %dma_start3A_692 : memref<1x128xi32, #tpu.memory_space<vmem>> -> memref<128xi32, #tpu.memory_space<vmem>>
        %dma_start3A_694 = arith.constant 0 : i32
        %dma_start3A_695 = arith.constant 0 : i32
        %dma_start3A_696 = tpu.memref_slice %arg15[%dma_start3A_694, %dma_start3A_695] : memref<10000x64xbf16, #tpu.memory_space<vmem_shared>> -> memref<10000x64xbf16, #tpu.memory_space<vmem_shared>>
        tpu.enqueue_indirect_dma source(%dma_start3A_696 : memref<10000x64xbf16, #tpu.memory_space<vmem_shared>>) target(%dma_start3A_690 : memref<128x64xbf16, #tpu.memory_space<vmem>>) offsets(%dma_start3A_693 : memref<128xi32, #tpu.memory_space<vmem>>) semaphore(%arg18 : memref<!tpu.dma_semaphore, #tpu.memory_space<semaphore_mem>>)
      } else {
      }
      %add3A_514 = arith.constant 1 : i32
      %add3A_515 = arith.addi %mul3A_251, %add3A_514 : i32
      %dma_wait3A_516 = arith.constant 1 : i32
      %dma_wait3A_517 = arith.constant 0 : i32
      %dma_wait3A_518 = arith.constant 0 : i32
      %dma_wait3A_519 = tpu.memref_slice %arg13[%dma_wait3A_516, %dma_wait3A_517, %dma_wait3A_518] : memref<8x128x64xbf16, #tpu.memory_space<vmem>> -> memref<1x128x64xbf16, #tpu.memory_space<vmem>>
      %dma_wait3A_520 = tpu.memref_squeeze %dma_wait3A_519 : memref<1x128x64xbf16, #tpu.memory_space<vmem>> -> memref<128x64xbf16, #tpu.memory_space<vmem>>
      %dma_wait3A_521 = arith.constant 0 : i32
      %dma_wait3A_522 = tpu.memref_slice %arg12[%add3A_515, %dma_wait3A_521] : memref<160x128xi32, #tpu.memory_space<vmem>> -> memref<1x128xi32, #tpu.memory_space<vmem>>
      %dma_wait3A_523 = tpu.memref_squeeze %dma_wait3A_522 : memref<1x128xi32, #tpu.memory_space<vmem>> -> memref<128xi32, #tpu.memory_space<vmem>>
      %dma_wait3A_524 = arith.constant 0 : i32
      %dma_wait3A_525 = arith.constant 0 : i32
      %dma_wait3A_526 = tpu.memref_slice %arg16[%dma_wait3A_524, %dma_wait3A_525] : memref<10008x64xbf16, #tpu.memory_space<vmem_shared>> -> memref<10008x64xbf16, #tpu.memory_space<vmem_shared>>
      tpu.wait_indirect_dma semaphore(%arg27 : memref<!tpu.dma_semaphore, #tpu.memory_space<semaphore_mem>>) src(%dma_wait3A_520 : memref<128x64xbf16, #tpu.memory_space<vmem>>) dst(%dma_wait3A_526 : memref<10008x64xbf16, #tpu.memory_space<vmem_shared>>)
      %dma_wait3A_527 = arith.constant 0 : i32
      %dma_wait3A_528 = tpu.memref_slice %arg12[%add3A_515, %dma_wait3A_527] : memref<160x128xi32, #tpu.memory_space<vmem>> -> memref<1x128xi32, #tpu.memory_space<vmem>>
      %dma_wait3A_529 = tpu.memref_squeeze %dma_wait3A_528 : memref<1x128xi32, #tpu.memory_space<vmem>> -> memref<128xi32, #tpu.memory_space<vmem>>
      %dma_wait3A_530 = arith.constant 0 : i32
      %dma_wait3A_531 = arith.constant 0 : i32
      %dma_wait3A_532 = tpu.memref_slice %arg17[%dma_wait3A_530, %dma_wait3A_531] : memref<10008x32xbf16, #tpu.memory_space<vmem_shared>> -> memref<10008x32xbf16, #tpu.memory_space<vmem_shared>>
      tpu.wait_indirect_dma semaphore(%arg27 : memref<!tpu.dma_semaphore, #tpu.memory_space<semaphore_mem>>) src(%arg14 : memref<128x32xbf16, #tpu.memory_space<vmem>>) dst(%dma_wait3A_532 : memref<10008x32xbf16, #tpu.memory_space<vmem_shared>>)
      %lt3A_533 = arith.constant 19 : i32
      %lt3A_534 = arith.cmpi slt, %add3A_249, %lt3A_533 : i32
      %convert_element_type3A_535 = arith.extui %lt3A_534 : i1 to i32
      %cond3A_536 = arith.constant 0 : i32
      %cond3A_537 = arith.cmpi ne, %convert_element_type3A_535, %cond3A_536 : i32
      scf.if %cond3A_537 {
        %add3A_682 = arith.constant 8 : i32
        %add3A_683 = arith.addi %mul3A_251, %add3A_682 : i32
        %add3A_684 = arith.constant 1 : i32
        %add3A_685 = arith.addi %add3A_683, %add3A_684 : i32
        %dma_start3A_686 = arith.constant 1 : i32
        %dma_start3A_687 = arith.constant 0 : i32
        %dma_start3A_688 = arith.constant 0 : i32
        %dma_start3A_689 = tpu.memref_slice %arg13[%dma_start3A_686, %dma_start3A_687, %dma_start3A_688] : memref<8x128x64xbf16, #tpu.memory_space<vmem>> -> memref<1x128x64xbf16, #tpu.memory_space<vmem>>
        %dma_start3A_690 = tpu.memref_squeeze %dma_start3A_689 : memref<1x128x64xbf16, #tpu.memory_space<vmem>> -> memref<128x64xbf16, #tpu.memory_space<vmem>>
        %dma_start3A_691 = arith.constant 0 : i32
        %dma_start3A_692 = tpu.memref_slice %arg11[%add3A_685, %dma_start3A_691] : memref<160x128xi32, #tpu.memory_space<vmem>> -> memref<1x128xi32, #tpu.memory_space<vmem>>
        %dma_start3A_693 = tpu.memref_squeeze %dma_start3A_692 : memref<1x128xi32, #tpu.memory_space<vmem>> -> memref<128xi32, #tpu.memory_space<vmem>>
        %dma_start3A_694 = arith.constant 0 : i32
        %dma_start3A_695 = arith.constant 0 : i32
        %dma_start3A_696 = tpu.memref_slice %arg15[%dma_start3A_694, %dma_start3A_695] : memref<10000x64xbf16, #tpu.memory_space<vmem_shared>> -> memref<10000x64xbf16, #tpu.memory_space<vmem_shared>>
        tpu.enqueue_indirect_dma source(%dma_start3A_696 : memref<10000x64xbf16, #tpu.memory_space<vmem_shared>>) target(%dma_start3A_690 : memref<128x64xbf16, #tpu.memory_space<vmem>>) offsets(%dma_start3A_693 : memref<128xi32, #tpu.memory_space<vmem>>) semaphore(%arg19 : memref<!tpu.dma_semaphore, #tpu.memory_space<semaphore_mem>>)
      } else {
      }
      %add3A_538 = arith.constant 2 : i32
      %add3A_539 = arith.addi %mul3A_251, %add3A_538 : i32
      %dma_wait3A_540 = arith.constant 2 : i32
      %dma_wait3A_541 = arith.constant 0 : i32
      %dma_wait3A_542 = arith.constant 0 : i32
      %dma_wait3A_543 = tpu.memref_slice %arg13[%dma_wait3A_540, %dma_wait3A_541, %dma_wait3A_542] : memref<8x128x64xbf16, #tpu.memory_space<vmem>> -> memref<1x128x64xbf16, #tpu.memory_space<vmem>>
      %dma_wait3A_544 = tpu.memref_squeeze %dma_wait3A_543 : memref<1x128x64xbf16, #tpu.memory_space<vmem>> -> memref<128x64xbf16, #tpu.memory_space<vmem>>
      %dma_wait3A_545 = arith.constant 0 : i32
      %dma_wait3A_546 = tpu.memref_slice %arg12[%add3A_539, %dma_wait3A_545] : memref<160x128xi32, #tpu.memory_space<vmem>> -> memref<1x128xi32, #tpu.memory_space<vmem>>
      %dma_wait3A_547 = tpu.memref_squeeze %dma_wait3A_546 : memref<1x128xi32, #tpu.memory_space<vmem>> -> memref<128xi32, #tpu.memory_space<vmem>>
      %dma_wait3A_548 = arith.constant 0 : i32
      %dma_wait3A_549 = arith.constant 0 : i32
      %dma_wait3A_550 = tpu.memref_slice %arg16[%dma_wait3A_548, %dma_wait3A_549] : memref<10008x64xbf16, #tpu.memory_space<vmem_shared>> -> memref<10008x64xbf16, #tpu.memory_space<vmem_shared>>
      tpu.wait_indirect_dma semaphore(%arg28 : memref<!tpu.dma_semaphore, #tpu.memory_space<semaphore_mem>>) src(%dma_wait3A_544 : memref<128x64xbf16, #tpu.memory_space<vmem>>) dst(%dma_wait3A_550 : memref<10008x64xbf16, #tpu.memory_space<vmem_shared>>)
      %dma_wait3A_551 = arith.constant 0 : i32
      %dma_wait3A_552 = tpu.memref_slice %arg12[%add3A_539, %dma_wait3A_551] : memref<160x128xi32, #tpu.memory_space<vmem>> -> memref<1x128xi32, #tpu.memory_space<vmem>>
      %dma_wait3A_553 = tpu.memref_squeeze %dma_wait3A_552 : memref<1x128xi32, #tpu.memory_space<vmem>> -> memref<128xi32, #tpu.memory_space<vmem>>
      %dma_wait3A_554 = arith.constant 0 : i32
      %dma_wait3A_555 = arith.constant 0 : i32
      %dma_wait3A_556 = tpu.memref_slice %arg17[%dma_wait3A_554, %dma_wait3A_555] : memref<10008x32xbf16, #tpu.memory_space<vmem_shared>> -> memref<10008x32xbf16, #tpu.memory_space<vmem_shared>>
      tpu.wait_indirect_dma semaphore(%arg28 : memref<!tpu.dma_semaphore, #tpu.memory_space<semaphore_mem>>) src(%arg14 : memref<128x32xbf16, #tpu.memory_space<vmem>>) dst(%dma_wait3A_556 : memref<10008x32xbf16, #tpu.memory_space<vmem_shared>>)
      %lt3A_557 = arith.constant 19 : i32
      %lt3A_558 = arith.cmpi slt, %add3A_249, %lt3A_557 : i32
      %convert_element_type3A_559 = arith.extui %lt3A_558 : i1 to i32
      %cond3A_560 = arith.constant 0 : i32
      %cond3A_561 = arith.cmpi ne, %convert_element_type3A_559, %cond3A_560 : i32
      scf.if %cond3A_561 {
        %add3A_682 = arith.constant 8 : i32
        %add3A_683 = arith.addi %mul3A_251, %add3A_682 : i32
        %add3A_684 = arith.constant 2 : i32
        %add3A_685 = arith.addi %add3A_683, %add3A_684 : i32
        %dma_start3A_686 = arith.constant 2 : i32
        %dma_start3A_687 = arith.constant 0 : i32
        %dma_start3A_688 = arith.constant 0 : i32
        %dma_start3A_689 = tpu.memref_slice %arg13[%dma_start3A_686, %dma_start3A_687, %dma_start3A_688] : memref<8x128x64xbf16, #tpu.memory_space<vmem>> -> memref<1x128x64xbf16, #tpu.memory_space<vmem>>
        %dma_start3A_690 = tpu.memref_squeeze %dma_start3A_689 : memref<1x128x64xbf16, #tpu.memory_space<vmem>> -> memref<128x64xbf16, #tpu.memory_space<vmem>>
        %dma_start3A_691 = arith.constant 0 : i32
        %dma_start3A_692 = tpu.memref_slice %arg11[%add3A_685, %dma_start3A_691] : memref<160x128xi32, #tpu.memory_space<vmem>> -> memref<1x128xi32, #tpu.memory_space<vmem>>
        %dma_start3A_693 = tpu.memref_squeeze %dma_start3A_692 : memref<1x128xi32, #tpu.memory_space<vmem>> -> memref<128xi32, #tpu.memory_space<vmem>>
        %dma_start3A_694 = arith.constant 0 : i32
        %dma_start3A_695 = arith.constant 0 : i32
        %dma_start3A_696 = tpu.memref_slice %arg15[%dma_start3A_694, %dma_start3A_695] : memref<10000x64xbf16, #tpu.memory_space<vmem_shared>> -> memref<10000x64xbf16, #tpu.memory_space<vmem_shared>>
        tpu.enqueue_indirect_dma source(%dma_start3A_696 : memref<10000x64xbf16, #tpu.memory_space<vmem_shared>>) target(%dma_start3A_690 : memref<128x64xbf16, #tpu.memory_space<vmem>>) offsets(%dma_start3A_693 : memref<128xi32, #tpu.memory_space<vmem>>) semaphore(%arg20 : memref<!tpu.dma_semaphore, #tpu.memory_space<semaphore_mem>>)
      } else {
      }
      %add3A_562 = arith.constant 3 : i32
      %add3A_563 = arith.addi %mul3A_251, %add3A_562 : i32
      %dma_wait3A_564 = arith.constant 3 : i32
      %dma_wait3A_565 = arith.constant 0 : i32
      %dma_wait3A_566 = arith.constant 0 : i32
      %dma_wait3A_567 = tpu.memref_slice %arg13[%dma_wait3A_564, %dma_wait3A_565, %dma_wait3A_566] : memref<8x128x64xbf16, #tpu.memory_space<vmem>> -> memref<1x128x64xbf16, #tpu.memory_space<vmem>>
      %dma_wait3A_568 = tpu.memref_squeeze %dma_wait3A_567 : memref<1x128x64xbf16, #tpu.memory_space<vmem>> -> memref<128x64xbf16, #tpu.memory_space<vmem>>
      %dma_wait3A_569 = arith.constant 0 : i32
      %dma_wait3A_570 = tpu.memref_slice %arg12[%add3A_563, %dma_wait3A_569] : memref<160x128xi32, #tpu.memory_space<vmem>> -> memref<1x128xi32, #tpu.memory_space<vmem>>
      %dma_wait3A_571 = tpu.memref_squeeze %dma_wait3A_570 : memref<1x128xi32, #tpu.memory_space<vmem>> -> memref<128xi32, #tpu.memory_space<vmem>>
      %dma_wait3A_572 = arith.constant 0 : i32
      %dma_wait3A_573 = arith.constant 0 : i32
      %dma_wait3A_574 = tpu.memref_slice %arg16[%dma_wait3A_572, %dma_wait3A_573] : memref<10008x64xbf16, #tpu.memory_space<vmem_shared>> -> memref<10008x64xbf16, #tpu.memory_space<vmem_shared>>
      tpu.wait_indirect_dma semaphore(%arg29 : memref<!tpu.dma_semaphore, #tpu.memory_space<semaphore_mem>>) src(%dma_wait3A_568 : memref<128x64xbf16, #tpu.memory_space<vmem>>) dst(%dma_wait3A_574 : memref<10008x64xbf16, #tpu.memory_space<vmem_shared>>)
      %dma_wait3A_575 = arith.constant 0 : i32
      %dma_wait3A_576 = tpu.memref_slice %arg12[%add3A_563, %dma_wait3A_575] : memref<160x128xi32, #tpu.memory_space<vmem>> -> memref<1x128xi32, #tpu.memory_space<vmem>>
      %dma_wait3A_577 = tpu.memref_squeeze %dma_wait3A_576 : memref<1x128xi32, #tpu.memory_space<vmem>> -> memref<128xi32, #tpu.memory_space<vmem>>
      %dma_wait3A_578 = arith.constant 0 : i32
      %dma_wait3A_579 = arith.constant 0 : i32
      %dma_wait3A_580 = tpu.memref_slice %arg17[%dma_wait3A_578, %dma_wait3A_579] : memref<10008x32xbf16, #tpu.memory_space<vmem_shared>> -> memref<10008x32xbf16, #tpu.memory_space<vmem_shared>>
      tpu.wait_indirect_dma semaphore(%arg29 : memref<!tpu.dma_semaphore, #tpu.memory_space<semaphore_mem>>) src(%arg14 : memref<128x32xbf16, #tpu.memory_space<vmem>>) dst(%dma_wait3A_580 : memref<10008x32xbf16, #tpu.memory_space<vmem_shared>>)
      %lt3A_581 = arith.constant 19 : i32
      %lt3A_582 = arith.cmpi slt, %add3A_249, %lt3A_581 : i32
      %convert_element_type3A_583 = arith.extui %lt3A_582 : i1 to i32
      %cond3A_584 = arith.constant 0 : i32
      %cond3A_585 = arith.cmpi ne, %convert_element_type3A_583, %cond3A_584 : i32
      scf.if %cond3A_585 {
        %add3A_682 = arith.constant 8 : i32
        %add3A_683 = arith.addi %mul3A_251, %add3A_682 : i32
        %add3A_684 = arith.constant 3 : i32
        %add3A_685 = arith.addi %add3A_683, %add3A_684 : i32
        %dma_start3A_686 = arith.constant 3 : i32
        %dma_start3A_687 = arith.constant 0 : i32
        %dma_start3A_688 = arith.constant 0 : i32
        %dma_start3A_689 = tpu.memref_slice %arg13[%dma_start3A_686, %dma_start3A_687, %dma_start3A_688] : memref<8x128x64xbf16, #tpu.memory_space<vmem>> -> memref<1x128x64xbf16, #tpu.memory_space<vmem>>
        %dma_start3A_690 = tpu.memref_squeeze %dma_start3A_689 : memref<1x128x64xbf16, #tpu.memory_space<vmem>> -> memref<128x64xbf16, #tpu.memory_space<vmem>>
        %dma_start3A_691 = arith.constant 0 : i32
        %dma_start3A_692 = tpu.memref_slice %arg11[%add3A_685, %dma_start3A_691] : memref<160x128xi32, #tpu.memory_space<vmem>> -> memref<1x128xi32, #tpu.memory_space<vmem>>
        %dma_start3A_693 = tpu.memref_squeeze %dma_start3A_692 : memref<1x128xi32, #tpu.memory_space<vmem>> -> memref<128xi32, #tpu.memory_space<vmem>>
        %dma_start3A_694 = arith.constant 0 : i32
        %dma_start3A_695 = arith.constant 0 : i32
        %dma_start3A_696 = tpu.memref_slice %arg15[%dma_start3A_694, %dma_start3A_695] : memref<10000x64xbf16, #tpu.memory_space<vmem_shared>> -> memref<10000x64xbf16, #tpu.memory_space<vmem_shared>>
        tpu.enqueue_indirect_dma source(%dma_start3A_696 : memref<10000x64xbf16, #tpu.memory_space<vmem_shared>>) target(%dma_start3A_690 : memref<128x64xbf16, #tpu.memory_space<vmem>>) offsets(%dma_start3A_693 : memref<128xi32, #tpu.memory_space<vmem>>) semaphore(%arg21 : memref<!tpu.dma_semaphore, #tpu.memory_space<semaphore_mem>>)
      } else {
      }
      %add3A_586 = arith.constant 4 : i32
      %add3A_587 = arith.addi %mul3A_251, %add3A_586 : i32
      %dma_wait3A_588 = arith.constant 4 : i32
      %dma_wait3A_589 = arith.constant 0 : i32
      %dma_wait3A_590 = arith.constant 0 : i32
      %dma_wait3A_591 = tpu.memref_slice %arg13[%dma_wait3A_588, %dma_wait3A_589, %dma_wait3A_590] : memref<8x128x64xbf16, #tpu.memory_space<vmem>> -> memref<1x128x64xbf16, #tpu.memory_space<vmem>>
      %dma_wait3A_592 = tpu.memref_squeeze %dma_wait3A_591 : memref<1x128x64xbf16, #tpu.memory_space<vmem>> -> memref<128x64xbf16, #tpu.memory_space<vmem>>
      %dma_wait3A_593 = arith.constant 0 : i32
      %dma_wait3A_594 = tpu.memref_slice %arg12[%add3A_587, %dma_wait3A_593] : memref<160x128xi32, #tpu.memory_space<vmem>> -> memref<1x128xi32, #tpu.memory_space<vmem>>
      %dma_wait3A_595 = tpu.memref_squeeze %dma_wait3A_594 : memref<1x128xi32, #tpu.memory_space<vmem>> -> memref<128xi32, #tpu.memory_space<vmem>>
      %dma_wait3A_596 = arith.constant 0 : i32
      %dma_wait3A_597 = arith.constant 0 : i32
      %dma_wait3A_598 = tpu.memref_slice %arg16[%dma_wait3A_596, %dma_wait3A_597] : memref<10008x64xbf16, #tpu.memory_space<vmem_shared>> -> memref<10008x64xbf16, #tpu.memory_space<vmem_shared>>
      tpu.wait_indirect_dma semaphore(%arg30 : memref<!tpu.dma_semaphore, #tpu.memory_space<semaphore_mem>>) src(%dma_wait3A_592 : memref<128x64xbf16, #tpu.memory_space<vmem>>) dst(%dma_wait3A_598 : memref<10008x64xbf16, #tpu.memory_space<vmem_shared>>)
      %dma_wait3A_599 = arith.constant 0 : i32
      %dma_wait3A_600 = tpu.memref_slice %arg12[%add3A_587, %dma_wait3A_599] : memref<160x128xi32, #tpu.memory_space<vmem>> -> memref<1x128xi32, #tpu.memory_space<vmem>>
      %dma_wait3A_601 = tpu.memref_squeeze %dma_wait3A_600 : memref<1x128xi32, #tpu.memory_space<vmem>> -> memref<128xi32, #tpu.memory_space<vmem>>
      %dma_wait3A_602 = arith.constant 0 : i32
      %dma_wait3A_603 = arith.constant 0 : i32
      %dma_wait3A_604 = tpu.memref_slice %arg17[%dma_wait3A_602, %dma_wait3A_603] : memref<10008x32xbf16, #tpu.memory_space<vmem_shared>> -> memref<10008x32xbf16, #tpu.memory_space<vmem_shared>>
      tpu.wait_indirect_dma semaphore(%arg30 : memref<!tpu.dma_semaphore, #tpu.memory_space<semaphore_mem>>) src(%arg14 : memref<128x32xbf16, #tpu.memory_space<vmem>>) dst(%dma_wait3A_604 : memref<10008x32xbf16, #tpu.memory_space<vmem_shared>>)
      %lt3A_605 = arith.constant 19 : i32
      %lt3A_606 = arith.cmpi slt, %add3A_249, %lt3A_605 : i32
      %convert_element_type3A_607 = arith.extui %lt3A_606 : i1 to i32
      %cond3A_608 = arith.constant 0 : i32
      %cond3A_609 = arith.cmpi ne, %convert_element_type3A_607, %cond3A_608 : i32
      scf.if %cond3A_609 {
        %add3A_682 = arith.constant 8 : i32
        %add3A_683 = arith.addi %mul3A_251, %add3A_682 : i32
        %add3A_684 = arith.constant 4 : i32
        %add3A_685 = arith.addi %add3A_683, %add3A_684 : i32
        %dma_start3A_686 = arith.constant 4 : i32
        %dma_start3A_687 = arith.constant 0 : i32
        %dma_start3A_688 = arith.constant 0 : i32
        %dma_start3A_689 = tpu.memref_slice %arg13[%dma_start3A_686, %dma_start3A_687, %dma_start3A_688] : memref<8x128x64xbf16, #tpu.memory_space<vmem>> -> memref<1x128x64xbf16, #tpu.memory_space<vmem>>
        %dma_start3A_690 = tpu.memref_squeeze %dma_start3A_689 : memref<1x128x64xbf16, #tpu.memory_space<vmem>> -> memref<128x64xbf16, #tpu.memory_space<vmem>>
        %dma_start3A_691 = arith.constant 0 : i32
        %dma_start3A_692 = tpu.memref_slice %arg11[%add3A_685, %dma_start3A_691] : memref<160x128xi32, #tpu.memory_space<vmem>> -> memref<1x128xi32, #tpu.memory_space<vmem>>
        %dma_start3A_693 = tpu.memref_squeeze %dma_start3A_692 : memref<1x128xi32, #tpu.memory_space<vmem>> -> memref<128xi32, #tpu.memory_space<vmem>>
        %dma_start3A_694 = arith.constant 0 : i32
        %dma_start3A_695 = arith.constant 0 : i32
        %dma_start3A_696 = tpu.memref_slice %arg15[%dma_start3A_694, %dma_start3A_695] : memref<10000x64xbf16, #tpu.memory_space<vmem_shared>> -> memref<10000x64xbf16, #tpu.memory_space<vmem_shared>>
        tpu.enqueue_indirect_dma source(%dma_start3A_696 : memref<10000x64xbf16, #tpu.memory_space<vmem_shared>>) target(%dma_start3A_690 : memref<128x64xbf16, #tpu.memory_space<vmem>>) offsets(%dma_start3A_693 : memref<128xi32, #tpu.memory_space<vmem>>) semaphore(%arg22 : memref<!tpu.dma_semaphore, #tpu.memory_space<semaphore_mem>>)
      } else {
      }
      %add3A_610 = arith.constant 5 : i32
      %add3A_611 = arith.addi %mul3A_251, %add3A_610 : i32
      %dma_wait3A_612 = arith.constant 5 : i32
      %dma_wait3A_613 = arith.constant 0 : i32
      %dma_wait3A_614 = arith.constant 0 : i32
      %dma_wait3A_615 = tpu.memref_slice %arg13[%dma_wait3A_612, %dma_wait3A_613, %dma_wait3A_614] : memref<8x128x64xbf16, #tpu.memory_space<vmem>> -> memref<1x128x64xbf16, #tpu.memory_space<vmem>>
      %dma_wait3A_616 = tpu.memref_squeeze %dma_wait3A_615 : memref<1x128x64xbf16, #tpu.memory_space<vmem>> -> memref<128x64xbf16, #tpu.memory_space<vmem>>
      %dma_wait3A_617 = arith.constant 0 : i32
      %dma_wait3A_618 = tpu.memref_slice %arg12[%add3A_611, %dma_wait3A_617] : memref<160x128xi32, #tpu.memory_space<vmem>> -> memref<1x128xi32, #tpu.memory_space<vmem>>
      %dma_wait3A_619 = tpu.memref_squeeze %dma_wait3A_618 : memref<1x128xi32, #tpu.memory_space<vmem>> -> memref<128xi32, #tpu.memory_space<vmem>>
      %dma_wait3A_620 = arith.constant 0 : i32
      %dma_wait3A_621 = arith.constant 0 : i32
      %dma_wait3A_622 = tpu.memref_slice %arg16[%dma_wait3A_620, %dma_wait3A_621] : memref<10008x64xbf16, #tpu.memory_space<vmem_shared>> -> memref<10008x64xbf16, #tpu.memory_space<vmem_shared>>
      tpu.wait_indirect_dma semaphore(%arg31 : memref<!tpu.dma_semaphore, #tpu.memory_space<semaphore_mem>>) src(%dma_wait3A_616 : memref<128x64xbf16, #tpu.memory_space<vmem>>) dst(%dma_wait3A_622 : memref<10008x64xbf16, #tpu.memory_space<vmem_shared>>)
      %dma_wait3A_623 = arith.constant 0 : i32
      %dma_wait3A_624 = tpu.memref_slice %arg12[%add3A_611, %dma_wait3A_623] : memref<160x128xi32, #tpu.memory_space<vmem>> -> memref<1x128xi32, #tpu.memory_space<vmem>>
      %dma_wait3A_625 = tpu.memref_squeeze %dma_wait3A_624 : memref<1x128xi32, #tpu.memory_space<vmem>> -> memref<128xi32, #tpu.memory_space<vmem>>
      %dma_wait3A_626 = arith.constant 0 : i32
      %dma_wait3A_627 = arith.constant 0 : i32
      %dma_wait3A_628 = tpu.memref_slice %arg17[%dma_wait3A_626, %dma_wait3A_627] : memref<10008x32xbf16, #tpu.memory_space<vmem_shared>> -> memref<10008x32xbf16, #tpu.memory_space<vmem_shared>>
      tpu.wait_indirect_dma semaphore(%arg31 : memref<!tpu.dma_semaphore, #tpu.memory_space<semaphore_mem>>) src(%arg14 : memref<128x32xbf16, #tpu.memory_space<vmem>>) dst(%dma_wait3A_628 : memref<10008x32xbf16, #tpu.memory_space<vmem_shared>>)
      %lt3A_629 = arith.constant 19 : i32
      %lt3A_630 = arith.cmpi slt, %add3A_249, %lt3A_629 : i32
      %convert_element_type3A_631 = arith.extui %lt3A_630 : i1 to i32
      %cond3A_632 = arith.constant 0 : i32
      %cond3A_633 = arith.cmpi ne, %convert_element_type3A_631, %cond3A_632 : i32
      scf.if %cond3A_633 {
        %add3A_682 = arith.constant 8 : i32
        %add3A_683 = arith.addi %mul3A_251, %add3A_682 : i32
        %add3A_684 = arith.constant 5 : i32
        %add3A_685 = arith.addi %add3A_683, %add3A_684 : i32
        %dma_start3A_686 = arith.constant 5 : i32
        %dma_start3A_687 = arith.constant 0 : i32
        %dma_start3A_688 = arith.constant 0 : i32
        %dma_start3A_689 = tpu.memref_slice %arg13[%dma_start3A_686, %dma_start3A_687, %dma_start3A_688] : memref<8x128x64xbf16, #tpu.memory_space<vmem>> -> memref<1x128x64xbf16, #tpu.memory_space<vmem>>
        %dma_start3A_690 = tpu.memref_squeeze %dma_start3A_689 : memref<1x128x64xbf16, #tpu.memory_space<vmem>> -> memref<128x64xbf16, #tpu.memory_space<vmem>>
        %dma_start3A_691 = arith.constant 0 : i32
        %dma_start3A_692 = tpu.memref_slice %arg11[%add3A_685, %dma_start3A_691] : memref<160x128xi32, #tpu.memory_space<vmem>> -> memref<1x128xi32, #tpu.memory_space<vmem>>
        %dma_start3A_693 = tpu.memref_squeeze %dma_start3A_692 : memref<1x128xi32, #tpu.memory_space<vmem>> -> memref<128xi32, #tpu.memory_space<vmem>>
        %dma_start3A_694 = arith.constant 0 : i32
        %dma_start3A_695 = arith.constant 0 : i32
        %dma_start3A_696 = tpu.memref_slice %arg15[%dma_start3A_694, %dma_start3A_695] : memref<10000x64xbf16, #tpu.memory_space<vmem_shared>> -> memref<10000x64xbf16, #tpu.memory_space<vmem_shared>>
        tpu.enqueue_indirect_dma source(%dma_start3A_696 : memref<10000x64xbf16, #tpu.memory_space<vmem_shared>>) target(%dma_start3A_690 : memref<128x64xbf16, #tpu.memory_space<vmem>>) offsets(%dma_start3A_693 : memref<128xi32, #tpu.memory_space<vmem>>) semaphore(%arg23 : memref<!tpu.dma_semaphore, #tpu.memory_space<semaphore_mem>>)
      } else {
      }
      %add3A_634 = arith.constant 6 : i32
      %add3A_635 = arith.addi %mul3A_251, %add3A_634 : i32
      %dma_wait3A_636 = arith.constant 6 : i32
      %dma_wait3A_637 = arith.constant 0 : i32
      %dma_wait3A_638 = arith.constant 0 : i32
      %dma_wait3A_639 = tpu.memref_slice %arg13[%dma_wait3A_636, %dma_wait3A_637, %dma_wait3A_638] : memref<8x128x64xbf16, #tpu.memory_space<vmem>> -> memref<1x128x64xbf16, #tpu.memory_space<vmem>>
      %dma_wait3A_640 = tpu.memref_squeeze %dma_wait3A_639 : memref<1x128x64xbf16, #tpu.memory_space<vmem>> -> memref<128x64xbf16, #tpu.memory_space<vmem>>
      %dma_wait3A_641 = arith.constant 0 : i32
      %dma_wait3A_642 = tpu.memref_slice %arg12[%add3A_635, %dma_wait3A_641] : memref<160x128xi32, #tpu.memory_space<vmem>> -> memref<1x128xi32, #tpu.memory_space<vmem>>
      %dma_wait3A_643 = tpu.memref_squeeze %dma_wait3A_642 : memref<1x128xi32, #tpu.memory_space<vmem>> -> memref<128xi32, #tpu.memory_space<vmem>>
      %dma_wait3A_644 = arith.constant 0 : i32
      %dma_wait3A_645 = arith.constant 0 : i32
      %dma_wait3A_646 = tpu.memref_slice %arg16[%dma_wait3A_644, %dma_wait3A_645] : memref<10008x64xbf16, #tpu.memory_space<vmem_shared>> -> memref<10008x64xbf16, #tpu.memory_space<vmem_shared>>
      tpu.wait_indirect_dma semaphore(%arg32 : memref<!tpu.dma_semaphore, #tpu.memory_space<semaphore_mem>>) src(%dma_wait3A_640 : memref<128x64xbf16, #tpu.memory_space<vmem>>) dst(%dma_wait3A_646 : memref<10008x64xbf16, #tpu.memory_space<vmem_shared>>)
      %dma_wait3A_647 = arith.constant 0 : i32
      %dma_wait3A_648 = tpu.memref_slice %arg12[%add3A_635, %dma_wait3A_647] : memref<160x128xi32, #tpu.memory_space<vmem>> -> memref<1x128xi32, #tpu.memory_space<vmem>>
      %dma_wait3A_649 = tpu.memref_squeeze %dma_wait3A_648 : memref<1x128xi32, #tpu.memory_space<vmem>> -> memref<128xi32, #tpu.memory_space<vmem>>
      %dma_wait3A_650 = arith.constant 0 : i32
      %dma_wait3A_651 = arith.constant 0 : i32
      %dma_wait3A_652 = tpu.memref_slice %arg17[%dma_wait3A_650, %dma_wait3A_651] : memref<10008x32xbf16, #tpu.memory_space<vmem_shared>> -> memref<10008x32xbf16, #tpu.memory_space<vmem_shared>>
      tpu.wait_indirect_dma semaphore(%arg32 : memref<!tpu.dma_semaphore, #tpu.memory_space<semaphore_mem>>) src(%arg14 : memref<128x32xbf16, #tpu.memory_space<vmem>>) dst(%dma_wait3A_652 : memref<10008x32xbf16, #tpu.memory_space<vmem_shared>>)
      %lt3A_653 = arith.constant 19 : i32
      %lt3A_654 = arith.cmpi slt, %add3A_249, %lt3A_653 : i32
      %convert_element_type3A_655 = arith.extui %lt3A_654 : i1 to i32
      %cond3A_656 = arith.constant 0 : i32
      %cond3A_657 = arith.cmpi ne, %convert_element_type3A_655, %cond3A_656 : i32
      scf.if %cond3A_657 {
        %add3A_682 = arith.constant 8 : i32
        %add3A_683 = arith.addi %mul3A_251, %add3A_682 : i32
        %add3A_684 = arith.constant 6 : i32
        %add3A_685 = arith.addi %add3A_683, %add3A_684 : i32
        %dma_start3A_686 = arith.constant 6 : i32
        %dma_start3A_687 = arith.constant 0 : i32
        %dma_start3A_688 = arith.constant 0 : i32
        %dma_start3A_689 = tpu.memref_slice %arg13[%dma_start3A_686, %dma_start3A_687, %dma_start3A_688] : memref<8x128x64xbf16, #tpu.memory_space<vmem>> -> memref<1x128x64xbf16, #tpu.memory_space<vmem>>
        %dma_start3A_690 = tpu.memref_squeeze %dma_start3A_689 : memref<1x128x64xbf16, #tpu.memory_space<vmem>> -> memref<128x64xbf16, #tpu.memory_space<vmem>>
        %dma_start3A_691 = arith.constant 0 : i32
        %dma_start3A_692 = tpu.memref_slice %arg11[%add3A_685, %dma_start3A_691] : memref<160x128xi32, #tpu.memory_space<vmem>> -> memref<1x128xi32, #tpu.memory_space<vmem>>
        %dma_start3A_693 = tpu.memref_squeeze %dma_start3A_692 : memref<1x128xi32, #tpu.memory_space<vmem>> -> memref<128xi32, #tpu.memory_space<vmem>>
        %dma_start3A_694 = arith.constant 0 : i32
        %dma_start3A_695 = arith.constant 0 : i32
        %dma_start3A_696 = tpu.memref_slice %arg15[%dma_start3A_694, %dma_start3A_695] : memref<10000x64xbf16, #tpu.memory_space<vmem_shared>> -> memref<10000x64xbf16, #tpu.memory_space<vmem_shared>>
        tpu.enqueue_indirect_dma source(%dma_start3A_696 : memref<10000x64xbf16, #tpu.memory_space<vmem_shared>>) target(%dma_start3A_690 : memref<128x64xbf16, #tpu.memory_space<vmem>>) offsets(%dma_start3A_693 : memref<128xi32, #tpu.memory_space<vmem>>) semaphore(%arg24 : memref<!tpu.dma_semaphore, #tpu.memory_space<semaphore_mem>>)
      } else {
      }
      %add3A_658 = arith.constant 7 : i32
      %add3A_659 = arith.addi %mul3A_251, %add3A_658 : i32
      %dma_wait3A_660 = arith.constant 7 : i32
      %dma_wait3A_661 = arith.constant 0 : i32
      %dma_wait3A_662 = arith.constant 0 : i32
      %dma_wait3A_663 = tpu.memref_slice %arg13[%dma_wait3A_660, %dma_wait3A_661, %dma_wait3A_662] : memref<8x128x64xbf16, #tpu.memory_space<vmem>> -> memref<1x128x64xbf16, #tpu.memory_space<vmem>>
      %dma_wait3A_664 = tpu.memref_squeeze %dma_wait3A_663 : memref<1x128x64xbf16, #tpu.memory_space<vmem>> -> memref<128x64xbf16, #tpu.memory_space<vmem>>
      %dma_wait3A_665 = arith.constant 0 : i32
      %dma_wait3A_666 = tpu.memref_slice %arg12[%add3A_659, %dma_wait3A_665] : memref<160x128xi32, #tpu.memory_space<vmem>> -> memref<1x128xi32, #tpu.memory_space<vmem>>
      %dma_wait3A_667 = tpu.memref_squeeze %dma_wait3A_666 : memref<1x128xi32, #tpu.memory_space<vmem>> -> memref<128xi32, #tpu.memory_space<vmem>>
      %dma_wait3A_668 = arith.constant 0 : i32
      %dma_wait3A_669 = arith.constant 0 : i32
      %dma_wait3A_670 = tpu.memref_slice %arg16[%dma_wait3A_668, %dma_wait3A_669] : memref<10008x64xbf16, #tpu.memory_space<vmem_shared>> -> memref<10008x64xbf16, #tpu.memory_space<vmem_shared>>
      tpu.wait_indirect_dma semaphore(%arg33 : memref<!tpu.dma_semaphore, #tpu.memory_space<semaphore_mem>>) src(%dma_wait3A_664 : memref<128x64xbf16, #tpu.memory_space<vmem>>) dst(%dma_wait3A_670 : memref<10008x64xbf16, #tpu.memory_space<vmem_shared>>)
      %dma_wait3A_671 = arith.constant 0 : i32
      %dma_wait3A_672 = tpu.memref_slice %arg12[%add3A_659, %dma_wait3A_671] : memref<160x128xi32, #tpu.memory_space<vmem>> -> memref<1x128xi32, #tpu.memory_space<vmem>>
      %dma_wait3A_673 = tpu.memref_squeeze %dma_wait3A_672 : memref<1x128xi32, #tpu.memory_space<vmem>> -> memref<128xi32, #tpu.memory_space<vmem>>
      %dma_wait3A_674 = arith.constant 0 : i32
      %dma_wait3A_675 = arith.constant 0 : i32
      %dma_wait3A_676 = tpu.memref_slice %arg17[%dma_wait3A_674, %dma_wait3A_675] : memref<10008x32xbf16, #tpu.memory_space<vmem_shared>> -> memref<10008x32xbf16, #tpu.memory_space<vmem_shared>>
      tpu.wait_indirect_dma semaphore(%arg33 : memref<!tpu.dma_semaphore, #tpu.memory_space<semaphore_mem>>) src(%arg14 : memref<128x32xbf16, #tpu.memory_space<vmem>>) dst(%dma_wait3A_676 : memref<10008x32xbf16, #tpu.memory_space<vmem_shared>>)
      %lt3A_677 = arith.constant 19 : i32
      %lt3A_678 = arith.cmpi slt, %add3A_249, %lt3A_677 : i32
      %convert_element_type3A_679 = arith.extui %lt3A_678 : i1 to i32
      %cond3A_680 = arith.constant 0 : i32
      %cond3A_681 = arith.cmpi ne, %convert_element_type3A_679, %cond3A_680 : i32
      scf.if %cond3A_681 {
        %add3A_682 = arith.constant 8 : i32
        %add3A_683 = arith.addi %mul3A_251, %add3A_682 : i32
        %add3A_684 = arith.constant 7 : i32
        %add3A_685 = arith.addi %add3A_683, %add3A_684 : i32
        %dma_start3A_686 = arith.constant 7 : i32
        %dma_start3A_687 = arith.constant 0 : i32
        %dma_start3A_688 = arith.constant 0 : i32
        %dma_start3A_689 = tpu.memref_slice %arg13[%dma_start3A_686, %dma_start3A_687, %dma_start3A_688] : memref<8x128x64xbf16, #tpu.memory_space<vmem>> -> memref<1x128x64xbf16, #tpu.memory_space<vmem>>
        %dma_start3A_690 = tpu.memref_squeeze %dma_start3A_689 : memref<1x128x64xbf16, #tpu.memory_space<vmem>> -> memref<128x64xbf16, #tpu.memory_space<vmem>>
        %dma_start3A_691 = arith.constant 0 : i32
        %dma_start3A_692 = tpu.memref_slice %arg11[%add3A_685, %dma_start3A_691] : memref<160x128xi32, #tpu.memory_space<vmem>> -> memref<1x128xi32, #tpu.memory_space<vmem>>
        %dma_start3A_693 = tpu.memref_squeeze %dma_start3A_692 : memref<1x128xi32, #tpu.memory_space<vmem>> -> memref<128xi32, #tpu.memory_space<vmem>>
        %dma_start3A_694 = arith.constant 0 : i32
        %dma_start3A_695 = arith.constant 0 : i32
        %dma_start3A_696 = tpu.memref_slice %arg15[%dma_start3A_694, %dma_start3A_695] : memref<10000x64xbf16, #tpu.memory_space<vmem_shared>> -> memref<10000x64xbf16, #tpu.memory_space<vmem_shared>>
        tpu.enqueue_indirect_dma source(%dma_start3A_696 : memref<10000x64xbf16, #tpu.memory_space<vmem_shared>>) target(%dma_start3A_690 : memref<128x64xbf16, #tpu.memory_space<vmem>>) offsets(%dma_start3A_693 : memref<128xi32, #tpu.memory_space<vmem>>) semaphore(%arg25 : memref<!tpu.dma_semaphore, #tpu.memory_space<semaphore_mem>>)
      } else {
      }
    }
    %scan3A_116 = arith.constant 20 : i32
    %barrier3A_117 = arith.constant 0 : index
    tpu.barrier barrier_id(%barrier3A_117)
    %eq3A_118 = arith.constant 0 : i32
    %eq3A_119 = arith.cmpi eq, %arg0, %eq3A_118 : i32
    %convert_element_type3A_120 = arith.extui %eq3A_119 : i1 to i32
    %cond3A_121 = arith.constant 0 : i32
    %cond3A_122 = arith.cmpi ne, %convert_element_type3A_120, %cond3A_121 : i32
    scf.if %cond3A_122 {
      %scan3A_246 = arith.constant 0 : i32
      %scan3A_247 = arith.constant 8 : i32
      %scan3A_248 = arith.addi %scan3A_246, %scan3A_247 : i32
      %scan3A_249 = arith.constant 1 : i32
      scf.for %scan3A_251 = %scan3A_246 to %scan3A_248 step %scan3A_249  : i32 {
        %mul3A_252 = arith.constant 1 : i32
        %mul3A_253 = arith.muli %scan3A_251, %mul3A_252 : i32
        %add3A = arith.constant 0 : i32
        %add3A_254 = arith.addi %add3A, %mul3A_253 : i32
        %mul3A_255 = arith.constant 8 : i32
        %mul3A_256 = arith.muli %arg1, %mul3A_255 : i32
        %add3A_257 = arith.addi %mul3A_256, %add3A_254 : i32
        %lt3A = arith.constant 125 : i32
        %lt3A_258 = arith.cmpi slt, %add3A_257, %lt3A : i32
        %convert_element_type3A_259 = arith.extui %lt3A_258 : i1 to i32
        %cond3A_260 = arith.constant 0 : i32
        %cond3A_261 = arith.cmpi ne, %convert_element_type3A_259, %cond3A_260 : i32
        scf.if %cond3A_261 {
          %mul3A_262 = arith.constant 80 : i32
          %mul3A_263 = arith.muli %add3A_257, %mul3A_262 : i32
          %multiple_of3A_264 = tpu.assume_multiple %mul3A_263, 8 : i32
          "tpu.region"() ({
            %run_scoped3A = tpu.sem_alloc : memref<!tpu.dma_semaphore, #tpu.memory_space<semaphore_mem>>
            %dma_start3A_265 = arith.constant 0 : i32
            %dma_start3A_266 = tpu.memref_slice %arg7[%multiple_of3A_264, %dma_start3A_265] : memref<10000x128xbf16, #tpu.memory_space<hbm>> -> memref<80x64xbf16, #tpu.memory_space<hbm>>
            %dma_start3A_267 = arith.constant 0 : i32
            %dma_start3A_268 = tpu.memref_slice %arg16[%multiple_of3A_264, %dma_start3A_267] : memref<10008x64xbf16, #tpu.memory_space<vmem_shared>> -> memref<80x64xbf16, #tpu.memory_space<vmem_shared>>
            tpu.enqueue_dma source(%dma_start3A_268 : memref<80x64xbf16, #tpu.memory_space<vmem_shared>>) target(%dma_start3A_266 : memref<80x64xbf16, #tpu.memory_space<hbm>>) target_semaphore(%run_scoped3A : memref<!tpu.dma_semaphore, #tpu.memory_space<semaphore_mem>>)
            %dma_wait3A = arith.constant 0 : i32
            %dma_wait3A_269 = tpu.memref_slice %arg7[%multiple_of3A_264, %dma_wait3A] : memref<10000x128xbf16, #tpu.memory_space<hbm>> -> memref<80x64xbf16, #tpu.memory_space<hbm>>
            %dma_wait3A_270 = arith.constant 0 : i32
            %dma_wait3A_271 = tpu.memref_slice %arg16[%multiple_of3A_264, %dma_wait3A_270] : memref<10008x64xbf16, #tpu.memory_space<vmem_shared>> -> memref<80x64xbf16, #tpu.memory_space<vmem_shared>>
            tpu.wait_dma2 semaphore(%run_scoped3A : memref<!tpu.dma_semaphore, #tpu.memory_space<semaphore_mem>>) src(%dma_wait3A_271 : memref<80x64xbf16, #tpu.memory_space<vmem_shared>>) dst(%dma_wait3A_269 : memref<80x64xbf16, #tpu.memory_space<hbm>>)
            tpu.yield
          }) : () -> ()
          "tpu.region"() ({
            %run_scoped3A = tpu.sem_alloc : memref<!tpu.dma_semaphore, #tpu.memory_space<semaphore_mem>>
            %dma_start3A_265 = arith.constant 0 : i32
            %dma_start3A_266 = tpu.memref_slice %arg8[%multiple_of3A_264, %dma_start3A_265] : memref<10000x32xbf16, #tpu.memory_space<hbm>> -> memref<80x32xbf16, #tpu.memory_space<hbm>>
            %dma_start3A_267 = arith.constant 0 : i32
            %dma_start3A_268 = tpu.memref_slice %arg17[%multiple_of3A_264, %dma_start3A_267] : memref<10008x32xbf16, #tpu.memory_space<vmem_shared>> -> memref<80x32xbf16, #tpu.memory_space<vmem_shared>>
            tpu.enqueue_dma source(%dma_start3A_268 : memref<80x32xbf16, #tpu.memory_space<vmem_shared>>) target(%dma_start3A_266 : memref<80x32xbf16, #tpu.memory_space<hbm>>) target_semaphore(%run_scoped3A : memref<!tpu.dma_semaphore, #tpu.memory_space<semaphore_mem>>)
            %dma_wait3A = arith.constant 0 : i32
            %dma_wait3A_269 = tpu.memref_slice %arg8[%multiple_of3A_264, %dma_wait3A] : memref<10000x32xbf16, #tpu.memory_space<hbm>> -> memref<80x32xbf16, #tpu.memory_space<hbm>>
            %dma_wait3A_270 = arith.constant 0 : i32
            %dma_wait3A_271 = tpu.memref_slice %arg17[%multiple_of3A_264, %dma_wait3A_270] : memref<10008x32xbf16, #tpu.memory_space<vmem_shared>> -> memref<80x32xbf16, #tpu.memory_space<vmem_shared>>
            tpu.wait_dma2 semaphore(%run_scoped3A : memref<!tpu.dma_semaphore, #tpu.memory_space<semaphore_mem>>) src(%dma_wait3A_271 : memref<80x32xbf16, #tpu.memory_space<vmem_shared>>) dst(%dma_wait3A_269 : memref<80x32xbf16, #tpu.memory_space<hbm>>)
            tpu.yield
          }) : () -> ()
        } else {
        }
      }
      %scan3A_250 = arith.constant 8 : i32
    } else {
    }
    %eq3A_123 = arith.constant 1 : i32
    %eq3A_124 = arith.cmpi eq, %arg0, %eq3A_123 : i32
    %convert_element_type3A_125 = arith.extui %eq3A_124 : i1 to i32
    %cond3A_126 = arith.constant 0 : i32
    %cond3A_127 = arith.cmpi ne, %convert_element_type3A_125, %cond3A_126 : i32
    scf.if %cond3A_127 {
      %scan3A_246 = arith.constant 0 : i32
      %scan3A_247 = arith.constant 8 : i32
      %scan3A_248 = arith.addi %scan3A_246, %scan3A_247 : i32
      %scan3A_249 = arith.constant 1 : i32
      scf.for %scan3A_251 = %scan3A_246 to %scan3A_248 step %scan3A_249  : i32 {
        %mul3A_252 = arith.constant 1 : i32
        %mul3A_253 = arith.muli %scan3A_251, %mul3A_252 : i32
        %add3A = arith.constant 0 : i32
        %add3A_254 = arith.addi %add3A, %mul3A_253 : i32
        %mul3A_255 = arith.constant 8 : i32
        %mul3A_256 = arith.muli %arg1, %mul3A_255 : i32
        %add3A_257 = arith.addi %mul3A_256, %add3A_254 : i32
        %lt3A = arith.constant 125 : i32
        %lt3A_258 = arith.cmpi slt, %add3A_257, %lt3A : i32
        %convert_element_type3A_259 = arith.extui %lt3A_258 : i1 to i32
        %cond3A_260 = arith.constant 0 : i32
        %cond3A_261 = arith.cmpi ne, %convert_element_type3A_259, %cond3A_260 : i32
        scf.if %cond3A_261 {
          %mul3A_262 = arith.constant 80 : i32
          %mul3A_263 = arith.muli %add3A_257, %mul3A_262 : i32
          %multiple_of3A_264 = tpu.assume_multiple %mul3A_263, 8 : i32
          "tpu.region"() ({
            %run_scoped3A = tpu.sem_alloc : memref<!tpu.dma_semaphore, #tpu.memory_space<semaphore_mem>>
            %dma_start3A_265 = arith.constant 0 : i32
            %dma_start3A_266 = tpu.memref_slice %arg9[%multiple_of3A_264, %dma_start3A_265] : memref<10000x128xbf16, #tpu.memory_space<hbm>> -> memref<80x64xbf16, #tpu.memory_space<hbm>>
            %dma_start3A_267 = arith.constant 0 : i32
            %dma_start3A_268 = tpu.memref_slice %arg16[%multiple_of3A_264, %dma_start3A_267] : memref<10008x64xbf16, #tpu.memory_space<vmem_shared>> -> memref<80x64xbf16, #tpu.memory_space<vmem_shared>>
            tpu.enqueue_dma source(%dma_start3A_268 : memref<80x64xbf16, #tpu.memory_space<vmem_shared>>) target(%dma_start3A_266 : memref<80x64xbf16, #tpu.memory_space<hbm>>) target_semaphore(%run_scoped3A : memref<!tpu.dma_semaphore, #tpu.memory_space<semaphore_mem>>)
            %dma_wait3A = arith.constant 0 : i32
            %dma_wait3A_269 = tpu.memref_slice %arg9[%multiple_of3A_264, %dma_wait3A] : memref<10000x128xbf16, #tpu.memory_space<hbm>> -> memref<80x64xbf16, #tpu.memory_space<hbm>>
            %dma_wait3A_270 = arith.constant 0 : i32
            %dma_wait3A_271 = tpu.memref_slice %arg16[%multiple_of3A_264, %dma_wait3A_270] : memref<10008x64xbf16, #tpu.memory_space<vmem_shared>> -> memref<80x64xbf16, #tpu.memory_space<vmem_shared>>
            tpu.wait_dma2 semaphore(%run_scoped3A : memref<!tpu.dma_semaphore, #tpu.memory_space<semaphore_mem>>) src(%dma_wait3A_271 : memref<80x64xbf16, #tpu.memory_space<vmem_shared>>) dst(%dma_wait3A_269 : memref<80x64xbf16, #tpu.memory_space<hbm>>)
            tpu.yield
          }) : () -> ()
          "tpu.region"() ({
            %run_scoped3A = tpu.sem_alloc : memref<!tpu.dma_semaphore, #tpu.memory_space<semaphore_mem>>
            %dma_start3A_265 = arith.constant 0 : i32
            %dma_start3A_266 = tpu.memref_slice %arg10[%multiple_of3A_264, %dma_start3A_265] : memref<10000x32xbf16, #tpu.memory_space<hbm>> -> memref<80x32xbf16, #tpu.memory_space<hbm>>
            %dma_start3A_267 = arith.constant 0 : i32
            %dma_start3A_268 = tpu.memref_slice %arg17[%multiple_of3A_264, %dma_start3A_267] : memref<10008x32xbf16, #tpu.memory_space<vmem_shared>> -> memref<80x32xbf16, #tpu.memory_space<vmem_shared>>
            tpu.enqueue_dma source(%dma_start3A_268 : memref<80x32xbf16, #tpu.memory_space<vmem_shared>>) target(%dma_start3A_266 : memref<80x32xbf16, #tpu.memory_space<hbm>>) target_semaphore(%run_scoped3A : memref<!tpu.dma_semaphore, #tpu.memory_space<semaphore_mem>>)
            %dma_wait3A = arith.constant 0 : i32
            %dma_wait3A_269 = tpu.memref_slice %arg10[%multiple_of3A_264, %dma_wait3A] : memref<10000x32xbf16, #tpu.memory_space<hbm>> -> memref<80x32xbf16, #tpu.memory_space<hbm>>
            %dma_wait3A_270 = arith.constant 0 : i32
            %dma_wait3A_271 = tpu.memref_slice %arg17[%multiple_of3A_264, %dma_wait3A_270] : memref<10008x32xbf16, #tpu.memory_space<vmem_shared>> -> memref<80x32xbf16, #tpu.memory_space<vmem_shared>>
            tpu.wait_dma2 semaphore(%run_scoped3A : memref<!tpu.dma_semaphore, #tpu.memory_space<semaphore_mem>>) src(%dma_wait3A_271 : memref<80x32xbf16, #tpu.memory_space<vmem_shared>>) dst(%dma_wait3A_269 : memref<80x32xbf16, #tpu.memory_space<hbm>>)
            tpu.yield
          }) : () -> ()
        } else {
        }
      }
      %scan3A_250 = arith.constant 8 : i32
    } else {
    }
    %scan3A_128 = arith.constant 0 : i32
    %scan3A_129 = arith.constant 8 : i32
    %scan3A_130 = arith.addi %scan3A_128, %scan3A_129 : i32
    %scan3A_131 = arith.constant 1 : i32
    scf.for %scan3A_246 = %scan3A_128 to %scan3A_130 step %scan3A_131  : i32 {
      %mul3A_247 = arith.constant 1 : i32
      %mul3A_248 = arith.muli %scan3A_246, %mul3A_247 : i32
      %add3A = arith.constant 0 : i32
      %add3A_249 = arith.addi %add3A, %mul3A_248 : i32
      %mul3A_250 = arith.constant 8 : i32
      %mul3A_251 = arith.muli %arg1, %mul3A_250 : i32
      %add3A_252 = arith.addi %mul3A_251, %add3A_249 : i32
      %lt3A = arith.constant 125 : i32
      %lt3A_253 = arith.cmpi slt, %add3A_252, %lt3A : i32
      %convert_element_type3A_254 = arith.extui %lt3A_253 : i1 to i32
      %cond3A_255 = arith.constant 0 : i32
      %cond3A_256 = arith.cmpi ne, %convert_element_type3A_254, %cond3A_255 : i32
      scf.if %cond3A_256 {
        %mul3A_257 = arith.constant 80 : i32
        %mul3A_258 = arith.muli %add3A_252, %mul3A_257 : i32
        %multiple_of3A_259 = tpu.assume_multiple %mul3A_258, 8 : i32
        "tpu.region"() ({
          %run_scoped3A = tpu.sem_alloc : memref<!tpu.dma_semaphore, #tpu.memory_space<semaphore_mem>>
          %dma_start3A_260 = arith.constant 0 : i32
          %dma_start3A_261 = tpu.memref_slice %arg15[%multiple_of3A_259, %dma_start3A_260] : memref<10000x64xbf16, #tpu.memory_space<vmem_shared>> -> memref<80x64xbf16, #tpu.memory_space<vmem_shared>>
          %dma_start3A_262 = arith.constant 64 : i32
          %dma_start3A_263 = tpu.memref_slice %arg2[%multiple_of3A_259, %dma_start3A_262] : memref<10000x128xbf16, #tpu.memory_space<hbm>> -> memref<80x64xbf16, #tpu.memory_space<hbm>>
          tpu.enqueue_dma source(%dma_start3A_263 : memref<80x64xbf16, #tpu.memory_space<hbm>>) target(%dma_start3A_261 : memref<80x64xbf16, #tpu.memory_space<vmem_shared>>) target_semaphore(%run_scoped3A : memref<!tpu.dma_semaphore, #tpu.memory_space<semaphore_mem>>)
          %dma_wait3A = arith.constant 0 : i32
          %dma_wait3A_264 = tpu.memref_slice %arg15[%multiple_of3A_259, %dma_wait3A] : memref<10000x64xbf16, #tpu.memory_space<vmem_shared>> -> memref<80x64xbf16, #tpu.memory_space<vmem_shared>>
          %dma_wait3A_265 = arith.constant 64 : i32
          %dma_wait3A_266 = tpu.memref_slice %arg2[%multiple_of3A_259, %dma_wait3A_265] : memref<10000x128xbf16, #tpu.memory_space<hbm>> -> memref<80x64xbf16, #tpu.memory_space<hbm>>
          tpu.wait_dma2 semaphore(%run_scoped3A : memref<!tpu.dma_semaphore, #tpu.memory_space<semaphore_mem>>) src(%dma_wait3A_266 : memref<80x64xbf16, #tpu.memory_space<hbm>>) dst(%dma_wait3A_264 : memref<80x64xbf16, #tpu.memory_space<vmem_shared>>)
          tpu.yield
        }) : () -> ()
        "tpu.region"() ({
          %run_scoped3A = tpu.sem_alloc : memref<!tpu.dma_semaphore, #tpu.memory_space<semaphore_mem>>
          %dma_start3A_260 = arith.constant 0 : i32
          %dma_start3A_261 = tpu.memref_slice %arg16[%multiple_of3A_259, %dma_start3A_260] : memref<10008x64xbf16, #tpu.memory_space<vmem_shared>> -> memref<80x64xbf16, #tpu.memory_space<vmem_shared>>
          %dma_start3A_262 = arith.constant 0 : i32
          %dma_start3A_263 = tpu.memref_slice %arg15[%multiple_of3A_259, %dma_start3A_262] : memref<10000x64xbf16, #tpu.memory_space<vmem_shared>> -> memref<80x64xbf16, #tpu.memory_space<vmem_shared>>
          tpu.enqueue_dma source(%dma_start3A_263 : memref<80x64xbf16, #tpu.memory_space<vmem_shared>>) target(%dma_start3A_261 : memref<80x64xbf16, #tpu.memory_space<vmem_shared>>) target_semaphore(%run_scoped3A : memref<!tpu.dma_semaphore, #tpu.memory_space<semaphore_mem>>)
          %dma_wait3A = arith.constant 0 : i32
          %dma_wait3A_264 = tpu.memref_slice %arg16[%multiple_of3A_259, %dma_wait3A] : memref<10008x64xbf16, #tpu.memory_space<vmem_shared>> -> memref<80x64xbf16, #tpu.memory_space<vmem_shared>>
          %dma_wait3A_265 = arith.constant 0 : i32
          %dma_wait3A_266 = tpu.memref_slice %arg15[%multiple_of3A_259, %dma_wait3A_265] : memref<10000x64xbf16, #tpu.memory_space<vmem_shared>> -> memref<80x64xbf16, #tpu.memory_space<vmem_shared>>
          tpu.wait_dma2 semaphore(%run_scoped3A : memref<!tpu.dma_semaphore, #tpu.memory_space<semaphore_mem>>) src(%dma_wait3A_266 : memref<80x64xbf16, #tpu.memory_space<vmem_shared>>) dst(%dma_wait3A_264 : memref<80x64xbf16, #tpu.memory_space<vmem_shared>>)
          tpu.yield
        }) : () -> ()
      } else {
      }
    }
    %scan3A_132 = arith.constant 8 : i32
    %barrier3A_133 = arith.constant 0 : index
    tpu.barrier barrier_id(%barrier3A_133)
    %dma_start3A_134 = arith.constant 0 : i32
    %dma_start3A_135 = arith.constant 0 : i32
    %dma_start3A_136 = arith.constant 0 : i32
    %dma_start3A_137 = arith.constant 0 : i32
    %dma_start3A_138 = tpu.memref_slice %arg13[%dma_start3A_135, %dma_start3A_136, %dma_start3A_137] : memref<8x128x64xbf16, #tpu.memory_space<vmem>> -> memref<1x128x64xbf16, #tpu.memory_space<vmem>>
    %dma_start3A_139 = tpu.memref_squeeze %dma_start3A_138 : memref<1x128x64xbf16, #tpu.memory_space<vmem>> -> memref<128x64xbf16, #tpu.memory_space<vmem>>
    %dma_start3A_140 = arith.constant 0 : i32
    %dma_start3A_141 = tpu.memref_slice %arg11[%dma_start3A_134, %dma_start3A_140] : memref<160x128xi32, #tpu.memory_space<vmem>> -> memref<1x128xi32, #tpu.memory_space<vmem>>
    %dma_start3A_142 = tpu.memref_squeeze %dma_start3A_141 : memref<1x128xi32, #tpu.memory_space<vmem>> -> memref<128xi32, #tpu.memory_space<vmem>>
    %dma_start3A_143 = arith.constant 0 : i32
    %dma_start3A_144 = arith.constant 0 : i32
    %dma_start3A_145 = tpu.memref_slice %arg15[%dma_start3A_143, %dma_start3A_144] : memref<10000x64xbf16, #tpu.memory_space<vmem_shared>> -> memref<10000x64xbf16, #tpu.memory_space<vmem_shared>>
    tpu.enqueue_indirect_dma source(%dma_start3A_145 : memref<10000x64xbf16, #tpu.memory_space<vmem_shared>>) target(%dma_start3A_139 : memref<128x64xbf16, #tpu.memory_space<vmem>>) offsets(%dma_start3A_142 : memref<128xi32, #tpu.memory_space<vmem>>) semaphore(%arg18 : memref<!tpu.dma_semaphore, #tpu.memory_space<semaphore_mem>>)
    %dma_start3A_146 = arith.constant 1 : i32
    %dma_start3A_147 = arith.constant 1 : i32
    %dma_start3A_148 = arith.constant 0 : i32
    %dma_start3A_149 = arith.constant 0 : i32
    %dma_start3A_150 = tpu.memref_slice %arg13[%dma_start3A_147, %dma_start3A_148, %dma_start3A_149] : memref<8x128x64xbf16, #tpu.memory_space<vmem>> -> memref<1x128x64xbf16, #tpu.memory_space<vmem>>
    %dma_start3A_151 = tpu.memref_squeeze %dma_start3A_150 : memref<1x128x64xbf16, #tpu.memory_space<vmem>> -> memref<128x64xbf16, #tpu.memory_space<vmem>>
    %dma_start3A_152 = arith.constant 0 : i32
    %dma_start3A_153 = tpu.memref_slice %arg11[%dma_start3A_146, %dma_start3A_152] : memref<160x128xi32, #tpu.memory_space<vmem>> -> memref<1x128xi32, #tpu.memory_space<vmem>>
    %dma_start3A_154 = tpu.memref_squeeze %dma_start3A_153 : memref<1x128xi32, #tpu.memory_space<vmem>> -> memref<128xi32, #tpu.memory_space<vmem>>
    %dma_start3A_155 = arith.constant 0 : i32
    %dma_start3A_156 = arith.constant 0 : i32
    %dma_start3A_157 = tpu.memref_slice %arg15[%dma_start3A_155, %dma_start3A_156] : memref<10000x64xbf16, #tpu.memory_space<vmem_shared>> -> memref<10000x64xbf16, #tpu.memory_space<vmem_shared>>
    tpu.enqueue_indirect_dma source(%dma_start3A_157 : memref<10000x64xbf16, #tpu.memory_space<vmem_shared>>) target(%dma_start3A_151 : memref<128x64xbf16, #tpu.memory_space<vmem>>) offsets(%dma_start3A_154 : memref<128xi32, #tpu.memory_space<vmem>>) semaphore(%arg19 : memref<!tpu.dma_semaphore, #tpu.memory_space<semaphore_mem>>)
    %dma_start3A_158 = arith.constant 2 : i32
    %dma_start3A_159 = arith.constant 2 : i32
    %dma_start3A_160 = arith.constant 0 : i32
    %dma_start3A_161 = arith.constant 0 : i32
    %dma_start3A_162 = tpu.memref_slice %arg13[%dma_start3A_159, %dma_start3A_160, %dma_start3A_161] : memref<8x128x64xbf16, #tpu.memory_space<vmem>> -> memref<1x128x64xbf16, #tpu.memory_space<vmem>>
    %dma_start3A_163 = tpu.memref_squeeze %dma_start3A_162 : memref<1x128x64xbf16, #tpu.memory_space<vmem>> -> memref<128x64xbf16, #tpu.memory_space<vmem>>
    %dma_start3A_164 = arith.constant 0 : i32
    %dma_start3A_165 = tpu.memref_slice %arg11[%dma_start3A_158, %dma_start3A_164] : memref<160x128xi32, #tpu.memory_space<vmem>> -> memref<1x128xi32, #tpu.memory_space<vmem>>
    %dma_start3A_166 = tpu.memref_squeeze %dma_start3A_165 : memref<1x128xi32, #tpu.memory_space<vmem>> -> memref<128xi32, #tpu.memory_space<vmem>>
    %dma_start3A_167 = arith.constant 0 : i32
    %dma_start3A_168 = arith.constant 0 : i32
    %dma_start3A_169 = tpu.memref_slice %arg15[%dma_start3A_167, %dma_start3A_168] : memref<10000x64xbf16, #tpu.memory_space<vmem_shared>> -> memref<10000x64xbf16, #tpu.memory_space<vmem_shared>>
    tpu.enqueue_indirect_dma source(%dma_start3A_169 : memref<10000x64xbf16, #tpu.memory_space<vmem_shared>>) target(%dma_start3A_163 : memref<128x64xbf16, #tpu.memory_space<vmem>>) offsets(%dma_start3A_166 : memref<128xi32, #tpu.memory_space<vmem>>) semaphore(%arg20 : memref<!tpu.dma_semaphore, #tpu.memory_space<semaphore_mem>>)
    %dma_start3A_170 = arith.constant 3 : i32
    %dma_start3A_171 = arith.constant 3 : i32
    %dma_start3A_172 = arith.constant 0 : i32
    %dma_start3A_173 = arith.constant 0 : i32
    %dma_start3A_174 = tpu.memref_slice %arg13[%dma_start3A_171, %dma_start3A_172, %dma_start3A_173] : memref<8x128x64xbf16, #tpu.memory_space<vmem>> -> memref<1x128x64xbf16, #tpu.memory_space<vmem>>
    %dma_start3A_175 = tpu.memref_squeeze %dma_start3A_174 : memref<1x128x64xbf16, #tpu.memory_space<vmem>> -> memref<128x64xbf16, #tpu.memory_space<vmem>>
    %dma_start3A_176 = arith.constant 0 : i32
    %dma_start3A_177 = tpu.memref_slice %arg11[%dma_start3A_170, %dma_start3A_176] : memref<160x128xi32, #tpu.memory_space<vmem>> -> memref<1x128xi32, #tpu.memory_space<vmem>>
    %dma_start3A_178 = tpu.memref_squeeze %dma_start3A_177 : memref<1x128xi32, #tpu.memory_space<vmem>> -> memref<128xi32, #tpu.memory_space<vmem>>
    %dma_start3A_179 = arith.constant 0 : i32
    %dma_start3A_180 = arith.constant 0 : i32
    %dma_start3A_181 = tpu.memref_slice %arg15[%dma_start3A_179, %dma_start3A_180] : memref<10000x64xbf16, #tpu.memory_space<vmem_shared>> -> memref<10000x64xbf16, #tpu.memory_space<vmem_shared>>
    tpu.enqueue_indirect_dma source(%dma_start3A_181 : memref<10000x64xbf16, #tpu.memory_space<vmem_shared>>) target(%dma_start3A_175 : memref<128x64xbf16, #tpu.memory_space<vmem>>) offsets(%dma_start3A_178 : memref<128xi32, #tpu.memory_space<vmem>>) semaphore(%arg21 : memref<!tpu.dma_semaphore, #tpu.memory_space<semaphore_mem>>)
    %dma_start3A_182 = arith.constant 4 : i32
    %dma_start3A_183 = arith.constant 4 : i32
    %dma_start3A_184 = arith.constant 0 : i32
    %dma_start3A_185 = arith.constant 0 : i32
    %dma_start3A_186 = tpu.memref_slice %arg13[%dma_start3A_183, %dma_start3A_184, %dma_start3A_185] : memref<8x128x64xbf16, #tpu.memory_space<vmem>> -> memref<1x128x64xbf16, #tpu.memory_space<vmem>>
    %dma_start3A_187 = tpu.memref_squeeze %dma_start3A_186 : memref<1x128x64xbf16, #tpu.memory_space<vmem>> -> memref<128x64xbf16, #tpu.memory_space<vmem>>
    %dma_start3A_188 = arith.constant 0 : i32
    %dma_start3A_189 = tpu.memref_slice %arg11[%dma_start3A_182, %dma_start3A_188] : memref<160x128xi32, #tpu.memory_space<vmem>> -> memref<1x128xi32, #tpu.memory_space<vmem>>
    %dma_start3A_190 = tpu.memref_squeeze %dma_start3A_189 : memref<1x128xi32, #tpu.memory_space<vmem>> -> memref<128xi32, #tpu.memory_space<vmem>>
    %dma_start3A_191 = arith.constant 0 : i32
    %dma_start3A_192 = arith.constant 0 : i32
    %dma_start3A_193 = tpu.memref_slice %arg15[%dma_start3A_191, %dma_start3A_192] : memref<10000x64xbf16, #tpu.memory_space<vmem_shared>> -> memref<10000x64xbf16, #tpu.memory_space<vmem_shared>>
    tpu.enqueue_indirect_dma source(%dma_start3A_193 : memref<10000x64xbf16, #tpu.memory_space<vmem_shared>>) target(%dma_start3A_187 : memref<128x64xbf16, #tpu.memory_space<vmem>>) offsets(%dma_start3A_190 : memref<128xi32, #tpu.memory_space<vmem>>) semaphore(%arg22 : memref<!tpu.dma_semaphore, #tpu.memory_space<semaphore_mem>>)
    %dma_start3A_194 = arith.constant 5 : i32
    %dma_start3A_195 = arith.constant 5 : i32
    %dma_start3A_196 = arith.constant 0 : i32
    %dma_start3A_197 = arith.constant 0 : i32
    %dma_start3A_198 = tpu.memref_slice %arg13[%dma_start3A_195, %dma_start3A_196, %dma_start3A_197] : memref<8x128x64xbf16, #tpu.memory_space<vmem>> -> memref<1x128x64xbf16, #tpu.memory_space<vmem>>
    %dma_start3A_199 = tpu.memref_squeeze %dma_start3A_198 : memref<1x128x64xbf16, #tpu.memory_space<vmem>> -> memref<128x64xbf16, #tpu.memory_space<vmem>>
    %dma_start3A_200 = arith.constant 0 : i32
    %dma_start3A_201 = tpu.memref_slice %arg11[%dma_start3A_194, %dma_start3A_200] : memref<160x128xi32, #tpu.memory_space<vmem>> -> memref<1x128xi32, #tpu.memory_space<vmem>>
    %dma_start3A_202 = tpu.memref_squeeze %dma_start3A_201 : memref<1x128xi32, #tpu.memory_space<vmem>> -> memref<128xi32, #tpu.memory_space<vmem>>
    %dma_start3A_203 = arith.constant 0 : i32
    %dma_start3A_204 = arith.constant 0 : i32
    %dma_start3A_205 = tpu.memref_slice %arg15[%dma_start3A_203, %dma_start3A_204] : memref<10000x64xbf16, #tpu.memory_space<vmem_shared>> -> memref<10000x64xbf16, #tpu.memory_space<vmem_shared>>
    tpu.enqueue_indirect_dma source(%dma_start3A_205 : memref<10000x64xbf16, #tpu.memory_space<vmem_shared>>) target(%dma_start3A_199 : memref<128x64xbf16, #tpu.memory_space<vmem>>) offsets(%dma_start3A_202 : memref<128xi32, #tpu.memory_space<vmem>>) semaphore(%arg23 : memref<!tpu.dma_semaphore, #tpu.memory_space<semaphore_mem>>)
    %dma_start3A_206 = arith.constant 6 : i32
    %dma_start3A_207 = arith.constant 6 : i32
    %dma_start3A_208 = arith.constant 0 : i32
    %dma_start3A_209 = arith.constant 0 : i32
    %dma_start3A_210 = tpu.memref_slice %arg13[%dma_start3A_207, %dma_start3A_208, %dma_start3A_209] : memref<8x128x64xbf16, #tpu.memory_space<vmem>> -> memref<1x128x64xbf16, #tpu.memory_space<vmem>>
    %dma_start3A_211 = tpu.memref_squeeze %dma_start3A_210 : memref<1x128x64xbf16, #tpu.memory_space<vmem>> -> memref<128x64xbf16, #tpu.memory_space<vmem>>
    %dma_start3A_212 = arith.constant 0 : i32
    %dma_start3A_213 = tpu.memref_slice %arg11[%dma_start3A_206, %dma_start3A_212] : memref<160x128xi32, #tpu.memory_space<vmem>> -> memref<1x128xi32, #tpu.memory_space<vmem>>
    %dma_start3A_214 = tpu.memref_squeeze %dma_start3A_213 : memref<1x128xi32, #tpu.memory_space<vmem>> -> memref<128xi32, #tpu.memory_space<vmem>>
    %dma_start3A_215 = arith.constant 0 : i32
    %dma_start3A_216 = arith.constant 0 : i32
    %dma_start3A_217 = tpu.memref_slice %arg15[%dma_start3A_215, %dma_start3A_216] : memref<10000x64xbf16, #tpu.memory_space<vmem_shared>> -> memref<10000x64xbf16, #tpu.memory_space<vmem_shared>>
    tpu.enqueue_indirect_dma source(%dma_start3A_217 : memref<10000x64xbf16, #tpu.memory_space<vmem_shared>>) target(%dma_start3A_211 : memref<128x64xbf16, #tpu.memory_space<vmem>>) offsets(%dma_start3A_214 : memref<128xi32, #tpu.memory_space<vmem>>) semaphore(%arg24 : memref<!tpu.dma_semaphore, #tpu.memory_space<semaphore_mem>>)
    %dma_start3A_218 = arith.constant 7 : i32
    %dma_start3A_219 = arith.constant 7 : i32
    %dma_start3A_220 = arith.constant 0 : i32
    %dma_start3A_221 = arith.constant 0 : i32
    %dma_start3A_222 = tpu.memref_slice %arg13[%dma_start3A_219, %dma_start3A_220, %dma_start3A_221] : memref<8x128x64xbf16, #tpu.memory_space<vmem>> -> memref<1x128x64xbf16, #tpu.memory_space<vmem>>
    %dma_start3A_223 = tpu.memref_squeeze %dma_start3A_222 : memref<1x128x64xbf16, #tpu.memory_space<vmem>> -> memref<128x64xbf16, #tpu.memory_space<vmem>>
    %dma_start3A_224 = arith.constant 0 : i32
    %dma_start3A_225 = tpu.memref_slice %arg11[%dma_start3A_218, %dma_start3A_224] : memref<160x128xi32, #tpu.memory_space<vmem>> -> memref<1x128xi32, #tpu.memory_space<vmem>>
    %dma_start3A_226 = tpu.memref_squeeze %dma_start3A_225 : memref<1x128xi32, #tpu.memory_space<vmem>> -> memref<128xi32, #tpu.memory_space<vmem>>
    %dma_start3A_227 = arith.constant 0 : i32
    %dma_start3A_228 = arith.constant 0 : i32
    %dma_start3A_229 = tpu.memref_slice %arg15[%dma_start3A_227, %dma_start3A_228] : memref<10000x64xbf16, #tpu.memory_space<vmem_shared>> -> memref<10000x64xbf16, #tpu.memory_space<vmem_shared>>
    tpu.enqueue_indirect_dma source(%dma_start3A_229 : memref<10000x64xbf16, #tpu.memory_space<vmem_shared>>) target(%dma_start3A_223 : memref<128x64xbf16, #tpu.memory_space<vmem>>) offsets(%dma_start3A_226 : memref<128xi32, #tpu.memory_space<vmem>>) semaphore(%arg25 : memref<!tpu.dma_semaphore, #tpu.memory_space<semaphore_mem>>)
    %scan3A_230 = arith.constant 0 : i32
    %scan3A_231 = arith.constant 20 : i32
    %scan3A_232 = arith.addi %scan3A_230, %scan3A_231 : i32
    %scan3A_233 = arith.constant 1 : i32
    scf.for %scan3A_246 = %scan3A_230 to %scan3A_232 step %scan3A_233  : i32 {
      %mul3A_247 = arith.constant 1 : i32
      %mul3A_248 = arith.muli %scan3A_246, %mul3A_247 : i32
      %add3A = arith.constant 0 : i32
      %add3A_249 = arith.addi %add3A, %mul3A_248 : i32
      %mul3A_250 = arith.constant 8 : i32
      %mul3A_251 = arith.muli %add3A_249, %mul3A_250 : i32
      %add3A_252 = arith.constant 0 : i32
      %add3A_253 = arith.addi %mul3A_251, %add3A_252 : i32
      %dma_wait3A = arith.constant 0 : i32
      %dma_wait3A_254 = arith.constant 0 : i32
      %dma_wait3A_255 = arith.constant 0 : i32
      %dma_wait3A_256 = tpu.memref_slice %arg13[%dma_wait3A, %dma_wait3A_254, %dma_wait3A_255] : memref<8x128x64xbf16, #tpu.memory_space<vmem>> -> memref<1x128x64xbf16, #tpu.memory_space<vmem>>
      %dma_wait3A_257 = tpu.memref_squeeze %dma_wait3A_256 : memref<1x128x64xbf16, #tpu.memory_space<vmem>> -> memref<128x64xbf16, #tpu.memory_space<vmem>>
      %dma_wait3A_258 = arith.constant 0 : i32
      %dma_wait3A_259 = tpu.memref_slice %arg11[%add3A_253, %dma_wait3A_258] : memref<160x128xi32, #tpu.memory_space<vmem>> -> memref<1x128xi32, #tpu.memory_space<vmem>>
      %dma_wait3A_260 = tpu.memref_squeeze %dma_wait3A_259 : memref<1x128xi32, #tpu.memory_space<vmem>> -> memref<128xi32, #tpu.memory_space<vmem>>
      %dma_wait3A_261 = arith.constant 0 : i32
      %dma_wait3A_262 = arith.constant 0 : i32
      %dma_wait3A_263 = tpu.memref_slice %arg15[%dma_wait3A_261, %dma_wait3A_262] : memref<10000x64xbf16, #tpu.memory_space<vmem_shared>> -> memref<10000x64xbf16, #tpu.memory_space<vmem_shared>>
      tpu.wait_indirect_dma semaphore(%arg18 : memref<!tpu.dma_semaphore, #tpu.memory_space<semaphore_mem>>) src(%dma_wait3A_263 : memref<10000x64xbf16, #tpu.memory_space<vmem_shared>>) dst(%dma_wait3A_257 : memref<128x64xbf16, #tpu.memory_space<vmem>>)
      %dma_start3A_264 = arith.constant 0 : i32
      %dma_start3A_265 = arith.constant 0 : i32
      %dma_start3A_266 = arith.constant 0 : i32
      %dma_start3A_267 = tpu.memref_slice %arg13[%dma_start3A_264, %dma_start3A_265, %dma_start3A_266] : memref<8x128x64xbf16, #tpu.memory_space<vmem>> -> memref<1x128x64xbf16, #tpu.memory_space<vmem>>
      %dma_start3A_268 = tpu.memref_squeeze %dma_start3A_267 : memref<1x128x64xbf16, #tpu.memory_space<vmem>> -> memref<128x64xbf16, #tpu.memory_space<vmem>>
      %dma_start3A_269 = arith.constant 0 : i32
      %dma_start3A_270 = tpu.memref_slice %arg12[%add3A_253, %dma_start3A_269] : memref<160x128xi32, #tpu.memory_space<vmem>> -> memref<1x128xi32, #tpu.memory_space<vmem>>
      %dma_start3A_271 = tpu.memref_squeeze %dma_start3A_270 : memref<1x128xi32, #tpu.memory_space<vmem>> -> memref<128xi32, #tpu.memory_space<vmem>>
      %dma_start3A_272 = arith.constant 0 : i32
      %dma_start3A_273 = arith.constant 0 : i32
      %dma_start3A_274 = tpu.memref_slice %arg16[%dma_start3A_272, %dma_start3A_273] : memref<10008x64xbf16, #tpu.memory_space<vmem_shared>> -> memref<10008x64xbf16, #tpu.memory_space<vmem_shared>>
      tpu.enqueue_indirect_dma source(%dma_start3A_268 : memref<128x64xbf16, #tpu.memory_space<vmem>>) target(%dma_start3A_274 : memref<10008x64xbf16, #tpu.memory_space<vmem_shared>>) offsets(%dma_start3A_271 : memref<128xi32, #tpu.memory_space<vmem>>) semaphore(%arg26 : memref<!tpu.dma_semaphore, #tpu.memory_space<semaphore_mem>>) {add = true}
      %add3A_275 = arith.constant 1 : i32
      %add3A_276 = arith.addi %mul3A_251, %add3A_275 : i32
      %dma_wait3A_277 = arith.constant 1 : i32
      %dma_wait3A_278 = arith.constant 0 : i32
      %dma_wait3A_279 = arith.constant 0 : i32
      %dma_wait3A_280 = tpu.memref_slice %arg13[%dma_wait3A_277, %dma_wait3A_278, %dma_wait3A_279] : memref<8x128x64xbf16, #tpu.memory_space<vmem>> -> memref<1x128x64xbf16, #tpu.memory_space<vmem>>
      %dma_wait3A_281 = tpu.memref_squeeze %dma_wait3A_280 : memref<1x128x64xbf16, #tpu.memory_space<vmem>> -> memref<128x64xbf16, #tpu.memory_space<vmem>>
      %dma_wait3A_282 = arith.constant 0 : i32
      %dma_wait3A_283 = tpu.memref_slice %arg11[%add3A_276, %dma_wait3A_282] : memref<160x128xi32, #tpu.memory_space<vmem>> -> memref<1x128xi32, #tpu.memory_space<vmem>>
      %dma_wait3A_284 = tpu.memref_squeeze %dma_wait3A_283 : memref<1x128xi32, #tpu.memory_space<vmem>> -> memref<128xi32, #tpu.memory_space<vmem>>
      %dma_wait3A_285 = arith.constant 0 : i32
      %dma_wait3A_286 = arith.constant 0 : i32
      %dma_wait3A_287 = tpu.memref_slice %arg15[%dma_wait3A_285, %dma_wait3A_286] : memref<10000x64xbf16, #tpu.memory_space<vmem_shared>> -> memref<10000x64xbf16, #tpu.memory_space<vmem_shared>>
      tpu.wait_indirect_dma semaphore(%arg19 : memref<!tpu.dma_semaphore, #tpu.memory_space<semaphore_mem>>) src(%dma_wait3A_287 : memref<10000x64xbf16, #tpu.memory_space<vmem_shared>>) dst(%dma_wait3A_281 : memref<128x64xbf16, #tpu.memory_space<vmem>>)
      %dma_start3A_288 = arith.constant 1 : i32
      %dma_start3A_289 = arith.constant 0 : i32
      %dma_start3A_290 = arith.constant 0 : i32
      %dma_start3A_291 = tpu.memref_slice %arg13[%dma_start3A_288, %dma_start3A_289, %dma_start3A_290] : memref<8x128x64xbf16, #tpu.memory_space<vmem>> -> memref<1x128x64xbf16, #tpu.memory_space<vmem>>
      %dma_start3A_292 = tpu.memref_squeeze %dma_start3A_291 : memref<1x128x64xbf16, #tpu.memory_space<vmem>> -> memref<128x64xbf16, #tpu.memory_space<vmem>>
      %dma_start3A_293 = arith.constant 0 : i32
      %dma_start3A_294 = tpu.memref_slice %arg12[%add3A_276, %dma_start3A_293] : memref<160x128xi32, #tpu.memory_space<vmem>> -> memref<1x128xi32, #tpu.memory_space<vmem>>
      %dma_start3A_295 = tpu.memref_squeeze %dma_start3A_294 : memref<1x128xi32, #tpu.memory_space<vmem>> -> memref<128xi32, #tpu.memory_space<vmem>>
      %dma_start3A_296 = arith.constant 0 : i32
      %dma_start3A_297 = arith.constant 0 : i32
      %dma_start3A_298 = tpu.memref_slice %arg16[%dma_start3A_296, %dma_start3A_297] : memref<10008x64xbf16, #tpu.memory_space<vmem_shared>> -> memref<10008x64xbf16, #tpu.memory_space<vmem_shared>>
      tpu.enqueue_indirect_dma source(%dma_start3A_292 : memref<128x64xbf16, #tpu.memory_space<vmem>>) target(%dma_start3A_298 : memref<10008x64xbf16, #tpu.memory_space<vmem_shared>>) offsets(%dma_start3A_295 : memref<128xi32, #tpu.memory_space<vmem>>) semaphore(%arg27 : memref<!tpu.dma_semaphore, #tpu.memory_space<semaphore_mem>>) {add = true}
      %add3A_299 = arith.constant 2 : i32
      %add3A_300 = arith.addi %mul3A_251, %add3A_299 : i32
      %dma_wait3A_301 = arith.constant 2 : i32
      %dma_wait3A_302 = arith.constant 0 : i32
      %dma_wait3A_303 = arith.constant 0 : i32
      %dma_wait3A_304 = tpu.memref_slice %arg13[%dma_wait3A_301, %dma_wait3A_302, %dma_wait3A_303] : memref<8x128x64xbf16, #tpu.memory_space<vmem>> -> memref<1x128x64xbf16, #tpu.memory_space<vmem>>
      %dma_wait3A_305 = tpu.memref_squeeze %dma_wait3A_304 : memref<1x128x64xbf16, #tpu.memory_space<vmem>> -> memref<128x64xbf16, #tpu.memory_space<vmem>>
      %dma_wait3A_306 = arith.constant 0 : i32
      %dma_wait3A_307 = tpu.memref_slice %arg11[%add3A_300, %dma_wait3A_306] : memref<160x128xi32, #tpu.memory_space<vmem>> -> memref<1x128xi32, #tpu.memory_space<vmem>>
      %dma_wait3A_308 = tpu.memref_squeeze %dma_wait3A_307 : memref<1x128xi32, #tpu.memory_space<vmem>> -> memref<128xi32, #tpu.memory_space<vmem>>
      %dma_wait3A_309 = arith.constant 0 : i32
      %dma_wait3A_310 = arith.constant 0 : i32
      %dma_wait3A_311 = tpu.memref_slice %arg15[%dma_wait3A_309, %dma_wait3A_310] : memref<10000x64xbf16, #tpu.memory_space<vmem_shared>> -> memref<10000x64xbf16, #tpu.memory_space<vmem_shared>>
      tpu.wait_indirect_dma semaphore(%arg20 : memref<!tpu.dma_semaphore, #tpu.memory_space<semaphore_mem>>) src(%dma_wait3A_311 : memref<10000x64xbf16, #tpu.memory_space<vmem_shared>>) dst(%dma_wait3A_305 : memref<128x64xbf16, #tpu.memory_space<vmem>>)
      %dma_start3A_312 = arith.constant 2 : i32
      %dma_start3A_313 = arith.constant 0 : i32
      %dma_start3A_314 = arith.constant 0 : i32
      %dma_start3A_315 = tpu.memref_slice %arg13[%dma_start3A_312, %dma_start3A_313, %dma_start3A_314] : memref<8x128x64xbf16, #tpu.memory_space<vmem>> -> memref<1x128x64xbf16, #tpu.memory_space<vmem>>
      %dma_start3A_316 = tpu.memref_squeeze %dma_start3A_315 : memref<1x128x64xbf16, #tpu.memory_space<vmem>> -> memref<128x64xbf16, #tpu.memory_space<vmem>>
      %dma_start3A_317 = arith.constant 0 : i32
      %dma_start3A_318 = tpu.memref_slice %arg12[%add3A_300, %dma_start3A_317] : memref<160x128xi32, #tpu.memory_space<vmem>> -> memref<1x128xi32, #tpu.memory_space<vmem>>
      %dma_start3A_319 = tpu.memref_squeeze %dma_start3A_318 : memref<1x128xi32, #tpu.memory_space<vmem>> -> memref<128xi32, #tpu.memory_space<vmem>>
      %dma_start3A_320 = arith.constant 0 : i32
      %dma_start3A_321 = arith.constant 0 : i32
      %dma_start3A_322 = tpu.memref_slice %arg16[%dma_start3A_320, %dma_start3A_321] : memref<10008x64xbf16, #tpu.memory_space<vmem_shared>> -> memref<10008x64xbf16, #tpu.memory_space<vmem_shared>>
      tpu.enqueue_indirect_dma source(%dma_start3A_316 : memref<128x64xbf16, #tpu.memory_space<vmem>>) target(%dma_start3A_322 : memref<10008x64xbf16, #tpu.memory_space<vmem_shared>>) offsets(%dma_start3A_319 : memref<128xi32, #tpu.memory_space<vmem>>) semaphore(%arg28 : memref<!tpu.dma_semaphore, #tpu.memory_space<semaphore_mem>>) {add = true}
      %add3A_323 = arith.constant 3 : i32
      %add3A_324 = arith.addi %mul3A_251, %add3A_323 : i32
      %dma_wait3A_325 = arith.constant 3 : i32
      %dma_wait3A_326 = arith.constant 0 : i32
      %dma_wait3A_327 = arith.constant 0 : i32
      %dma_wait3A_328 = tpu.memref_slice %arg13[%dma_wait3A_325, %dma_wait3A_326, %dma_wait3A_327] : memref<8x128x64xbf16, #tpu.memory_space<vmem>> -> memref<1x128x64xbf16, #tpu.memory_space<vmem>>
      %dma_wait3A_329 = tpu.memref_squeeze %dma_wait3A_328 : memref<1x128x64xbf16, #tpu.memory_space<vmem>> -> memref<128x64xbf16, #tpu.memory_space<vmem>>
      %dma_wait3A_330 = arith.constant 0 : i32
      %dma_wait3A_331 = tpu.memref_slice %arg11[%add3A_324, %dma_wait3A_330] : memref<160x128xi32, #tpu.memory_space<vmem>> -> memref<1x128xi32, #tpu.memory_space<vmem>>
      %dma_wait3A_332 = tpu.memref_squeeze %dma_wait3A_331 : memref<1x128xi32, #tpu.memory_space<vmem>> -> memref<128xi32, #tpu.memory_space<vmem>>
      %dma_wait3A_333 = arith.constant 0 : i32
      %dma_wait3A_334 = arith.constant 0 : i32
      %dma_wait3A_335 = tpu.memref_slice %arg15[%dma_wait3A_333, %dma_wait3A_334] : memref<10000x64xbf16, #tpu.memory_space<vmem_shared>> -> memref<10000x64xbf16, #tpu.memory_space<vmem_shared>>
      tpu.wait_indirect_dma semaphore(%arg21 : memref<!tpu.dma_semaphore, #tpu.memory_space<semaphore_mem>>) src(%dma_wait3A_335 : memref<10000x64xbf16, #tpu.memory_space<vmem_shared>>) dst(%dma_wait3A_329 : memref<128x64xbf16, #tpu.memory_space<vmem>>)
      %dma_start3A_336 = arith.constant 3 : i32
      %dma_start3A_337 = arith.constant 0 : i32
      %dma_start3A_338 = arith.constant 0 : i32
      %dma_start3A_339 = tpu.memref_slice %arg13[%dma_start3A_336, %dma_start3A_337, %dma_start3A_338] : memref<8x128x64xbf16, #tpu.memory_space<vmem>> -> memref<1x128x64xbf16, #tpu.memory_space<vmem>>
      %dma_start3A_340 = tpu.memref_squeeze %dma_start3A_339 : memref<1x128x64xbf16, #tpu.memory_space<vmem>> -> memref<128x64xbf16, #tpu.memory_space<vmem>>
      %dma_start3A_341 = arith.constant 0 : i32
      %dma_start3A_342 = tpu.memref_slice %arg12[%add3A_324, %dma_start3A_341] : memref<160x128xi32, #tpu.memory_space<vmem>> -> memref<1x128xi32, #tpu.memory_space<vmem>>
      %dma_start3A_343 = tpu.memref_squeeze %dma_start3A_342 : memref<1x128xi32, #tpu.memory_space<vmem>> -> memref<128xi32, #tpu.memory_space<vmem>>
      %dma_start3A_344 = arith.constant 0 : i32
      %dma_start3A_345 = arith.constant 0 : i32
      %dma_start3A_346 = tpu.memref_slice %arg16[%dma_start3A_344, %dma_start3A_345] : memref<10008x64xbf16, #tpu.memory_space<vmem_shared>> -> memref<10008x64xbf16, #tpu.memory_space<vmem_shared>>
      tpu.enqueue_indirect_dma source(%dma_start3A_340 : memref<128x64xbf16, #tpu.memory_space<vmem>>) target(%dma_start3A_346 : memref<10008x64xbf16, #tpu.memory_space<vmem_shared>>) offsets(%dma_start3A_343 : memref<128xi32, #tpu.memory_space<vmem>>) semaphore(%arg29 : memref<!tpu.dma_semaphore, #tpu.memory_space<semaphore_mem>>) {add = true}
      %add3A_347 = arith.constant 4 : i32
      %add3A_348 = arith.addi %mul3A_251, %add3A_347 : i32
      %dma_wait3A_349 = arith.constant 4 : i32
      %dma_wait3A_350 = arith.constant 0 : i32
      %dma_wait3A_351 = arith.constant 0 : i32
      %dma_wait3A_352 = tpu.memref_slice %arg13[%dma_wait3A_349, %dma_wait3A_350, %dma_wait3A_351] : memref<8x128x64xbf16, #tpu.memory_space<vmem>> -> memref<1x128x64xbf16, #tpu.memory_space<vmem>>
      %dma_wait3A_353 = tpu.memref_squeeze %dma_wait3A_352 : memref<1x128x64xbf16, #tpu.memory_space<vmem>> -> memref<128x64xbf16, #tpu.memory_space<vmem>>
      %dma_wait3A_354 = arith.constant 0 : i32
      %dma_wait3A_355 = tpu.memref_slice %arg11[%add3A_348, %dma_wait3A_354] : memref<160x128xi32, #tpu.memory_space<vmem>> -> memref<1x128xi32, #tpu.memory_space<vmem>>
      %dma_wait3A_356 = tpu.memref_squeeze %dma_wait3A_355 : memref<1x128xi32, #tpu.memory_space<vmem>> -> memref<128xi32, #tpu.memory_space<vmem>>
      %dma_wait3A_357 = arith.constant 0 : i32
      %dma_wait3A_358 = arith.constant 0 : i32
      %dma_wait3A_359 = tpu.memref_slice %arg15[%dma_wait3A_357, %dma_wait3A_358] : memref<10000x64xbf16, #tpu.memory_space<vmem_shared>> -> memref<10000x64xbf16, #tpu.memory_space<vmem_shared>>
      tpu.wait_indirect_dma semaphore(%arg22 : memref<!tpu.dma_semaphore, #tpu.memory_space<semaphore_mem>>) src(%dma_wait3A_359 : memref<10000x64xbf16, #tpu.memory_space<vmem_shared>>) dst(%dma_wait3A_353 : memref<128x64xbf16, #tpu.memory_space<vmem>>)
      %dma_start3A_360 = arith.constant 4 : i32
      %dma_start3A_361 = arith.constant 0 : i32
      %dma_start3A_362 = arith.constant 0 : i32
      %dma_start3A_363 = tpu.memref_slice %arg13[%dma_start3A_360, %dma_start3A_361, %dma_start3A_362] : memref<8x128x64xbf16, #tpu.memory_space<vmem>> -> memref<1x128x64xbf16, #tpu.memory_space<vmem>>
      %dma_start3A_364 = tpu.memref_squeeze %dma_start3A_363 : memref<1x128x64xbf16, #tpu.memory_space<vmem>> -> memref<128x64xbf16, #tpu.memory_space<vmem>>
      %dma_start3A_365 = arith.constant 0 : i32
      %dma_start3A_366 = tpu.memref_slice %arg12[%add3A_348, %dma_start3A_365] : memref<160x128xi32, #tpu.memory_space<vmem>> -> memref<1x128xi32, #tpu.memory_space<vmem>>
      %dma_start3A_367 = tpu.memref_squeeze %dma_start3A_366 : memref<1x128xi32, #tpu.memory_space<vmem>> -> memref<128xi32, #tpu.memory_space<vmem>>
      %dma_start3A_368 = arith.constant 0 : i32
      %dma_start3A_369 = arith.constant 0 : i32
      %dma_start3A_370 = tpu.memref_slice %arg16[%dma_start3A_368, %dma_start3A_369] : memref<10008x64xbf16, #tpu.memory_space<vmem_shared>> -> memref<10008x64xbf16, #tpu.memory_space<vmem_shared>>
      tpu.enqueue_indirect_dma source(%dma_start3A_364 : memref<128x64xbf16, #tpu.memory_space<vmem>>) target(%dma_start3A_370 : memref<10008x64xbf16, #tpu.memory_space<vmem_shared>>) offsets(%dma_start3A_367 : memref<128xi32, #tpu.memory_space<vmem>>) semaphore(%arg30 : memref<!tpu.dma_semaphore, #tpu.memory_space<semaphore_mem>>) {add = true}
      %add3A_371 = arith.constant 5 : i32
      %add3A_372 = arith.addi %mul3A_251, %add3A_371 : i32
      %dma_wait3A_373 = arith.constant 5 : i32
      %dma_wait3A_374 = arith.constant 0 : i32
      %dma_wait3A_375 = arith.constant 0 : i32
      %dma_wait3A_376 = tpu.memref_slice %arg13[%dma_wait3A_373, %dma_wait3A_374, %dma_wait3A_375] : memref<8x128x64xbf16, #tpu.memory_space<vmem>> -> memref<1x128x64xbf16, #tpu.memory_space<vmem>>
      %dma_wait3A_377 = tpu.memref_squeeze %dma_wait3A_376 : memref<1x128x64xbf16, #tpu.memory_space<vmem>> -> memref<128x64xbf16, #tpu.memory_space<vmem>>
      %dma_wait3A_378 = arith.constant 0 : i32
      %dma_wait3A_379 = tpu.memref_slice %arg11[%add3A_372, %dma_wait3A_378] : memref<160x128xi32, #tpu.memory_space<vmem>> -> memref<1x128xi32, #tpu.memory_space<vmem>>
      %dma_wait3A_380 = tpu.memref_squeeze %dma_wait3A_379 : memref<1x128xi32, #tpu.memory_space<vmem>> -> memref<128xi32, #tpu.memory_space<vmem>>
      %dma_wait3A_381 = arith.constant 0 : i32
      %dma_wait3A_382 = arith.constant 0 : i32
      %dma_wait3A_383 = tpu.memref_slice %arg15[%dma_wait3A_381, %dma_wait3A_382] : memref<10000x64xbf16, #tpu.memory_space<vmem_shared>> -> memref<10000x64xbf16, #tpu.memory_space<vmem_shared>>
      tpu.wait_indirect_dma semaphore(%arg23 : memref<!tpu.dma_semaphore, #tpu.memory_space<semaphore_mem>>) src(%dma_wait3A_383 : memref<10000x64xbf16, #tpu.memory_space<vmem_shared>>) dst(%dma_wait3A_377 : memref<128x64xbf16, #tpu.memory_space<vmem>>)
      %dma_start3A_384 = arith.constant 5 : i32
      %dma_start3A_385 = arith.constant 0 : i32
      %dma_start3A_386 = arith.constant 0 : i32
      %dma_start3A_387 = tpu.memref_slice %arg13[%dma_start3A_384, %dma_start3A_385, %dma_start3A_386] : memref<8x128x64xbf16, #tpu.memory_space<vmem>> -> memref<1x128x64xbf16, #tpu.memory_space<vmem>>
      %dma_start3A_388 = tpu.memref_squeeze %dma_start3A_387 : memref<1x128x64xbf16, #tpu.memory_space<vmem>> -> memref<128x64xbf16, #tpu.memory_space<vmem>>
      %dma_start3A_389 = arith.constant 0 : i32
      %dma_start3A_390 = tpu.memref_slice %arg12[%add3A_372, %dma_start3A_389] : memref<160x128xi32, #tpu.memory_space<vmem>> -> memref<1x128xi32, #tpu.memory_space<vmem>>
      %dma_start3A_391 = tpu.memref_squeeze %dma_start3A_390 : memref<1x128xi32, #tpu.memory_space<vmem>> -> memref<128xi32, #tpu.memory_space<vmem>>
      %dma_start3A_392 = arith.constant 0 : i32
      %dma_start3A_393 = arith.constant 0 : i32
      %dma_start3A_394 = tpu.memref_slice %arg16[%dma_start3A_392, %dma_start3A_393] : memref<10008x64xbf16, #tpu.memory_space<vmem_shared>> -> memref<10008x64xbf16, #tpu.memory_space<vmem_shared>>
      tpu.enqueue_indirect_dma source(%dma_start3A_388 : memref<128x64xbf16, #tpu.memory_space<vmem>>) target(%dma_start3A_394 : memref<10008x64xbf16, #tpu.memory_space<vmem_shared>>) offsets(%dma_start3A_391 : memref<128xi32, #tpu.memory_space<vmem>>) semaphore(%arg31 : memref<!tpu.dma_semaphore, #tpu.memory_space<semaphore_mem>>) {add = true}
      %add3A_395 = arith.constant 6 : i32
      %add3A_396 = arith.addi %mul3A_251, %add3A_395 : i32
      %dma_wait3A_397 = arith.constant 6 : i32
      %dma_wait3A_398 = arith.constant 0 : i32
      %dma_wait3A_399 = arith.constant 0 : i32
      %dma_wait3A_400 = tpu.memref_slice %arg13[%dma_wait3A_397, %dma_wait3A_398, %dma_wait3A_399] : memref<8x128x64xbf16, #tpu.memory_space<vmem>> -> memref<1x128x64xbf16, #tpu.memory_space<vmem>>
      %dma_wait3A_401 = tpu.memref_squeeze %dma_wait3A_400 : memref<1x128x64xbf16, #tpu.memory_space<vmem>> -> memref<128x64xbf16, #tpu.memory_space<vmem>>
      %dma_wait3A_402 = arith.constant 0 : i32
      %dma_wait3A_403 = tpu.memref_slice %arg11[%add3A_396, %dma_wait3A_402] : memref<160x128xi32, #tpu.memory_space<vmem>> -> memref<1x128xi32, #tpu.memory_space<vmem>>
      %dma_wait3A_404 = tpu.memref_squeeze %dma_wait3A_403 : memref<1x128xi32, #tpu.memory_space<vmem>> -> memref<128xi32, #tpu.memory_space<vmem>>
      %dma_wait3A_405 = arith.constant 0 : i32
      %dma_wait3A_406 = arith.constant 0 : i32
      %dma_wait3A_407 = tpu.memref_slice %arg15[%dma_wait3A_405, %dma_wait3A_406] : memref<10000x64xbf16, #tpu.memory_space<vmem_shared>> -> memref<10000x64xbf16, #tpu.memory_space<vmem_shared>>
      tpu.wait_indirect_dma semaphore(%arg24 : memref<!tpu.dma_semaphore, #tpu.memory_space<semaphore_mem>>) src(%dma_wait3A_407 : memref<10000x64xbf16, #tpu.memory_space<vmem_shared>>) dst(%dma_wait3A_401 : memref<128x64xbf16, #tpu.memory_space<vmem>>)
      %dma_start3A_408 = arith.constant 6 : i32
      %dma_start3A_409 = arith.constant 0 : i32
      %dma_start3A_410 = arith.constant 0 : i32
      %dma_start3A_411 = tpu.memref_slice %arg13[%dma_start3A_408, %dma_start3A_409, %dma_start3A_410] : memref<8x128x64xbf16, #tpu.memory_space<vmem>> -> memref<1x128x64xbf16, #tpu.memory_space<vmem>>
      %dma_start3A_412 = tpu.memref_squeeze %dma_start3A_411 : memref<1x128x64xbf16, #tpu.memory_space<vmem>> -> memref<128x64xbf16, #tpu.memory_space<vmem>>
      %dma_start3A_413 = arith.constant 0 : i32
      %dma_start3A_414 = tpu.memref_slice %arg12[%add3A_396, %dma_start3A_413] : memref<160x128xi32, #tpu.memory_space<vmem>> -> memref<1x128xi32, #tpu.memory_space<vmem>>
      %dma_start3A_415 = tpu.memref_squeeze %dma_start3A_414 : memref<1x128xi32, #tpu.memory_space<vmem>> -> memref<128xi32, #tpu.memory_space<vmem>>
      %dma_start3A_416 = arith.constant 0 : i32
      %dma_start3A_417 = arith.constant 0 : i32
      %dma_start3A_418 = tpu.memref_slice %arg16[%dma_start3A_416, %dma_start3A_417] : memref<10008x64xbf16, #tpu.memory_space<vmem_shared>> -> memref<10008x64xbf16, #tpu.memory_space<vmem_shared>>
      tpu.enqueue_indirect_dma source(%dma_start3A_412 : memref<128x64xbf16, #tpu.memory_space<vmem>>) target(%dma_start3A_418 : memref<10008x64xbf16, #tpu.memory_space<vmem_shared>>) offsets(%dma_start3A_415 : memref<128xi32, #tpu.memory_space<vmem>>) semaphore(%arg32 : memref<!tpu.dma_semaphore, #tpu.memory_space<semaphore_mem>>) {add = true}
      %add3A_419 = arith.constant 7 : i32
      %add3A_420 = arith.addi %mul3A_251, %add3A_419 : i32
      %dma_wait3A_421 = arith.constant 7 : i32
      %dma_wait3A_422 = arith.constant 0 : i32
      %dma_wait3A_423 = arith.constant 0 : i32
      %dma_wait3A_424 = tpu.memref_slice %arg13[%dma_wait3A_421, %dma_wait3A_422, %dma_wait3A_423] : memref<8x128x64xbf16, #tpu.memory_space<vmem>> -> memref<1x128x64xbf16, #tpu.memory_space<vmem>>
      %dma_wait3A_425 = tpu.memref_squeeze %dma_wait3A_424 : memref<1x128x64xbf16, #tpu.memory_space<vmem>> -> memref<128x64xbf16, #tpu.memory_space<vmem>>
      %dma_wait3A_426 = arith.constant 0 : i32
      %dma_wait3A_427 = tpu.memref_slice %arg11[%add3A_420, %dma_wait3A_426] : memref<160x128xi32, #tpu.memory_space<vmem>> -> memref<1x128xi32, #tpu.memory_space<vmem>>
      %dma_wait3A_428 = tpu.memref_squeeze %dma_wait3A_427 : memref<1x128xi32, #tpu.memory_space<vmem>> -> memref<128xi32, #tpu.memory_space<vmem>>
      %dma_wait3A_429 = arith.constant 0 : i32
      %dma_wait3A_430 = arith.constant 0 : i32
      %dma_wait3A_431 = tpu.memref_slice %arg15[%dma_wait3A_429, %dma_wait3A_430] : memref<10000x64xbf16, #tpu.memory_space<vmem_shared>> -> memref<10000x64xbf16, #tpu.memory_space<vmem_shared>>
      tpu.wait_indirect_dma semaphore(%arg25 : memref<!tpu.dma_semaphore, #tpu.memory_space<semaphore_mem>>) src(%dma_wait3A_431 : memref<10000x64xbf16, #tpu.memory_space<vmem_shared>>) dst(%dma_wait3A_425 : memref<128x64xbf16, #tpu.memory_space<vmem>>)
      %dma_start3A_432 = arith.constant 7 : i32
      %dma_start3A_433 = arith.constant 0 : i32
      %dma_start3A_434 = arith.constant 0 : i32
      %dma_start3A_435 = tpu.memref_slice %arg13[%dma_start3A_432, %dma_start3A_433, %dma_start3A_434] : memref<8x128x64xbf16, #tpu.memory_space<vmem>> -> memref<1x128x64xbf16, #tpu.memory_space<vmem>>
      %dma_start3A_436 = tpu.memref_squeeze %dma_start3A_435 : memref<1x128x64xbf16, #tpu.memory_space<vmem>> -> memref<128x64xbf16, #tpu.memory_space<vmem>>
      %dma_start3A_437 = arith.constant 0 : i32
      %dma_start3A_438 = tpu.memref_slice %arg12[%add3A_420, %dma_start3A_437] : memref<160x128xi32, #tpu.memory_space<vmem>> -> memref<1x128xi32, #tpu.memory_space<vmem>>
      %dma_start3A_439 = tpu.memref_squeeze %dma_start3A_438 : memref<1x128xi32, #tpu.memory_space<vmem>> -> memref<128xi32, #tpu.memory_space<vmem>>
      %dma_start3A_440 = arith.constant 0 : i32
      %dma_start3A_441 = arith.constant 0 : i32
      %dma_start3A_442 = tpu.memref_slice %arg16[%dma_start3A_440, %dma_start3A_441] : memref<10008x64xbf16, #tpu.memory_space<vmem_shared>> -> memref<10008x64xbf16, #tpu.memory_space<vmem_shared>>
      tpu.enqueue_indirect_dma source(%dma_start3A_436 : memref<128x64xbf16, #tpu.memory_space<vmem>>) target(%dma_start3A_442 : memref<10008x64xbf16, #tpu.memory_space<vmem_shared>>) offsets(%dma_start3A_439 : memref<128xi32, #tpu.memory_space<vmem>>) semaphore(%arg33 : memref<!tpu.dma_semaphore, #tpu.memory_space<semaphore_mem>>) {add = true}
      %add3A_443 = arith.constant 0 : i32
      %add3A_444 = arith.addi %mul3A_251, %add3A_443 : i32
      %dma_wait3A_445 = arith.constant 0 : i32
      %dma_wait3A_446 = arith.constant 0 : i32
      %dma_wait3A_447 = arith.constant 0 : i32
      %dma_wait3A_448 = tpu.memref_slice %arg13[%dma_wait3A_445, %dma_wait3A_446, %dma_wait3A_447] : memref<8x128x64xbf16, #tpu.memory_space<vmem>> -> memref<1x128x64xbf16, #tpu.memory_space<vmem>>
      %dma_wait3A_449 = tpu.memref_squeeze %dma_wait3A_448 : memref<1x128x64xbf16, #tpu.memory_space<vmem>> -> memref<128x64xbf16, #tpu.memory_space<vmem>>
      %dma_wait3A_450 = arith.constant 0 : i32
      %dma_wait3A_451 = tpu.memref_slice %arg12[%add3A_444, %dma_wait3A_450] : memref<160x128xi32, #tpu.memory_space<vmem>> -> memref<1x128xi32, #tpu.memory_space<vmem>>
      %dma_wait3A_452 = tpu.memref_squeeze %dma_wait3A_451 : memref<1x128xi32, #tpu.memory_space<vmem>> -> memref<128xi32, #tpu.memory_space<vmem>>
      %dma_wait3A_453 = arith.constant 0 : i32
      %dma_wait3A_454 = arith.constant 0 : i32
      %dma_wait3A_455 = tpu.memref_slice %arg16[%dma_wait3A_453, %dma_wait3A_454] : memref<10008x64xbf16, #tpu.memory_space<vmem_shared>> -> memref<10008x64xbf16, #tpu.memory_space<vmem_shared>>
      tpu.wait_indirect_dma semaphore(%arg26 : memref<!tpu.dma_semaphore, #tpu.memory_space<semaphore_mem>>) src(%dma_wait3A_449 : memref<128x64xbf16, #tpu.memory_space<vmem>>) dst(%dma_wait3A_455 : memref<10008x64xbf16, #tpu.memory_space<vmem_shared>>)
      %lt3A = arith.constant 19 : i32
      %lt3A_456 = arith.cmpi slt, %add3A_249, %lt3A : i32
      %convert_element_type3A_457 = arith.extui %lt3A_456 : i1 to i32
      %cond3A_458 = arith.constant 0 : i32
      %cond3A_459 = arith.cmpi ne, %convert_element_type3A_457, %cond3A_458 : i32
      scf.if %cond3A_459 {
        %add3A_586 = arith.constant 8 : i32
        %add3A_587 = arith.addi %mul3A_251, %add3A_586 : i32
        %add3A_588 = arith.constant 0 : i32
        %add3A_589 = arith.addi %add3A_587, %add3A_588 : i32
        %dma_start3A_590 = arith.constant 0 : i32
        %dma_start3A_591 = arith.constant 0 : i32
        %dma_start3A_592 = arith.constant 0 : i32
        %dma_start3A_593 = tpu.memref_slice %arg13[%dma_start3A_590, %dma_start3A_591, %dma_start3A_592] : memref<8x128x64xbf16, #tpu.memory_space<vmem>> -> memref<1x128x64xbf16, #tpu.memory_space<vmem>>
        %dma_start3A_594 = tpu.memref_squeeze %dma_start3A_593 : memref<1x128x64xbf16, #tpu.memory_space<vmem>> -> memref<128x64xbf16, #tpu.memory_space<vmem>>
        %dma_start3A_595 = arith.constant 0 : i32
        %dma_start3A_596 = tpu.memref_slice %arg11[%add3A_589, %dma_start3A_595] : memref<160x128xi32, #tpu.memory_space<vmem>> -> memref<1x128xi32, #tpu.memory_space<vmem>>
        %dma_start3A_597 = tpu.memref_squeeze %dma_start3A_596 : memref<1x128xi32, #tpu.memory_space<vmem>> -> memref<128xi32, #tpu.memory_space<vmem>>
        %dma_start3A_598 = arith.constant 0 : i32
        %dma_start3A_599 = arith.constant 0 : i32
        %dma_start3A_600 = tpu.memref_slice %arg15[%dma_start3A_598, %dma_start3A_599] : memref<10000x64xbf16, #tpu.memory_space<vmem_shared>> -> memref<10000x64xbf16, #tpu.memory_space<vmem_shared>>
        tpu.enqueue_indirect_dma source(%dma_start3A_600 : memref<10000x64xbf16, #tpu.memory_space<vmem_shared>>) target(%dma_start3A_594 : memref<128x64xbf16, #tpu.memory_space<vmem>>) offsets(%dma_start3A_597 : memref<128xi32, #tpu.memory_space<vmem>>) semaphore(%arg18 : memref<!tpu.dma_semaphore, #tpu.memory_space<semaphore_mem>>)
      } else {
      }
      %add3A_460 = arith.constant 1 : i32
      %add3A_461 = arith.addi %mul3A_251, %add3A_460 : i32
      %dma_wait3A_462 = arith.constant 1 : i32
      %dma_wait3A_463 = arith.constant 0 : i32
      %dma_wait3A_464 = arith.constant 0 : i32
      %dma_wait3A_465 = tpu.memref_slice %arg13[%dma_wait3A_462, %dma_wait3A_463, %dma_wait3A_464] : memref<8x128x64xbf16, #tpu.memory_space<vmem>> -> memref<1x128x64xbf16, #tpu.memory_space<vmem>>
      %dma_wait3A_466 = tpu.memref_squeeze %dma_wait3A_465 : memref<1x128x64xbf16, #tpu.memory_space<vmem>> -> memref<128x64xbf16, #tpu.memory_space<vmem>>
      %dma_wait3A_467 = arith.constant 0 : i32
      %dma_wait3A_468 = tpu.memref_slice %arg12[%add3A_461, %dma_wait3A_467] : memref<160x128xi32, #tpu.memory_space<vmem>> -> memref<1x128xi32, #tpu.memory_space<vmem>>
      %dma_wait3A_469 = tpu.memref_squeeze %dma_wait3A_468 : memref<1x128xi32, #tpu.memory_space<vmem>> -> memref<128xi32, #tpu.memory_space<vmem>>
      %dma_wait3A_470 = arith.constant 0 : i32
      %dma_wait3A_471 = arith.constant 0 : i32
      %dma_wait3A_472 = tpu.memref_slice %arg16[%dma_wait3A_470, %dma_wait3A_471] : memref<10008x64xbf16, #tpu.memory_space<vmem_shared>> -> memref<10008x64xbf16, #tpu.memory_space<vmem_shared>>
      tpu.wait_indirect_dma semaphore(%arg27 : memref<!tpu.dma_semaphore, #tpu.memory_space<semaphore_mem>>) src(%dma_wait3A_466 : memref<128x64xbf16, #tpu.memory_space<vmem>>) dst(%dma_wait3A_472 : memref<10008x64xbf16, #tpu.memory_space<vmem_shared>>)
      %lt3A_473 = arith.constant 19 : i32
      %lt3A_474 = arith.cmpi slt, %add3A_249, %lt3A_473 : i32
      %convert_element_type3A_475 = arith.extui %lt3A_474 : i1 to i32
      %cond3A_476 = arith.constant 0 : i32
      %cond3A_477 = arith.cmpi ne, %convert_element_type3A_475, %cond3A_476 : i32
      scf.if %cond3A_477 {
        %add3A_586 = arith.constant 8 : i32
        %add3A_587 = arith.addi %mul3A_251, %add3A_586 : i32
        %add3A_588 = arith.constant 1 : i32
        %add3A_589 = arith.addi %add3A_587, %add3A_588 : i32
        %dma_start3A_590 = arith.constant 1 : i32
        %dma_start3A_591 = arith.constant 0 : i32
        %dma_start3A_592 = arith.constant 0 : i32
        %dma_start3A_593 = tpu.memref_slice %arg13[%dma_start3A_590, %dma_start3A_591, %dma_start3A_592] : memref<8x128x64xbf16, #tpu.memory_space<vmem>> -> memref<1x128x64xbf16, #tpu.memory_space<vmem>>
        %dma_start3A_594 = tpu.memref_squeeze %dma_start3A_593 : memref<1x128x64xbf16, #tpu.memory_space<vmem>> -> memref<128x64xbf16, #tpu.memory_space<vmem>>
        %dma_start3A_595 = arith.constant 0 : i32
        %dma_start3A_596 = tpu.memref_slice %arg11[%add3A_589, %dma_start3A_595] : memref<160x128xi32, #tpu.memory_space<vmem>> -> memref<1x128xi32, #tpu.memory_space<vmem>>
        %dma_start3A_597 = tpu.memref_squeeze %dma_start3A_596 : memref<1x128xi32, #tpu.memory_space<vmem>> -> memref<128xi32, #tpu.memory_space<vmem>>
        %dma_start3A_598 = arith.constant 0 : i32
        %dma_start3A_599 = arith.constant 0 : i32
        %dma_start3A_600 = tpu.memref_slice %arg15[%dma_start3A_598, %dma_start3A_599] : memref<10000x64xbf16, #tpu.memory_space<vmem_shared>> -> memref<10000x64xbf16, #tpu.memory_space<vmem_shared>>
        tpu.enqueue_indirect_dma source(%dma_start3A_600 : memref<10000x64xbf16, #tpu.memory_space<vmem_shared>>) target(%dma_start3A_594 : memref<128x64xbf16, #tpu.memory_space<vmem>>) offsets(%dma_start3A_597 : memref<128xi32, #tpu.memory_space<vmem>>) semaphore(%arg19 : memref<!tpu.dma_semaphore, #tpu.memory_space<semaphore_mem>>)
      } else {
      }
      %add3A_478 = arith.constant 2 : i32
      %add3A_479 = arith.addi %mul3A_251, %add3A_478 : i32
      %dma_wait3A_480 = arith.constant 2 : i32
      %dma_wait3A_481 = arith.constant 0 : i32
      %dma_wait3A_482 = arith.constant 0 : i32
      %dma_wait3A_483 = tpu.memref_slice %arg13[%dma_wait3A_480, %dma_wait3A_481, %dma_wait3A_482] : memref<8x128x64xbf16, #tpu.memory_space<vmem>> -> memref<1x128x64xbf16, #tpu.memory_space<vmem>>
      %dma_wait3A_484 = tpu.memref_squeeze %dma_wait3A_483 : memref<1x128x64xbf16, #tpu.memory_space<vmem>> -> memref<128x64xbf16, #tpu.memory_space<vmem>>
      %dma_wait3A_485 = arith.constant 0 : i32
      %dma_wait3A_486 = tpu.memref_slice %arg12[%add3A_479, %dma_wait3A_485] : memref<160x128xi32, #tpu.memory_space<vmem>> -> memref<1x128xi32, #tpu.memory_space<vmem>>
      %dma_wait3A_487 = tpu.memref_squeeze %dma_wait3A_486 : memref<1x128xi32, #tpu.memory_space<vmem>> -> memref<128xi32, #tpu.memory_space<vmem>>
      %dma_wait3A_488 = arith.constant 0 : i32
      %dma_wait3A_489 = arith.constant 0 : i32
      %dma_wait3A_490 = tpu.memref_slice %arg16[%dma_wait3A_488, %dma_wait3A_489] : memref<10008x64xbf16, #tpu.memory_space<vmem_shared>> -> memref<10008x64xbf16, #tpu.memory_space<vmem_shared>>
      tpu.wait_indirect_dma semaphore(%arg28 : memref<!tpu.dma_semaphore, #tpu.memory_space<semaphore_mem>>) src(%dma_wait3A_484 : memref<128x64xbf16, #tpu.memory_space<vmem>>) dst(%dma_wait3A_490 : memref<10008x64xbf16, #tpu.memory_space<vmem_shared>>)
      %lt3A_491 = arith.constant 19 : i32
      %lt3A_492 = arith.cmpi slt, %add3A_249, %lt3A_491 : i32
      %convert_element_type3A_493 = arith.extui %lt3A_492 : i1 to i32
      %cond3A_494 = arith.constant 0 : i32
      %cond3A_495 = arith.cmpi ne, %convert_element_type3A_493, %cond3A_494 : i32
      scf.if %cond3A_495 {
        %add3A_586 = arith.constant 8 : i32
        %add3A_587 = arith.addi %mul3A_251, %add3A_586 : i32
        %add3A_588 = arith.constant 2 : i32
        %add3A_589 = arith.addi %add3A_587, %add3A_588 : i32
        %dma_start3A_590 = arith.constant 2 : i32
        %dma_start3A_591 = arith.constant 0 : i32
        %dma_start3A_592 = arith.constant 0 : i32
        %dma_start3A_593 = tpu.memref_slice %arg13[%dma_start3A_590, %dma_start3A_591, %dma_start3A_592] : memref<8x128x64xbf16, #tpu.memory_space<vmem>> -> memref<1x128x64xbf16, #tpu.memory_space<vmem>>
        %dma_start3A_594 = tpu.memref_squeeze %dma_start3A_593 : memref<1x128x64xbf16, #tpu.memory_space<vmem>> -> memref<128x64xbf16, #tpu.memory_space<vmem>>
        %dma_start3A_595 = arith.constant 0 : i32
        %dma_start3A_596 = tpu.memref_slice %arg11[%add3A_589, %dma_start3A_595] : memref<160x128xi32, #tpu.memory_space<vmem>> -> memref<1x128xi32, #tpu.memory_space<vmem>>
        %dma_start3A_597 = tpu.memref_squeeze %dma_start3A_596 : memref<1x128xi32, #tpu.memory_space<vmem>> -> memref<128xi32, #tpu.memory_space<vmem>>
        %dma_start3A_598 = arith.constant 0 : i32
        %dma_start3A_599 = arith.constant 0 : i32
        %dma_start3A_600 = tpu.memref_slice %arg15[%dma_start3A_598, %dma_start3A_599] : memref<10000x64xbf16, #tpu.memory_space<vmem_shared>> -> memref<10000x64xbf16, #tpu.memory_space<vmem_shared>>
        tpu.enqueue_indirect_dma source(%dma_start3A_600 : memref<10000x64xbf16, #tpu.memory_space<vmem_shared>>) target(%dma_start3A_594 : memref<128x64xbf16, #tpu.memory_space<vmem>>) offsets(%dma_start3A_597 : memref<128xi32, #tpu.memory_space<vmem>>) semaphore(%arg20 : memref<!tpu.dma_semaphore, #tpu.memory_space<semaphore_mem>>)
      } else {
      }
      %add3A_496 = arith.constant 3 : i32
      %add3A_497 = arith.addi %mul3A_251, %add3A_496 : i32
      %dma_wait3A_498 = arith.constant 3 : i32
      %dma_wait3A_499 = arith.constant 0 : i32
      %dma_wait3A_500 = arith.constant 0 : i32
      %dma_wait3A_501 = tpu.memref_slice %arg13[%dma_wait3A_498, %dma_wait3A_499, %dma_wait3A_500] : memref<8x128x64xbf16, #tpu.memory_space<vmem>> -> memref<1x128x64xbf16, #tpu.memory_space<vmem>>
      %dma_wait3A_502 = tpu.memref_squeeze %dma_wait3A_501 : memref<1x128x64xbf16, #tpu.memory_space<vmem>> -> memref<128x64xbf16, #tpu.memory_space<vmem>>
      %dma_wait3A_503 = arith.constant 0 : i32
      %dma_wait3A_504 = tpu.memref_slice %arg12[%add3A_497, %dma_wait3A_503] : memref<160x128xi32, #tpu.memory_space<vmem>> -> memref<1x128xi32, #tpu.memory_space<vmem>>
      %dma_wait3A_505 = tpu.memref_squeeze %dma_wait3A_504 : memref<1x128xi32, #tpu.memory_space<vmem>> -> memref<128xi32, #tpu.memory_space<vmem>>
      %dma_wait3A_506 = arith.constant 0 : i32
      %dma_wait3A_507 = arith.constant 0 : i32
      %dma_wait3A_508 = tpu.memref_slice %arg16[%dma_wait3A_506, %dma_wait3A_507] : memref<10008x64xbf16, #tpu.memory_space<vmem_shared>> -> memref<10008x64xbf16, #tpu.memory_space<vmem_shared>>
      tpu.wait_indirect_dma semaphore(%arg29 : memref<!tpu.dma_semaphore, #tpu.memory_space<semaphore_mem>>) src(%dma_wait3A_502 : memref<128x64xbf16, #tpu.memory_space<vmem>>) dst(%dma_wait3A_508 : memref<10008x64xbf16, #tpu.memory_space<vmem_shared>>)
      %lt3A_509 = arith.constant 19 : i32
      %lt3A_510 = arith.cmpi slt, %add3A_249, %lt3A_509 : i32
      %convert_element_type3A_511 = arith.extui %lt3A_510 : i1 to i32
      %cond3A_512 = arith.constant 0 : i32
      %cond3A_513 = arith.cmpi ne, %convert_element_type3A_511, %cond3A_512 : i32
      scf.if %cond3A_513 {
        %add3A_586 = arith.constant 8 : i32
        %add3A_587 = arith.addi %mul3A_251, %add3A_586 : i32
        %add3A_588 = arith.constant 3 : i32
        %add3A_589 = arith.addi %add3A_587, %add3A_588 : i32
        %dma_start3A_590 = arith.constant 3 : i32
        %dma_start3A_591 = arith.constant 0 : i32
        %dma_start3A_592 = arith.constant 0 : i32
        %dma_start3A_593 = tpu.memref_slice %arg13[%dma_start3A_590, %dma_start3A_591, %dma_start3A_592] : memref<8x128x64xbf16, #tpu.memory_space<vmem>> -> memref<1x128x64xbf16, #tpu.memory_space<vmem>>
        %dma_start3A_594 = tpu.memref_squeeze %dma_start3A_593 : memref<1x128x64xbf16, #tpu.memory_space<vmem>> -> memref<128x64xbf16, #tpu.memory_space<vmem>>
        %dma_start3A_595 = arith.constant 0 : i32
        %dma_start3A_596 = tpu.memref_slice %arg11[%add3A_589, %dma_start3A_595] : memref<160x128xi32, #tpu.memory_space<vmem>> -> memref<1x128xi32, #tpu.memory_space<vmem>>
        %dma_start3A_597 = tpu.memref_squeeze %dma_start3A_596 : memref<1x128xi32, #tpu.memory_space<vmem>> -> memref<128xi32, #tpu.memory_space<vmem>>
        %dma_start3A_598 = arith.constant 0 : i32
        %dma_start3A_599 = arith.constant 0 : i32
        %dma_start3A_600 = tpu.memref_slice %arg15[%dma_start3A_598, %dma_start3A_599] : memref<10000x64xbf16, #tpu.memory_space<vmem_shared>> -> memref<10000x64xbf16, #tpu.memory_space<vmem_shared>>
        tpu.enqueue_indirect_dma source(%dma_start3A_600 : memref<10000x64xbf16, #tpu.memory_space<vmem_shared>>) target(%dma_start3A_594 : memref<128x64xbf16, #tpu.memory_space<vmem>>) offsets(%dma_start3A_597 : memref<128xi32, #tpu.memory_space<vmem>>) semaphore(%arg21 : memref<!tpu.dma_semaphore, #tpu.memory_space<semaphore_mem>>)
      } else {
      }
      %add3A_514 = arith.constant 4 : i32
      %add3A_515 = arith.addi %mul3A_251, %add3A_514 : i32
      %dma_wait3A_516 = arith.constant 4 : i32
      %dma_wait3A_517 = arith.constant 0 : i32
      %dma_wait3A_518 = arith.constant 0 : i32
      %dma_wait3A_519 = tpu.memref_slice %arg13[%dma_wait3A_516, %dma_wait3A_517, %dma_wait3A_518] : memref<8x128x64xbf16, #tpu.memory_space<vmem>> -> memref<1x128x64xbf16, #tpu.memory_space<vmem>>
      %dma_wait3A_520 = tpu.memref_squeeze %dma_wait3A_519 : memref<1x128x64xbf16, #tpu.memory_space<vmem>> -> memref<128x64xbf16, #tpu.memory_space<vmem>>
      %dma_wait3A_521 = arith.constant 0 : i32
      %dma_wait3A_522 = tpu.memref_slice %arg12[%add3A_515, %dma_wait3A_521] : memref<160x128xi32, #tpu.memory_space<vmem>> -> memref<1x128xi32, #tpu.memory_space<vmem>>
      %dma_wait3A_523 = tpu.memref_squeeze %dma_wait3A_522 : memref<1x128xi32, #tpu.memory_space<vmem>> -> memref<128xi32, #tpu.memory_space<vmem>>
      %dma_wait3A_524 = arith.constant 0 : i32
      %dma_wait3A_525 = arith.constant 0 : i32
      %dma_wait3A_526 = tpu.memref_slice %arg16[%dma_wait3A_524, %dma_wait3A_525] : memref<10008x64xbf16, #tpu.memory_space<vmem_shared>> -> memref<10008x64xbf16, #tpu.memory_space<vmem_shared>>
      tpu.wait_indirect_dma semaphore(%arg30 : memref<!tpu.dma_semaphore, #tpu.memory_space<semaphore_mem>>) src(%dma_wait3A_520 : memref<128x64xbf16, #tpu.memory_space<vmem>>) dst(%dma_wait3A_526 : memref<10008x64xbf16, #tpu.memory_space<vmem_shared>>)
      %lt3A_527 = arith.constant 19 : i32
      %lt3A_528 = arith.cmpi slt, %add3A_249, %lt3A_527 : i32
      %convert_element_type3A_529 = arith.extui %lt3A_528 : i1 to i32
      %cond3A_530 = arith.constant 0 : i32
      %cond3A_531 = arith.cmpi ne, %convert_element_type3A_529, %cond3A_530 : i32
      scf.if %cond3A_531 {
        %add3A_586 = arith.constant 8 : i32
        %add3A_587 = arith.addi %mul3A_251, %add3A_586 : i32
        %add3A_588 = arith.constant 4 : i32
        %add3A_589 = arith.addi %add3A_587, %add3A_588 : i32
        %dma_start3A_590 = arith.constant 4 : i32
        %dma_start3A_591 = arith.constant 0 : i32
        %dma_start3A_592 = arith.constant 0 : i32
        %dma_start3A_593 = tpu.memref_slice %arg13[%dma_start3A_590, %dma_start3A_591, %dma_start3A_592] : memref<8x128x64xbf16, #tpu.memory_space<vmem>> -> memref<1x128x64xbf16, #tpu.memory_space<vmem>>
        %dma_start3A_594 = tpu.memref_squeeze %dma_start3A_593 : memref<1x128x64xbf16, #tpu.memory_space<vmem>> -> memref<128x64xbf16, #tpu.memory_space<vmem>>
        %dma_start3A_595 = arith.constant 0 : i32
        %dma_start3A_596 = tpu.memref_slice %arg11[%add3A_589, %dma_start3A_595] : memref<160x128xi32, #tpu.memory_space<vmem>> -> memref<1x128xi32, #tpu.memory_space<vmem>>
        %dma_start3A_597 = tpu.memref_squeeze %dma_start3A_596 : memref<1x128xi32, #tpu.memory_space<vmem>> -> memref<128xi32, #tpu.memory_space<vmem>>
        %dma_start3A_598 = arith.constant 0 : i32
        %dma_start3A_599 = arith.constant 0 : i32
        %dma_start3A_600 = tpu.memref_slice %arg15[%dma_start3A_598, %dma_start3A_599] : memref<10000x64xbf16, #tpu.memory_space<vmem_shared>> -> memref<10000x64xbf16, #tpu.memory_space<vmem_shared>>
        tpu.enqueue_indirect_dma source(%dma_start3A_600 : memref<10000x64xbf16, #tpu.memory_space<vmem_shared>>) target(%dma_start3A_594 : memref<128x64xbf16, #tpu.memory_space<vmem>>) offsets(%dma_start3A_597 : memref<128xi32, #tpu.memory_space<vmem>>) semaphore(%arg22 : memref<!tpu.dma_semaphore, #tpu.memory_space<semaphore_mem>>)
      } else {
      }
      %add3A_532 = arith.constant 5 : i32
      %add3A_533 = arith.addi %mul3A_251, %add3A_532 : i32
      %dma_wait3A_534 = arith.constant 5 : i32
      %dma_wait3A_535 = arith.constant 0 : i32
      %dma_wait3A_536 = arith.constant 0 : i32
      %dma_wait3A_537 = tpu.memref_slice %arg13[%dma_wait3A_534, %dma_wait3A_535, %dma_wait3A_536] : memref<8x128x64xbf16, #tpu.memory_space<vmem>> -> memref<1x128x64xbf16, #tpu.memory_space<vmem>>
      %dma_wait3A_538 = tpu.memref_squeeze %dma_wait3A_537 : memref<1x128x64xbf16, #tpu.memory_space<vmem>> -> memref<128x64xbf16, #tpu.memory_space<vmem>>
      %dma_wait3A_539 = arith.constant 0 : i32
      %dma_wait3A_540 = tpu.memref_slice %arg12[%add3A_533, %dma_wait3A_539] : memref<160x128xi32, #tpu.memory_space<vmem>> -> memref<1x128xi32, #tpu.memory_space<vmem>>
      %dma_wait3A_541 = tpu.memref_squeeze %dma_wait3A_540 : memref<1x128xi32, #tpu.memory_space<vmem>> -> memref<128xi32, #tpu.memory_space<vmem>>
      %dma_wait3A_542 = arith.constant 0 : i32
      %dma_wait3A_543 = arith.constant 0 : i32
      %dma_wait3A_544 = tpu.memref_slice %arg16[%dma_wait3A_542, %dma_wait3A_543] : memref<10008x64xbf16, #tpu.memory_space<vmem_shared>> -> memref<10008x64xbf16, #tpu.memory_space<vmem_shared>>
      tpu.wait_indirect_dma semaphore(%arg31 : memref<!tpu.dma_semaphore, #tpu.memory_space<semaphore_mem>>) src(%dma_wait3A_538 : memref<128x64xbf16, #tpu.memory_space<vmem>>) dst(%dma_wait3A_544 : memref<10008x64xbf16, #tpu.memory_space<vmem_shared>>)
      %lt3A_545 = arith.constant 19 : i32
      %lt3A_546 = arith.cmpi slt, %add3A_249, %lt3A_545 : i32
      %convert_element_type3A_547 = arith.extui %lt3A_546 : i1 to i32
      %cond3A_548 = arith.constant 0 : i32
      %cond3A_549 = arith.cmpi ne, %convert_element_type3A_547, %cond3A_548 : i32
      scf.if %cond3A_549 {
        %add3A_586 = arith.constant 8 : i32
        %add3A_587 = arith.addi %mul3A_251, %add3A_586 : i32
        %add3A_588 = arith.constant 5 : i32
        %add3A_589 = arith.addi %add3A_587, %add3A_588 : i32
        %dma_start3A_590 = arith.constant 5 : i32
        %dma_start3A_591 = arith.constant 0 : i32
        %dma_start3A_592 = arith.constant 0 : i32
        %dma_start3A_593 = tpu.memref_slice %arg13[%dma_start3A_590, %dma_start3A_591, %dma_start3A_592] : memref<8x128x64xbf16, #tpu.memory_space<vmem>> -> memref<1x128x64xbf16, #tpu.memory_space<vmem>>
        %dma_start3A_594 = tpu.memref_squeeze %dma_start3A_593 : memref<1x128x64xbf16, #tpu.memory_space<vmem>> -> memref<128x64xbf16, #tpu.memory_space<vmem>>
        %dma_start3A_595 = arith.constant 0 : i32
        %dma_start3A_596 = tpu.memref_slice %arg11[%add3A_589, %dma_start3A_595] : memref<160x128xi32, #tpu.memory_space<vmem>> -> memref<1x128xi32, #tpu.memory_space<vmem>>
        %dma_start3A_597 = tpu.memref_squeeze %dma_start3A_596 : memref<1x128xi32, #tpu.memory_space<vmem>> -> memref<128xi32, #tpu.memory_space<vmem>>
        %dma_start3A_598 = arith.constant 0 : i32
        %dma_start3A_599 = arith.constant 0 : i32
        %dma_start3A_600 = tpu.memref_slice %arg15[%dma_start3A_598, %dma_start3A_599] : memref<10000x64xbf16, #tpu.memory_space<vmem_shared>> -> memref<10000x64xbf16, #tpu.memory_space<vmem_shared>>
        tpu.enqueue_indirect_dma source(%dma_start3A_600 : memref<10000x64xbf16, #tpu.memory_space<vmem_shared>>) target(%dma_start3A_594 : memref<128x64xbf16, #tpu.memory_space<vmem>>) offsets(%dma_start3A_597 : memref<128xi32, #tpu.memory_space<vmem>>) semaphore(%arg23 : memref<!tpu.dma_semaphore, #tpu.memory_space<semaphore_mem>>)
      } else {
      }
      %add3A_550 = arith.constant 6 : i32
      %add3A_551 = arith.addi %mul3A_251, %add3A_550 : i32
      %dma_wait3A_552 = arith.constant 6 : i32
      %dma_wait3A_553 = arith.constant 0 : i32
      %dma_wait3A_554 = arith.constant 0 : i32
      %dma_wait3A_555 = tpu.memref_slice %arg13[%dma_wait3A_552, %dma_wait3A_553, %dma_wait3A_554] : memref<8x128x64xbf16, #tpu.memory_space<vmem>> -> memref<1x128x64xbf16, #tpu.memory_space<vmem>>
      %dma_wait3A_556 = tpu.memref_squeeze %dma_wait3A_555 : memref<1x128x64xbf16, #tpu.memory_space<vmem>> -> memref<128x64xbf16, #tpu.memory_space<vmem>>
      %dma_wait3A_557 = arith.constant 0 : i32
      %dma_wait3A_558 = tpu.memref_slice %arg12[%add3A_551, %dma_wait3A_557] : memref<160x128xi32, #tpu.memory_space<vmem>> -> memref<1x128xi32, #tpu.memory_space<vmem>>
      %dma_wait3A_559 = tpu.memref_squeeze %dma_wait3A_558 : memref<1x128xi32, #tpu.memory_space<vmem>> -> memref<128xi32, #tpu.memory_space<vmem>>
      %dma_wait3A_560 = arith.constant 0 : i32
      %dma_wait3A_561 = arith.constant 0 : i32
      %dma_wait3A_562 = tpu.memref_slice %arg16[%dma_wait3A_560, %dma_wait3A_561] : memref<10008x64xbf16, #tpu.memory_space<vmem_shared>> -> memref<10008x64xbf16, #tpu.memory_space<vmem_shared>>
      tpu.wait_indirect_dma semaphore(%arg32 : memref<!tpu.dma_semaphore, #tpu.memory_space<semaphore_mem>>) src(%dma_wait3A_556 : memref<128x64xbf16, #tpu.memory_space<vmem>>) dst(%dma_wait3A_562 : memref<10008x64xbf16, #tpu.memory_space<vmem_shared>>)
      %lt3A_563 = arith.constant 19 : i32
      %lt3A_564 = arith.cmpi slt, %add3A_249, %lt3A_563 : i32
      %convert_element_type3A_565 = arith.extui %lt3A_564 : i1 to i32
      %cond3A_566 = arith.constant 0 : i32
      %cond3A_567 = arith.cmpi ne, %convert_element_type3A_565, %cond3A_566 : i32
      scf.if %cond3A_567 {
        %add3A_586 = arith.constant 8 : i32
        %add3A_587 = arith.addi %mul3A_251, %add3A_586 : i32
        %add3A_588 = arith.constant 6 : i32
        %add3A_589 = arith.addi %add3A_587, %add3A_588 : i32
        %dma_start3A_590 = arith.constant 6 : i32
        %dma_start3A_591 = arith.constant 0 : i32
        %dma_start3A_592 = arith.constant 0 : i32
        %dma_start3A_593 = tpu.memref_slice %arg13[%dma_start3A_590, %dma_start3A_591, %dma_start3A_592] : memref<8x128x64xbf16, #tpu.memory_space<vmem>> -> memref<1x128x64xbf16, #tpu.memory_space<vmem>>
        %dma_start3A_594 = tpu.memref_squeeze %dma_start3A_593 : memref<1x128x64xbf16, #tpu.memory_space<vmem>> -> memref<128x64xbf16, #tpu.memory_space<vmem>>
        %dma_start3A_595 = arith.constant 0 : i32
        %dma_start3A_596 = tpu.memref_slice %arg11[%add3A_589, %dma_start3A_595] : memref<160x128xi32, #tpu.memory_space<vmem>> -> memref<1x128xi32, #tpu.memory_space<vmem>>
        %dma_start3A_597 = tpu.memref_squeeze %dma_start3A_596 : memref<1x128xi32, #tpu.memory_space<vmem>> -> memref<128xi32, #tpu.memory_space<vmem>>
        %dma_start3A_598 = arith.constant 0 : i32
        %dma_start3A_599 = arith.constant 0 : i32
        %dma_start3A_600 = tpu.memref_slice %arg15[%dma_start3A_598, %dma_start3A_599] : memref<10000x64xbf16, #tpu.memory_space<vmem_shared>> -> memref<10000x64xbf16, #tpu.memory_space<vmem_shared>>
        tpu.enqueue_indirect_dma source(%dma_start3A_600 : memref<10000x64xbf16, #tpu.memory_space<vmem_shared>>) target(%dma_start3A_594 : memref<128x64xbf16, #tpu.memory_space<vmem>>) offsets(%dma_start3A_597 : memref<128xi32, #tpu.memory_space<vmem>>) semaphore(%arg24 : memref<!tpu.dma_semaphore, #tpu.memory_space<semaphore_mem>>)
      } else {
      }
      %add3A_568 = arith.constant 7 : i32
      %add3A_569 = arith.addi %mul3A_251, %add3A_568 : i32
      %dma_wait3A_570 = arith.constant 7 : i32
      %dma_wait3A_571 = arith.constant 0 : i32
      %dma_wait3A_572 = arith.constant 0 : i32
      %dma_wait3A_573 = tpu.memref_slice %arg13[%dma_wait3A_570, %dma_wait3A_571, %dma_wait3A_572] : memref<8x128x64xbf16, #tpu.memory_space<vmem>> -> memref<1x128x64xbf16, #tpu.memory_space<vmem>>
      %dma_wait3A_574 = tpu.memref_squeeze %dma_wait3A_573 : memref<1x128x64xbf16, #tpu.memory_space<vmem>> -> memref<128x64xbf16, #tpu.memory_space<vmem>>
      %dma_wait3A_575 = arith.constant 0 : i32
      %dma_wait3A_576 = tpu.memref_slice %arg12[%add3A_569, %dma_wait3A_575] : memref<160x128xi32, #tpu.memory_space<vmem>> -> memref<1x128xi32, #tpu.memory_space<vmem>>
      %dma_wait3A_577 = tpu.memref_squeeze %dma_wait3A_576 : memref<1x128xi32, #tpu.memory_space<vmem>> -> memref<128xi32, #tpu.memory_space<vmem>>
      %dma_wait3A_578 = arith.constant 0 : i32
      %dma_wait3A_579 = arith.constant 0 : i32
      %dma_wait3A_580 = tpu.memref_slice %arg16[%dma_wait3A_578, %dma_wait3A_579] : memref<10008x64xbf16, #tpu.memory_space<vmem_shared>> -> memref<10008x64xbf16, #tpu.memory_space<vmem_shared>>
      tpu.wait_indirect_dma semaphore(%arg33 : memref<!tpu.dma_semaphore, #tpu.memory_space<semaphore_mem>>) src(%dma_wait3A_574 : memref<128x64xbf16, #tpu.memory_space<vmem>>) dst(%dma_wait3A_580 : memref<10008x64xbf16, #tpu.memory_space<vmem_shared>>)
      %lt3A_581 = arith.constant 19 : i32
      %lt3A_582 = arith.cmpi slt, %add3A_249, %lt3A_581 : i32
      %convert_element_type3A_583 = arith.extui %lt3A_582 : i1 to i32
      %cond3A_584 = arith.constant 0 : i32
      %cond3A_585 = arith.cmpi ne, %convert_element_type3A_583, %cond3A_584 : i32
      scf.if %cond3A_585 {
        %add3A_586 = arith.constant 8 : i32
        %add3A_587 = arith.addi %mul3A_251, %add3A_586 : i32
        %add3A_588 = arith.constant 7 : i32
        %add3A_589 = arith.addi %add3A_587, %add3A_588 : i32
        %dma_start3A_590 = arith.constant 7 : i32
        %dma_start3A_591 = arith.constant 0 : i32
        %dma_start3A_592 = arith.constant 0 : i32
        %dma_start3A_593 = tpu.memref_slice %arg13[%dma_start3A_590, %dma_start3A_591, %dma_start3A_592] : memref<8x128x64xbf16, #tpu.memory_space<vmem>> -> memref<1x128x64xbf16, #tpu.memory_space<vmem>>
        %dma_start3A_594 = tpu.memref_squeeze %dma_start3A_593 : memref<1x128x64xbf16, #tpu.memory_space<vmem>> -> memref<128x64xbf16, #tpu.memory_space<vmem>>
        %dma_start3A_595 = arith.constant 0 : i32
        %dma_start3A_596 = tpu.memref_slice %arg11[%add3A_589, %dma_start3A_595] : memref<160x128xi32, #tpu.memory_space<vmem>> -> memref<1x128xi32, #tpu.memory_space<vmem>>
        %dma_start3A_597 = tpu.memref_squeeze %dma_start3A_596 : memref<1x128xi32, #tpu.memory_space<vmem>> -> memref<128xi32, #tpu.memory_space<vmem>>
        %dma_start3A_598 = arith.constant 0 : i32
        %dma_start3A_599 = arith.constant 0 : i32
        %dma_start3A_600 = tpu.memref_slice %arg15[%dma_start3A_598, %dma_start3A_599] : memref<10000x64xbf16, #tpu.memory_space<vmem_shared>> -> memref<10000x64xbf16, #tpu.memory_space<vmem_shared>>
        tpu.enqueue_indirect_dma source(%dma_start3A_600 : memref<10000x64xbf16, #tpu.memory_space<vmem_shared>>) target(%dma_start3A_594 : memref<128x64xbf16, #tpu.memory_space<vmem>>) offsets(%dma_start3A_597 : memref<128xi32, #tpu.memory_space<vmem>>) semaphore(%arg25 : memref<!tpu.dma_semaphore, #tpu.memory_space<semaphore_mem>>)
      } else {
      }
    }
    %scan3A_234 = arith.constant 20 : i32
    %barrier3A_235 = arith.constant 0 : index
    tpu.barrier barrier_id(%barrier3A_235)
    %eq3A_236 = arith.constant 0 : i32
    %eq3A_237 = arith.cmpi eq, %arg0, %eq3A_236 : i32
    %convert_element_type3A_238 = arith.extui %eq3A_237 : i1 to i32
    %cond3A_239 = arith.constant 0 : i32
    %cond3A_240 = arith.cmpi ne, %convert_element_type3A_238, %cond3A_239 : i32
    scf.if %cond3A_240 {
      %scan3A_246 = arith.constant 0 : i32
      %scan3A_247 = arith.constant 8 : i32
      %scan3A_248 = arith.addi %scan3A_246, %scan3A_247 : i32
      %scan3A_249 = arith.constant 1 : i32
      scf.for %scan3A_251 = %scan3A_246 to %scan3A_248 step %scan3A_249  : i32 {
        %mul3A_252 = arith.constant 1 : i32
        %mul3A_253 = arith.muli %scan3A_251, %mul3A_252 : i32
        %add3A = arith.constant 0 : i32
        %add3A_254 = arith.addi %add3A, %mul3A_253 : i32
        %mul3A_255 = arith.constant 8 : i32
        %mul3A_256 = arith.muli %arg1, %mul3A_255 : i32
        %add3A_257 = arith.addi %mul3A_256, %add3A_254 : i32
        %lt3A = arith.constant 125 : i32
        %lt3A_258 = arith.cmpi slt, %add3A_257, %lt3A : i32
        %convert_element_type3A_259 = arith.extui %lt3A_258 : i1 to i32
        %cond3A_260 = arith.constant 0 : i32
        %cond3A_261 = arith.cmpi ne, %convert_element_type3A_259, %cond3A_260 : i32
        scf.if %cond3A_261 {
          %mul3A_262 = arith.constant 80 : i32
          %mul3A_263 = arith.muli %add3A_257, %mul3A_262 : i32
          %multiple_of3A_264 = tpu.assume_multiple %mul3A_263, 8 : i32
          "tpu.region"() ({
            %run_scoped3A = tpu.sem_alloc : memref<!tpu.dma_semaphore, #tpu.memory_space<semaphore_mem>>
            %dma_start3A_265 = arith.constant 64 : i32
            %dma_start3A_266 = tpu.memref_slice %arg7[%multiple_of3A_264, %dma_start3A_265] : memref<10000x128xbf16, #tpu.memory_space<hbm>> -> memref<80x64xbf16, #tpu.memory_space<hbm>>
            %dma_start3A_267 = arith.constant 0 : i32
            %dma_start3A_268 = tpu.memref_slice %arg16[%multiple_of3A_264, %dma_start3A_267] : memref<10008x64xbf16, #tpu.memory_space<vmem_shared>> -> memref<80x64xbf16, #tpu.memory_space<vmem_shared>>
            tpu.enqueue_dma source(%dma_start3A_268 : memref<80x64xbf16, #tpu.memory_space<vmem_shared>>) target(%dma_start3A_266 : memref<80x64xbf16, #tpu.memory_space<hbm>>) target_semaphore(%run_scoped3A : memref<!tpu.dma_semaphore, #tpu.memory_space<semaphore_mem>>)
            %dma_wait3A = arith.constant 64 : i32
            %dma_wait3A_269 = tpu.memref_slice %arg7[%multiple_of3A_264, %dma_wait3A] : memref<10000x128xbf16, #tpu.memory_space<hbm>> -> memref<80x64xbf16, #tpu.memory_space<hbm>>
            %dma_wait3A_270 = arith.constant 0 : i32
            %dma_wait3A_271 = tpu.memref_slice %arg16[%multiple_of3A_264, %dma_wait3A_270] : memref<10008x64xbf16, #tpu.memory_space<vmem_shared>> -> memref<80x64xbf16, #tpu.memory_space<vmem_shared>>
            tpu.wait_dma2 semaphore(%run_scoped3A : memref<!tpu.dma_semaphore, #tpu.memory_space<semaphore_mem>>) src(%dma_wait3A_271 : memref<80x64xbf16, #tpu.memory_space<vmem_shared>>) dst(%dma_wait3A_269 : memref<80x64xbf16, #tpu.memory_space<hbm>>)
            tpu.yield
          }) : () -> ()
        } else {
        }
      }
      %scan3A_250 = arith.constant 8 : i32
    } else {
    }
    %eq3A_241 = arith.constant 1 : i32
    %eq3A_242 = arith.cmpi eq, %arg0, %eq3A_241 : i32
    %convert_element_type3A_243 = arith.extui %eq3A_242 : i1 to i32
    %cond3A_244 = arith.constant 0 : i32
    %cond3A_245 = arith.cmpi ne, %convert_element_type3A_243, %cond3A_244 : i32
    scf.if %cond3A_245 {
      %scan3A_246 = arith.constant 0 : i32
      %scan3A_247 = arith.constant 8 : i32
      %scan3A_248 = arith.addi %scan3A_246, %scan3A_247 : i32
      %scan3A_249 = arith.constant 1 : i32
      scf.for %scan3A_251 = %scan3A_246 to %scan3A_248 step %scan3A_249  : i32 {
        %mul3A_252 = arith.constant 1 : i32
        %mul3A_253 = arith.muli %scan3A_251, %mul3A_252 : i32
        %add3A = arith.constant 0 : i32
        %add3A_254 = arith.addi %add3A, %mul3A_253 : i32
        %mul3A_255 = arith.constant 8 : i32
        %mul3A_256 = arith.muli %arg1, %mul3A_255 : i32
        %add3A_257 = arith.addi %mul3A_256, %add3A_254 : i32
        %lt3A = arith.constant 125 : i32
        %lt3A_258 = arith.cmpi slt, %add3A_257, %lt3A : i32
        %convert_element_type3A_259 = arith.extui %lt3A_258 : i1 to i32
        %cond3A_260 = arith.constant 0 : i32
        %cond3A_261 = arith.cmpi ne, %convert_element_type3A_259, %cond3A_260 : i32
        scf.if %cond3A_261 {
          %mul3A_262 = arith.constant 80 : i32
          %mul3A_263 = arith.muli %add3A_257, %mul3A_262 : i32
          %multiple_of3A_264 = tpu.assume_multiple %mul3A_263, 8 : i32
          "tpu.region"() ({
            %run_scoped3A = tpu.sem_alloc : memref<!tpu.dma_semaphore, #tpu.memory_space<semaphore_mem>>
            %dma_start3A_265 = arith.constant 64 : i32
            %dma_start3A_266 = tpu.memref_slice %arg9[%multiple_of3A_264, %dma_start3A_265] : memref<10000x128xbf16, #tpu.memory_space<hbm>> -> memref<80x64xbf16, #tpu.memory_space<hbm>>
            %dma_start3A_267 = arith.constant 0 : i32
            %dma_start3A_268 = tpu.memref_slice %arg16[%multiple_of3A_264, %dma_start3A_267] : memref<10008x64xbf16, #tpu.memory_space<vmem_shared>> -> memref<80x64xbf16, #tpu.memory_space<vmem_shared>>
            tpu.enqueue_dma source(%dma_start3A_268 : memref<80x64xbf16, #tpu.memory_space<vmem_shared>>) target(%dma_start3A_266 : memref<80x64xbf16, #tpu.memory_space<hbm>>) target_semaphore(%run_scoped3A : memref<!tpu.dma_semaphore, #tpu.memory_space<semaphore_mem>>)
            %dma_wait3A = arith.constant 64 : i32
            %dma_wait3A_269 = tpu.memref_slice %arg9[%multiple_of3A_264, %dma_wait3A] : memref<10000x128xbf16, #tpu.memory_space<hbm>> -> memref<80x64xbf16, #tpu.memory_space<hbm>>
            %dma_wait3A_270 = arith.constant 0 : i32
            %dma_wait3A_271 = tpu.memref_slice %arg16[%multiple_of3A_264, %dma_wait3A_270] : memref<10008x64xbf16, #tpu.memory_space<vmem_shared>> -> memref<80x64xbf16, #tpu.memory_space<vmem_shared>>
            tpu.wait_dma2 semaphore(%run_scoped3A : memref<!tpu.dma_semaphore, #tpu.memory_space<semaphore_mem>>) src(%dma_wait3A_271 : memref<80x64xbf16, #tpu.memory_space<vmem_shared>>) dst(%dma_wait3A_269 : memref<80x64xbf16, #tpu.memory_space<hbm>>)
            tpu.yield
          }) : () -> ()
        } else {
        }
      }
      %scan3A_250 = arith.constant 8 : i32
    } else {
    }
    return
  }
}

module attributes {stable_mosaic.version = 14 : i64} {
  func.func @_tc_body(%arg0: i32, %arg1: memref<400x128xbf16, #tpu.memory_space<vmem>>, %arg2: memref<400x32xbf16, #tpu.memory_space<vmem>>, %arg3: memref<400x128xbf16, #tpu.memory_space<vmem>>, %arg4: memref<400x32xbf16, #tpu.memory_space<vmem>>, %arg5: memref<128x128xf32, #tpu.memory_space<vmem>>, %arg6: memref<128x128xf32, #tpu.memory_space<vmem>>, %arg7: memref<1x128xf32, #tpu.memory_space<vmem>>, %arg8: memref<1x128xf32, #tpu.memory_space<vmem>>, %arg9: memref<400x128xf32, #tpu.memory_space<vmem>>) attributes {dimension_semantics = [#tpu.dimension_semantics<arbitrary>], iteration_bounds = array<i64: 25>, scalar_prefetch = 0 : i64, scratch_operands = 0 : i64, tpu.core_type = #tpu.core_type<tc>, window_params = [{transform_indices = @transform_0, window_bounds = array<i64: 400, 128>}, {transform_indices = @transform_1, window_bounds = array<i64: 400, 32>}, {transform_indices = @transform_2, window_bounds = array<i64: 400, 128>}, {transform_indices = @transform_3, window_bounds = array<i64: 400, 32>}, {pipeline_mode = #tpu.pipeline_mode<synchronous>, transform_indices = @transform_4, window_bounds = array<i64: 128, 128>}, {pipeline_mode = #tpu.pipeline_mode<synchronous>, transform_indices = @transform_5, window_bounds = array<i64: 128, 128>}, {pipeline_mode = #tpu.pipeline_mode<synchronous>, transform_indices = @transform_6, window_bounds = array<i64: 1, 128>}, {pipeline_mode = #tpu.pipeline_mode<synchronous>, transform_indices = @transform_7, window_bounds = array<i64: 1, 128>}, {transform_indices = @transform_8, window_bounds = array<i64: 400, 128>}]} {
    %get3A = arith.constant 0 : index
    %get3A_0 = arith.constant 0 : index
    %get3A_1 = vector.load %arg1[%get3A, %get3A_0] : memref<400x128xbf16, #tpu.memory_space<vmem>>, vector<400x128xbf16>
    %convert_element_type3A = arith.extf %get3A_1 : vector<400x128xbf16> to vector<400x128xf32>
    %get3A_2 = arith.constant 0 : index
    %get3A_3 = arith.constant 0 : index
    %get3A_4 = vector.load %arg2[%get3A_2, %get3A_3] : memref<400x32xbf16, #tpu.memory_space<vmem>>, vector<400x1xbf16>
    %convert_element_type3A_5 = arith.extf %get3A_4 : vector<400x1xbf16> to vector<400x1xf32>
    %div3A = vector.broadcast %convert_element_type3A_5 : vector<400x1xf32> to vector<400x128xf32>
    %div3A_6 = arith.divf %convert_element_type3A, %div3A : vector<400x128xf32>
    %get3A_7 = arith.constant 0 : index
    %get3A_8 = arith.constant 0 : index
    %get3A_9 = vector.load %arg3[%get3A_7, %get3A_8] : memref<400x128xbf16, #tpu.memory_space<vmem>>, vector<400x128xbf16>
    %convert_element_type3A_10 = arith.extf %get3A_9 : vector<400x128xbf16> to vector<400x128xf32>
    %get3A_11 = arith.constant 0 : index
    %get3A_12 = arith.constant 0 : index
    %get3A_13 = vector.load %arg4[%get3A_11, %get3A_12] : memref<400x32xbf16, #tpu.memory_space<vmem>>, vector<400x1xbf16>
    %convert_element_type3A_14 = arith.extf %get3A_13 : vector<400x1xbf16> to vector<400x1xf32>
    %div3A_15 = vector.broadcast %convert_element_type3A_14 : vector<400x1xf32> to vector<400x128xf32>
    %div3A_16 = arith.divf %convert_element_type3A_10, %div3A_15 : vector<400x128xf32>
    %get3A_17 = arith.constant 0 : index
    %get3A_18 = arith.constant 0 : index
    %get3A_19 = vector.load %arg5[%get3A_17, %get3A_18] : memref<128x128xf32, #tpu.memory_space<vmem>>, vector<128x128xf32>
    %dot_general3A = arith.constant dense<0.000000e+00> : vector<400x128xf32>
    %dot_general3A_20 = tpu.matmul %div3A_6, %get3A_19, %dot_general3A {dimension_numbers = #tpu.dot_dimension_numbers<[1], [0], [0], [1], [0, 0, 1, 1], [], []>, transpose_lhs_hint = false} : vector<400x128xf32>, vector<128x128xf32>, vector<400x128xf32> -> vector<400x128xf32>
    %get3A_21 = arith.constant 0 : index
    %get3A_22 = arith.constant 0 : index
    %get3A_23 = vector.load %arg6[%get3A_21, %get3A_22] : memref<128x128xf32, #tpu.memory_space<vmem>>, vector<128x128xf32>
    %dot_general3A_24 = arith.constant dense<0.000000e+00> : vector<400x128xf32>
    %dot_general3A_25 = tpu.matmul %div3A_16, %get3A_23, %dot_general3A_24 {dimension_numbers = #tpu.dot_dimension_numbers<[1], [0], [0], [1], [0, 0, 1, 1], [], []>, transpose_lhs_hint = false} : vector<400x128xf32>, vector<128x128xf32>, vector<400x128xf32> -> vector<400x128xf32>
    %add3A = arith.addf %dot_general3A_20, %dot_general3A_25 : vector<400x128xf32>
    %mul3A = arith.constant 5.000000e-01 : f32
    %mul3A_26 = vector.broadcast %mul3A : f32 to vector<400x128xf32>
    %mul3A_27 = arith.mulf %mul3A_26, %add3A : vector<400x128xf32>
    %get3A_28 = arith.constant 0 : index
    %get3A_29 = arith.constant 0 : index
    %get3A_30 = vector.load %arg7[%get3A_28, %get3A_29] : memref<1x128xf32, #tpu.memory_space<vmem>>, vector<1x128xf32>
    %get3A_31 = arith.constant 0 : index
    %get3A_32 = arith.constant 0 : index
    %get3A_33 = vector.load %arg8[%get3A_31, %get3A_32] : memref<1x128xf32, #tpu.memory_space<vmem>>, vector<1x128xf32>
    %add3A_34 = arith.addf %get3A_30, %get3A_33 : vector<1x128xf32>
    %mul3A_35 = arith.constant 5.000000e-01 : f32
    %mul3A_36 = vector.broadcast %mul3A_35 : f32 to vector<1x128xf32>
    %mul3A_37 = arith.mulf %mul3A_36, %add3A_34 : vector<1x128xf32>
    %add3A_38 = vector.broadcast %mul3A_37 : vector<1x128xf32> to vector<400x128xf32>
    %add3A_39 = arith.addf %mul3A_27, %add3A_38 : vector<400x128xf32>
    %swap3A = arith.constant 0 : index
    %swap3A_40 = arith.constant 0 : index
    %swap3A_41 = vector.load %arg9[%swap3A, %swap3A_40] : memref<400x128xf32, #tpu.memory_space<vmem>>, vector<400x128xf32>
    tpu.vector_store %arg9[%swap3A, %swap3A_40], %add3A_39 {strides = array<i32>} : memref<400x128xf32, #tpu.memory_space<vmem>>, vector<400x128xf32>,
    return
  }
  func.func @transform_0(%arg0: i32) -> (i32, i32) {
    %c0_i32 = arith.constant 0 : i32
    %c0_i32_0 = arith.constant 0 : i32
    return %arg0, %c0_i32 : i32, i32
  }
  func.func @transform_1(%arg0: i32) -> (i32, i32) {
    %c0_i32 = arith.constant 0 : i32
    %c0_i32_0 = arith.constant 0 : i32
    return %arg0, %c0_i32 : i32, i32
  }
  func.func @transform_2(%arg0: i32) -> (i32, i32) {
    %c0_i32 = arith.constant 0 : i32
    %c0_i32_0 = arith.constant 0 : i32
    return %arg0, %c0_i32 : i32, i32
  }
  func.func @transform_3(%arg0: i32) -> (i32, i32) {
    %c0_i32 = arith.constant 0 : i32
    %c0_i32_0 = arith.constant 0 : i32
    return %arg0, %c0_i32 : i32, i32
  }
  func.func @transform_4(%arg0: i32) -> (i32, i32) {
    %c0_i32 = arith.constant 0 : i32
    %c0_i32_0 = arith.constant 0 : i32
    %c0_i32_1 = arith.constant 0 : i32
    return %c0_i32, %c0_i32_0 : i32, i32
  }
  func.func @transform_5(%arg0: i32) -> (i32, i32) {
    %c0_i32 = arith.constant 0 : i32
    %c0_i32_0 = arith.constant 0 : i32
    %c0_i32_1 = arith.constant 0 : i32
    return %c0_i32, %c0_i32_0 : i32, i32
  }
  func.func @transform_6(%arg0: i32) -> (i32, i32) {
    %c0_i32 = arith.constant 0 : i32
    %c0_i32_0 = arith.constant 0 : i32
    %c0_i32_1 = arith.constant 0 : i32
    return %c0_i32, %c0_i32_0 : i32, i32
  }
  func.func @transform_7(%arg0: i32) -> (i32, i32) {
    %c0_i32 = arith.constant 0 : i32
    %c0_i32_0 = arith.constant 0 : i32
    %c0_i32_1 = arith.constant 0 : i32
    return %c0_i32, %c0_i32_0 : i32, i32
  }
  func.func @transform_8(%arg0: i32) -> (i32, i32) {
    %c0_i32 = arith.constant 0 : i32
    %c0_i32_0 = arith.constant 0 : i32
    return %arg0, %c0_i32 : i32, i32
  }
}

</mosaic_0001>

<sc_bundles>
// kernel: kernel.4.cloned.1.call-start
scs
__scs_entry_jumppad:
0x0: {  	(pc) =	sbr.rel $0x88, $3  }
0x1: {  	(tag) =	ssettag $0x0;
	lr =	simm.s32 $0x1  }
0x2: {  	[smem:$0x3F9A] =	sst lr;
	_ =	strace $0xD0000000  }
0x3: {  	_ = 	snop  }
0x4: {  	_ = 	snop  }
0x5: {  	_ = 	snop  }
0x6: {  	_ = 	snop  }
0x7: {  	_ = 	snop  }
__scs_overlays_trampoline_lowered:
0x8: {  	[smem:$0x3FA9] =	sst s0  }
0x9: {  	[smem:$0x3FAA] =	sst s1  }
0xa: {  	[smem:$0x3FAB] =	sst s2  }
0xb: {  	[smem:$0x3FAC] =	sst s3  }
0xc: {  	[smem:$0x3FAD] =	sst s4  }
0xd: {  	[smem:$0x3FAE] =	sst s5  }
0xe: {  	[smem:$0x3FAF] =	sst s6  }
0xf: {  	[smem:$0x3FB0] =	sst s7  }
0x10: {  	[smem:$0x3FB1] =	sst s8  }
0x11: {  	[smem:$0x3FB2] =	sst s9;
	s0 =	simm.s32 @!p0 $0x0  }
0x12: {  	s1 =	sld [smem:$0x3F98];
	s0 =	simm.s32 @p0 $0x1  }
0x13: {  	[smem:$0x3FB3] =	sst s0;
	s0 =	simm.s32 @!p1 $0x0  }
0x14: {  	s2 =	sld [smem:$0x3F97];
	s0 =	simm.s32 @p1 $0x1  }
0x15: {  	[smem:$0x3FB4] =	sst s0;
	s0 =	simm.s32 @!p2 $0x0  }
0x16: {  	s3 =	sld [smem:$0x3FDB];
	s0 =	simm.s32 @p2 $0x1  }
0x17: {  	s4 =	simm.s32 $0x1BF5;
	[smem:$0x3FB6] =	sst s0  }
0x18: {  	s0 =	sld [smem:$0x3F99];
	_ =	swait.ge [sflag:s4], $0x0  }
0x19: {  	s7 =	sld [smem:$0x3F9A]  }
0x1a: {  	s8 =	sadd.s32 $0xFFFFE003, lr  }
0x1b: {  	s9 =	sadd.s32 $0xFFFFFEF7, lr;
	s5 =	simm.s32 $0xFFFFFFFF;
	p2 =	slt.u32 s8, $0xFFFFF086  }
0x1c: {  	p1 =	slt.u32 s9, $0xF7A;
	s5 =	simm.s32 @!p2 $0x0  }
0x1d: {  	s5 =	simm.s32 @p1 $0x1;
	p0 =	seq.s32 s7, s2  }
0x1e: {  	s7 =	smul.u32 @!p0 $0xF7A, s2;
	p2 =	seq.s32 @!p0 s5, $0x0  }
0x1f: {  	s9 =	smul.u32 $0xF7A, s1;
	s8 =	simm.s32 @!p0 $0x1BF5;
	p2 =	por !p2, p0  }
0x20: {  	[sflag:s8] =	ssyncset.s32 @!p0 $0xFFFFF086;
	s6 =	sadd.s32 @!p0 s3, s7;
	s7 =	simm.s32 @!p0 $0x108  }
0x21: {  	s3 =	sadd.s32 s3, s9;
	s6 =	sadd.s32 @!p0 $0x88, s6;
	s7 =	simm.s32 @p2 $0x1082  }
0x22: {  	[simem:s7], [sflag:s8] =	dma.local @!p0 [hbm:s6], $0xF7A  }
0x23: {  	s9 =	sor.u32 $0xD0000000, s2;
	s6 =	simm.s32 $0x108;
	_ =	swait.ge @!p0 [sflag:s8], $0x0  }
0x24: {  	s3 =	sadd.s32 $0x88, s3;
	s6 =	simm.s32 @!p1 $0x1082;
	[sflag:s4] =	ssyncset.s32 $0xFFFFF086  }
0x25: {  	[simem:s6], [sflag:s4] =	dma.local [hbm:s3], $0xF7A  }
0x26: {  	[smem:$0x3F9A] =	sst s1;
	(tag) =	ssettag s2;
	_ =	strace s9  }
0x27: {  	s1 =	sld [smem:$0x3FAA]  }
0x28: {  	s2 =	sld [smem:$0x3FAB]  }
0x29: {  	s4 =	sld [smem:$0x3FAD]  }
0x2a: {  	p0 =	seq.s32 s5, $0x0;
	s5 =	sld [smem:$0x3FAE]  }
0x2b: {  	s6 =	sld [smem:$0x3FAF]  }
0x2c: {  	s7 =	sld [smem:$0x3FB0]  }
0x2d: {  	s3 =	simm.s32 $0x108;
	s8 =	sld [smem:$0x3FB1]  }
0x2e: {  	s3 =	simm.s32 @!p0 $0x1082;
	s9 =	sld [smem:$0x3FB2]  }
0x2f: {  	lr =	sadd.s32 s0, s3;
	s0 =	sld [smem:$0x3FA9]  }
0x30: {  	s3 =	sld [smem:$0x3FAC]  }
0x31: {  	[smem:$0x3FB5] =	sst s10  }
0x32: {  	s10 =	sld [smem:$0x3FB3];
	_ =	sdelay $0x3  }
0x33: {  	p0 =	seq.s32 s10, $0x1;
	s10 =	sld [smem:$0x3FB5];
	_ =	sdelay $0x3  }
0x34: {  	[smem:$0x3FB5] =	sst s10  }
0x35: {  	s10 =	sld [smem:$0x3FB4];
	_ =	sdelay $0x3  }
0x36: {  	p1 =	seq.s32 s10, $0x1;
	s10 =	sld [smem:$0x3FB5];
	_ =	sdelay $0x3  }
0x37: {  	[smem:$0x3FB5] =	sst s10  }
0x38: {  	s10 =	sld [smem:$0x3FB6]  }
0x39: {  	_ = 	snop;
	(pc) =	sbr.ind lr, $3  }
0x3a: {  	_ = 	snop  }
0x3b: {  	_ = 	snop  }
0x3c: {  	p2 =	seq.s32 s10, $0x1;
	s10 =	sld [smem:$0x3FB5]  }
0x3d: {  	_ =	shalt  }
0x3e: {  	_ =	shalt  }
0x3f: {  	_ =	shalt  }
0x40: {  	_ =	shalt  }
0x41: {  	_ =	shalt  }
0x42: {  	_ =	shalt  }
0x43: {  	_ =	shalt  }
0x44: {  	_ =	shalt  }
0x45: {  	_ =	shalt  }
0x46: {  	_ =	shalt  }
0x47: {  	_ =	shalt  }
0x48: {  	_ =	shalt  }
0x49: {  	_ =	shalt  }
0x4a: {  	_ =	shalt  }
0x4b: {  	_ =	shalt  }
0x4c: {  	_ =	shalt  }
0x4d: {  	_ =	shalt  }
0x4e: {  	_ =	shalt  }
0x4f: {  	_ =	shalt  }
0x50: {  	_ =	shalt  }
0x51: {  	_ =	shalt  }
0x52: {  	_ =	shalt  }
0x53: {  	_ =	shalt  }
0x54: {  	_ =	shalt  }
0x55: {  	_ =	shalt  }
0x56: {  	_ =	shalt  }
0x57: {  	_ =	shalt  }
0x58: {  	_ =	shalt  }
0x59: {  	_ =	shalt  }
0x5a: {  	_ =	shalt  }
0x5b: {  	_ =	shalt  }
0x5c: {  	_ =	shalt  }
0x5d: {  	_ =	shalt  }
0x5e: {  	_ =	shalt  }
0x5f: {  	_ =	shalt  }
0x60: {  	_ =	shalt  }
0x61: {  	_ =	shalt  }
0x62: {  	_ =	shalt  }
0x63: {  	_ =	shalt  }
0x64: {  	_ =	shalt  }
0x65: {  	_ =	shalt  }
0x66: {  	_ =	shalt  }
0x67: {  	_ =	shalt  }
0x68: {  	_ =	shalt  }
0x69: {  	_ =	shalt  }
0x6a: {  	_ =	shalt  }
0x6b: {  	_ =	shalt  }
0x6c: {  	_ =	shalt  }
0x6d: {  	_ =	shalt  }
0x6e: {  	_ =	shalt  }
0x6f: {  	_ =	shalt  }
0x70: {  	_ =	shalt  }
0x71: {  	_ =	shalt  }
0x72: {  	_ =	shalt  }
0x73: {  	_ =	shalt  }
0x74: {  	_ =	shalt  }
0x75: {  	_ =	shalt  }
0x76: {  	_ =	shalt  }
0x77: {  	_ =	shalt  }
0x78: {  	_ =	shalt  }
0x79: {  	_ =	shalt  }
0x7a: {  	_ =	shalt  }
0x7b: {  	_ =	shalt  }
0x7c: {  	_ =	shalt  }
0x7d: {  	_ =	shalt  }
0x7e: {  	_ =	shalt  }
0x7f: {  	_ =	shalt  }
0x80: {  	_ =	shalt  }
0x81: {  	_ =	shalt  }
0x82: {  	_ =	shalt  }
0x83: {  	_ =	shalt  }
0x84: {  	_ =	shalt  }
0x85: {  	_ =	shalt  }
0x86: {  	_ =	shalt  }
0x87: {  	_ =	shalt  }
.Lfunc_end0:
.L_simem_size_0:
called_computation_lowered:
.L_overlay_start_0:
0x88: {  	s2 =	sld [smem:$0x3FD9]  }
0x89: {  	s3 =	sld [smem:$0x3FFE];
	_ =	sdelay $0x1  }
0x8a: {  	s1 =	srdreg.scid  }
0x8b: {  	s0 =	sand.u32 $0x1, s1  }
0x8c: {  	s17 =	sshll.u32 s0, $0xA;
	s2 =	sadd.s32 s3, s2  }
0x8d: {  	s2 =	sadd.s32 s2, s17  }
0x8e: {  	[smem:$0x3FC1] =	sst s2  }
0x8f: {  	_ = 	snop  }
0x90: {  	s2 =	sld [smem:$0x3FD0];
	(tm) =	ssettm $0x1  }
0x91: {  	s18 =	sld [smem:$0x3FFB];
	_ =	sdelay $0x3  }
0x92: {  	_ =	strace s18  }
0x93: {  	s3 =	sld [smem:$0x3FFC];
	_ =	sdelay $0x3  }
0x94: {  	_ =	strace s3  }
0x95: {  	s3 =	sld [smem:$0x3FFD];
	_ =	sdelay $0x3  }
0x96: {  	_ =	strace s3  }
0x97: {  	_ =	strace $0x8FFFFFFF  }
0x98: {  	s19 =	sld [smem:$0x3FDB];
	_ =	sdelay $0x1  }
0x99: {  	s4 =	simm.s32 $_scs_section_size  }
0x9a: {  	s5 =	simm.s32 $_size__tile_overlayer_lowered;
	s6 =	simm.s32 $_tile_overlayer_lowered  }
0x9b: {  	s22 =	simm.s32 $0x1BFF;
	s21 =	sshll.u32 s6, $0x1;
	s3 =	sadd.s32 s4, s19  }
0x9c: {  	s7 =	simm.s32 $0x0;
	s20 =	sshll.u32 s5, $0x1;
	s5 =	sadd.s32 s21, s3  }
0x9d: {  	[timem:s7], [sflag:s22] =	dma.local [hbm:s5], s20  }
0x9e: {  	_ =	swait.ge [sflag:s22], s20  }
0x9f: {  	s4 =	ssub.s32 $0x0, s20;
	[sflag:s22] =	ssyncset.done $0x0  }
0xa0: {  	[sflag:s22] =	ssyncadd.s32 s4;
	_ =	sdelay $0x1  }
0xa1: {  	s23 =	simm.s32 $0x1B8B  }
0xa2: {  	_ =	swait.ge [sflag:s23], $0x1  }
0xa3: {  	[sflag:s23] =	ssyncset.done $0x0  }
0xa4: {  	s25 =	simm.s32 $0x1B8E;
	s24 =	sld [smem:$0x3FFE];
	[sflag:s23] =	ssyncadd.s32 $0xFFFFFFFF  }
0xa5: {  	s26 =	simm.s32 $execute0_lowered;
	[smem:$0x3FD2] =	sst s25  }
0xa6: {  	s5 =	sshll.u32 s26, $0x1;
	_ =	strace $0x80000046;
	[dreg:$0x1] =	wrdreg $0xFFFFFFFF  }
0xa7: {  	s28 =	simm.s32 $_size_execute0_lowered;
	s3 =	sadd.s32 s3, s5;
	[dreg:$0x0] =	wrdreg $0x0  }
0xa8: {  	s5 =	sshll.u32 s28, $0x1;
	[dreg:$0x2] =	wrdreg s3  }
0xa9: {  	[dreg:$0x3] =	wrdreg s5  }
0xaa: {  	[dreg:$0x4] =	wrdreg $0xC0  }
0xab: {  	_ =	task [dreg:s7], $0x5FFFF  }
0xac: {  	[dreg:$0x1] =	wrdreg $0xFFFFFFFF  }
0xad: {  	[dreg:$0x0] =	wrdreg $0x60  }
0xae: {  	[dreg:$0x2] =	wrdreg s2  }
0xaf: {  	[dreg:$0x3] =	wrdreg s24  }
0xb0: {  	[dreg:$0x4] =	wrdreg $0x128000  }
0xb1: {  	[dreg:$0x5] =	wrdreg $0x176200  }
0xb2: {  	[dreg:$0x6] =	wrdreg $0x1C4500  }
0xb3: {  	[dreg:$0x7] =	wrdreg $0x9  }
0xb4: {  	_ =	task.clear_ibuf [dreg:s7], $0x8FFFF;
	_ =	strace $0x90000046  }
0xb5: {  	s29 =	simm.s32 $0x9;
	_ =	strace $0x80000048  }
0xb6: {  	_ =	swait.ge [sflag:s29], $0x1  }
0xb7: {  	[sflag:s29] =	ssyncadd.s32 $0xFFFFFFFF  }
0xb8: {  	_ =	strace $0x90000048  }
0xb9: {  	_ =	sfence  }
0xba: {  	s30 =	sld [smem:$0x0];
	_ =	sdelay $0x2  }
0xbb: {  	s31 =	sshll.u32 s1, $0xD;
	s1 =	sshrl.u32 s1, $0x2  }
0xbc: {  	s3 =	sand.u32 $0x4000, s31;
	s1 =	sadd.s32 s1, s30  }
0xbd: {  	s0 =	sor.u32 s3, s0;
	s1 =	sshll.u32 s1, $0x11  }
0xbe: {  	s0 =	sor.u32 s1, s0  }
0xbf: {  	s0 =	sadd.s32 $0x8F2B, s0  }
0xc0: {  	[sflag:s0] =	ssyncadd.remote.s32 $0x1  }
0xc1: {  	_ =	sfence.sel $0xFFFF  }
0xc2: {  	[dreg:$0x0] =	wrdreg $0xFFFFFFFF;
	(pc) =	sbr.abs _section_cstart, $3  }
0xc3: {  	[dreg:$0x1] =	wrdreg $0xFFFFFFFF  }
0xc4: {  	_ =	task.clear_ibuf [dreg:s7], $0x2FFFF;
	_ =	strace $0x9FFFFFFF  }
0xc5: {  	(tm) =	ssettm $0x7FFFFFFF  }
tec
execute0_lowered:
.L_overlay_start_1:
0x0: {  	(tag) =	ssettag $0x1  }
0x1: {  	s11 =	rddreg [dreg:$0x0]  }
0x2: {  	s8 =	rddreg [dreg:$0x1]  }
0x3: {  	s1 =	rddreg [dreg:$0x2]  }
0x4: {  	s2 =	rddreg [dreg:$0x3]  }
0x5: {  	s3 =	rddreg [dreg:$0x4]  }
0x6: {  	s0 =	simm.s32 $0x0;
	s4 =	stileid.u32;
	s21 =	srdreg.scid  }
0x7: {  	[smem:$0x7FF] =	sst s0;
	s6 =	smul.u32 $0x500, s4  }
0x8: {  	s12 =	sadd.s32 $0x14800, s8;
	s13 =	sadd.s32 $0x800, s8;
	s10 =	smul.u32 $0x1400, s4  }
0x9: {  	s14 =	sand.u32 $0x1, s21;
	s15 =	sadd.s32 $0x1E800, s8;
	s17 =	smul.u32 $0xA00, s4  }
0xa: {  	s16 =	sadd.s32 $0xA800, s8;
	s5 =	smul.u32 $0xA000, s4;
	s7 =	sadd.s32 $0x28804, s8  }
0xb: {  	s31 =	sadd.s32 $0x4, s11;
	_ =	strace $0x80000047;
	s9 =	ssub.s32 $0x2, s14  }
0xc: {  	p0 =	seq.s32 s14, $0x0;
	[dreg:$0x8] =	wrdreg s7;
	s22 =	sadd.s32 s6, s8  }
0xd: {  	s23 =	sshrl.u32 s9, $0x1;
	s24 =	sadd.s32 s10, s8;
	s6 =	sshll.u32 s4, $0x3  }
0xe: {  	[smem:$0x7DC] =	sst s5;
	s26 =	sshrl.u32 s5, $0x1;
	s15 =	smov.u32 @p0 s12  }
0xf: {  	s16 =	smov.u32 @p0 s13;
	p0 =	sne.s32 s14, $0x0;
	[smem:$0x7E3] =	sst s22  }
0x10: {  	[smem:$0x7E0] =	sst s24;
	s9 =	ssub.s32 s9, s23;
	s23 =	sadd.s32 $0x46204, s8  }
0x11: {  	s18 =	sor.u32 $0x1, s6;
	s28 =	sadd.s32 s26, s1;
	s5 =	sadd.s32 s26, s2  }
0x12: {  	s21 =	sor.u32 $0x2, s6;
	s12 =	sor.u32 $0x3, s6;
	[smem:$0x7E6] =	sst s28  }
0x13: {  	s8 =	sadd.s32 s15, s17;
	s19 =	smul.u32 $0x1400, s18;
	[smem:$0x7E8] =	sst s5  }
0x14: {  	s0 =	simm.s32 @!p0 $0x0;
	s22 =	smul.u32 $0x1400, s21;
	[dreg:$0xa] =	wrdreg s8  }
0x15: {  	s25 =	smax.u32 s9, $0x1;
	s13 =	smul.u32 $0x1400, s12;
	[dreg:$0x7] =	wrdreg s23  }
0x16: {  	s9 =	sadd.s32 s16, s17;
	s20 =	smul.u32 $0x280, s18;
	[dreg:$0x9] =	wrdreg s25  }
0x17: {  	s0 =	simm.s32 @p0 $0x1;
	s24 =	smul.u32 $0x280, s21;
	[dreg:$0xb] =	wrdreg s9  }
0x18: {  	p1 =	seq.s32 s4, $0xF;
	s21 =	smul.u32 $0x2800, s21;
	[smem:$0x7D5] =	sst s0  }
0x19: {  	s9 =	sshllo.u32 s4, $0x3;
	s17 =	sshrl.u32 s22, $0x1;
	s22 =	smul.u32 $0x2800, s18  }
0x1a: {  	s19 =	sshrl.u32 s19, $0x1;
	s11 =	smul.u32 $0x280, s9;
	s15 =	sadd.s32 s20, s31  }
0x1b: {  	s21 =	sshrl.u32 s21, $0x2;
	s14 =	sadd.s32 s19, s1;
	[dreg:$0x11] =	wrdreg s15  }
0x1c: {  	s16 =	sadd.s32 s19, s2;
	s19 =	sshrl.u32 s13, $0x1;
	[smem:$0x7EA] =	sst s14  }
0x1d: {  	s25 =	sadd.s32 s17, s1;
	s26 =	sadd.s32 s17, s2;
	[smem:$0x7EC] =	sst s16  }
0x1e: {  	s15 =	smul.u32 $0x1400, s9;
	[smem:$0x7EE] =	sst s25;
	s25 =	sor.u32 $0x4, s6  }
0x1f: {  	[smem:$0x7F0] =	sst s26;
	s28 =	sadd.s32 s19, s1;
	s17 =	sadd.s32 s19, s2  }
0x20: {  	s26 =	smul.u32 $0x280, s12;
	s0 =	sadd.s32 s11, s31;
	s14 =	sadd.s32 s10, s31  }
0x21: {  	[smem:$0x7F2] =	sst s28;
	s5 =	smul.u32 $0x1400, s25;
	s28 =	sor.u32 $0x5, s6  }
0x22: {  	s16 =	sadd.s32 s24, s31;
	[dreg:$0xf] =	wrdreg s0;
	s29 =	smul.u32 $0x1400, s28  }
0x23: {  	s22 =	sshrl.u32 s22, $0x2;
	[dreg:$0x10] =	wrdreg s14;
	s11 =	smul.u32 $0x280, s28  }
0x24: {  	[dreg:$0x12] =	wrdreg s16;
	s22 =	sadd.s32 s22, s2;
	s28 =	smul.u32 $0x2800, s28  }
0x25: {  	[dreg:$0x16] =	wrdreg s22;
	s22 =	sadd.s32 s21, s2;
	s8 =	sshrl.u32 s5, $0x1  }
0x26: {  	s5 =	sor.u32 $0x6, s6;
	[dreg:$0x17] =	wrdreg s22;
	s18 =	sadd.s32 s8, s1  }
0x27: {  	s30 =	smul.u32 $0x280, s5;
	s19 =	sadd.s32 s8, s2;
	s8 =	sadd.s32 s26, s31  }
0x28: {  	s14 =	sadd.s32 s11, s31;
	p0 =	sgt.u32 @!p1 s5, $0x7C;
	[dreg:$0x13] =	wrdreg s8  }
0x29: {  	[dreg:$0x15] =	wrdreg s14;
	p3 =	por p0, p1;
	p0 =	sgt.u32 @!p1 s9, $0x7C  }
0x2a: {  	s9 =	simm.s32 @p1 $0x7F;
	s13 =	sadd.s32 s30, s31;
	s30 =	smul.u32 $0x280, s25  }
0x2b: {  	p6 =	slt.u32 s5, $0x7D;
	s25 =	smul.u32 $0x2800, s25;
	[dreg:$0xd] =	wrdreg s9  }
0x2c: {  	[dreg:$0xe] =	wrdreg s13;
	s13 =	sadd.s32 s30, s31;
	s31 =	smul.u32 $0x1400, s5  }
0x2d: {  	s22 =	sshrl.u32 s25, $0x2;
	s25 =	sshrl.u32 s28, $0x2;
	[dreg:$0x14] =	wrdreg s13  }
0x2e: {  	s5 =	simm.s32 @p1 $0x7E;
	s28 =	sadd.s32 s22, s2;
	s22 =	rddreg [dreg:$0x0]  }
0x2f: {  	s0 =	sshrl.u32 s15, $0x1;
	s8 =	smul.u32 $0x14000, s4;
	[dreg:$0xc] =	wrdreg s5  }
0x30: {  	s13 =	sadd.s32 s0, s1;
	s31 =	sshrl.u32 s31, $0x1;
	[dreg:$0x19] =	wrdreg s28  }
0x31: {  	s15 =	sadd.s32 s31, s1;
	s14 =	sadd.s32 s31, s2;
	s31 =	smul.u32 $0x2800, s12  }
0x32: {  	s28 =	sadd.s32 s10, s7;
	s12 =	sadd.s32 s0, s2;
	s0 =	sshrl.u32 s8, $0x2  }
0x33: {  	[dreg:$0x1d] =	wrdreg s28;
	s28 =	sadd.s32 s30, s7;
	s8 =	sshrl.u32 s31, $0x2  }
0x34: {  	[smem:$0x7DB] =	sst s28;
	s21 =	sadd.s32 s8, s2  }
0x35: {  	s8 =	sadd.s32 s10, s22;
	[dreg:$0x18] =	wrdreg s21  }
0x36: {  	s22 =	sadd.s32 s24, s7;
	[dreg:$0x1b] =	wrdreg s8  }
0x37: {  	s21 =	sadd.s32 s25, s2;
	[smem:$0x7D7] =	sst s22  }
0x38: {  	s25 =	sadd.s32 s10, s23;
	[dreg:$0x1a] =	wrdreg s21  }
0x39: {  	s10 =	sadd.s32 s20, s23;
	[dreg:$0x1c] =	wrdreg s25  }
0x3a: {  	s20 =	sadd.s32 s20, s7;
	[dreg:$0x1e] =	wrdreg s10  }
0x3b: {  	[dreg:$0x1f] =	wrdreg s20  }
0x3c: {  	s21 =	sadd.s32 s24, s23;
	s10 =	sld [smem:$0x7DC]  }
0x3d: {  	s24 =	sadd.s32 s26, s23;
	[smem:$0x7D6] =	sst s21  }
0x3e: {  	s25 =	sadd.s32 s26, s7;
	[smem:$0x7D8] =	sst s24  }
0x3f: {  	s26 =	sadd.s32 s30, s23;
	[smem:$0x7D9] =	sst s25  }
0x40: {  	s7 =	sadd.s32 s11, s7;
	[smem:$0x7DA] =	sst s26  }
0x41: {  	[smem:$0x7DE] =	sst s7  }
0x42: {  	s21 =	sadd.s32 s11, s23;
	s23 =	sld [smem:$0x7E0]  }
0x43: {  	s26 =	sld [smem:$0x7E3]  }
0x44: {  	s11 =	sld [smem:$0x7E8]  }
0x45: {  	[smem:$0x7DD] =	sst s21  }
0x46: {  	s21 =	sld [smem:$0x7EC]  }
0x47: {  	s20 =	sshrl.u32 s10, $0x2;
	s10 =	sld [smem:$0x7E6]  }
0x48: {  	s22 =	sadd.s32 s20, s3;
	s20 =	sld [smem:$0x7EA]  }
0x49: {  	s24 =	sadd.s32 $0x46200, s23;
	s25 =	sadd.s32 $0x28800, s23;
	s23 =	sld [smem:$0x7F0]  }
0x4a: {  	[smem:$0x7DF] =	sst s22  }
0x4b: {  	[smem:$0x7E1] =	sst s24  }
0x4c: {  	s28 =	sadd.s32 $0x41200, s26;
	[smem:$0x7E2] =	sst s25  }
0x4d: {  	s8 =	sadd.s32 $0x3C200, s26;
	[smem:$0x7E4] =	sst s28  }
0x4e: {  	[smem:$0x7E5] =	sst s8  }
0x4f: {  	p2 =	por $0x0, $0x0;
	s29 =	sshrl.u32 s29, $0x1;
	s22 =	sld [smem:$0x7EE]  }
0x50: {  	s16 =	sadd.s32 s29, s1;
	s26 =	sshrl.u32 s18, $0x3;
	s24 =	sld [smem:$0x7F2]  }
0x51: {  	s29 =	sadd.s32 s29, s2;
	s25 =	sshrl.u32 s17, $0x3;
	[smem:$0x7F5] =	sst s26  }
0x52: {  	s31 =	sadd.s32 s0, s1;
	s28 =	sshrl.u32 s19, $0x3;
	[smem:$0x7F4] =	sst s25  }
0x53: {  	s30 =	sadd.s32 s0, s2;
	s0 =	sshrl.u32 s10, $0x3;
	[smem:$0x7F6] =	sst s28  }
0x54: {  	p2 =	por @!p1 p6, p6;
	[smem:$0x7E7] =	sst s0;
	s0 =	sshrl.u32 s11, $0x3  }
0x55: {  	p4 =	por p0, p1;
	[smem:$0x7E9] =	sst s0;
	s0 =	sshrl.u32 s20, $0x3  }
0x56: {  	p0 =	por !p0, p1;
	[smem:$0x7EB] =	sst s0;
	s0 =	sshrl.u32 s21, $0x3  }
0x57: {  	s9 =	simm.s32 $0xD;
	[smem:$0x7ED] =	sst s0;
	s0 =	sshrl.u32 s22, $0x3  }
0x58: {  	s5 =	simm.s32 $0x10;
	[smem:$0x7EF] =	sst s0;
	s0 =	sshrl.u32 s23, $0x3  }
0x59: {  	s7 =	simm.s32 $0x0;
	[smem:$0x7F1] =	sst s0;
	s0 =	sshrl.u32 s24, $0x3  }
0x5a: {  	s18 =	simm.s32 $0x11;
	[smem:$0x7F3] =	sst s0;
	s0 =	sshrl.u32 @!p1 s16, $0x3  }
0x5b: {  	s8 =	simm.s32 $0x1;
	[smem:$0x7F7] =	sst s0;
	s0 =	sshrl.u32 @!p1 s29, $0x3  }
0x5c: {  	s26 =	simm.s32 $0xB;
	[smem:$0x7F8] =	sst s0;
	s0 =	sshrl.u32 @!p3 s15, $0x3  }
0x5d: {  	s22 =	simm.s32 $0x7;
	[smem:$0x7F9] =	sst s0;
	s0 =	sshrl.u32 @!p3 s14, $0x3  }
.Ltmp0:
0x5e: {  	[smem:$0x7FA] =	sst s0;
	s0 =	sshrl.u32 @!p4 s13, $0x3;
	(pc) =	sbr.rel .LBB2_1-.Ltmp0, $4  }
0x5f: {  	s24 =	simm.s32 $0x8;
	[smem:$0x7FB] =	sst s0;
	s0 =	sshrl.u32 @!p4 s12, $0x3  }
0x60: {  	s16 =	simm.s32 $0x4;
	[smem:$0x7FC] =	sst s0;
	s0 =	simm.s32 @!p0 $0x0  }
0x61: {  	s29 =	simm.s32 $0xF;
	s15 =	simm.s32 $0x80;
	s0 =	simm.s32 @p0 $0x1  }
0x62: {  	v0 =	vimm.bf16 $1.0000e+00;
	s13 =	simm.s32 $0x12000;
	s12 =	simm.s32 $0x9;
	[smem:$0x7FD] =	sst s0  }
.LBB2_21:
0x63: {  	s10 =	rddreg [dreg:$0xd]  }
0x64: {  	s7 =	smul.u32 $0x2800, s10;
	_ =	sdelay $0x1  }
0x65: {  	s10 =	smul.u32 $0x280, s10;
	s7 =	sshrl.u32 s7, $0x2  }
0x66: {  	s7 =	sadd.s32 s7, s2  }
0x67: {  	s0 =	sadd.s32 s10, s0;
	s7 =	sshrl.u32 s7, $0x3  }
0x68: {  	[hbm:s0@s24], [sflag:s19] =	dma.strided [spmem:s7@s16], $0x140, s8, $0x4   }
0x69: {  	_ =	swait.ge [sflag:s18], $0x140  }
0x6a: {  	[sflag:s18] =	ssyncset.done $0x0  }
0x6b: {  	[sflag:s18] =	ssyncadd.s32 $0xFFFFFEC0  }
.LBB2_22:
0x6c: {  	s7 =	sadd.s32 $0x1, s11;
	s0 =	rddreg [dreg:$0x9]  }
0x6d: {  	p0 =	sne.s32 s7, s0  }
.Ltmp1:
0x6e: {  	_ = 	snop;
	(pc) =	sbr.rel @!p0 .LBB2_23-.Ltmp1, $1  }
0x6f: {  	_ =	sdelay $0x3  }
.LBB2_1:
0x70: {  	[dreg:$0x6] =	wrdreg s7;
	s0 =	simm.s32 $0x40;
	s11 =	simm.s32 $0x0  }
.LBB2_2:
0x71: {  	p0 =	sne.s32 s0, $0x1FC0;
	[tilespmem:s11+$0x12000] =	vst v0;
	s11 =	smov.u32 s0;
	s0 =	sadd.s32 $0x40, s0  }
.Ltmp2:
0x72: {  	(pc) =	sbr.rel @p0 .LBB2_2-.Ltmp2, $2  }
0x73: {  	_ =	sdelay $0x2  }
0x74: {  	s11 =	sshra.s32 s11, $0x2  }
0x75: {  	[tilespmem:s11+$0x12000] =	vst v0;
	s0 =	simm.s32 $0x0;
	s7 =	rddreg [dreg:$0xa]  }
0x76: {  	[tilespmem:s0], [sflag:$0x11] =	stream.linear.gather [hbm4b:s7+s0], $0x5000, $0x38;
	[tilespmem:$0x1EB68] =	vst v63  }
0x77: {  	s10 =	simm.s32 $0x5000;
	p0 =	sgt.u32 s6, $0x7C;
	_ =	swait.ge [sflag:s18], $0x5000  }
0x78: {  	s11 =	sadd.s32 @!p0 $0x0, s31;
	s23 =	simm.s32 @!p0 $0x4;
	[sflag:s18] =	ssyncset.done $0x0  }
0x79: {  	s19 =	simm.s32 @!p0 $0x1;
	s28 =	rddreg [dreg:$0xb];
	[sflag:s18] =	ssyncadd.s32 $0xFFFFB000  }
0x7a: {  	[tilespmem:s10], [sflag:$0x11] =	stream.linear.gather [hbm4b:s28+s0], $0x5000, $0x38;
	[tilespmem:$0x1EB68] =	vst v63  }
0x7b: {  	s21 =	simm.s32 @!p0 $0x8;
	s17 =	simm.s32 @!p0 $0x12;
	_ =	swait.ge [sflag:s18], $0x5000  }
0x7c: {  	s11 =	sshrl.u32 @!p0 s11, $0x3;
	s0 =	sshll.u32 @!p0 s4, $0x6;
	[sflag:s18] =	ssyncset.done $0x0  }
0x7d: {  	s0 =	sor.u32 @!p0 $0x1C12, s0;
	s7 =	rddreg [dreg:$0x1b];
	[sflag:s18] =	ssyncadd.s32 $0xFFFFB000  }
0x7e: {  	[spmem:s11@s23], [sflag:s0] =	dma.strided @!p0 [hbm:s7@s21], $0x140, s19, $0x4   }
0x7f: {  	p6 =	por p0, p0;
	_ =	swait.ge @!p0 [sflag:s17], $0x140  }
0x80: {  	s19 =	sadd.s32 @!p6 $0x0, s30;
	[sflag:s17] =	ssyncset.done @!p6 $0x0  }
0x81: {  	s19 =	sshrl.u32 @!p6 s19, $0x3;
	[sflag:s17] =	ssyncadd.s32 @!p6 $0xFFFFFEC0  }
0x82: {  	[spmem:s19], [sflag:s0] =	dma.local @!p6 [spmem:s11], $0x140  }
0x83: {  	s25 =	sadd.s32 $0x1, s6;
	_ =	swait.ge @!p6 [sflag:s17], $0x140  }
0x84: {  	p5 =	sgt.u32 s25, $0x7C;
	s23 =	sadd.s32 $0x280, s7;
	s7 =	sld [smem:$0x7DF]  }
0x85: {  	s0 =	simm.s32 $0x5000;
	s11 =	simm.s32 @!p6 $0x12000;
	[sflag:s17] =	ssyncset.done @!p6 $0x0  }
0x86: {  	s19 =	sshll.u32 @!p5 s4, $0x6;
	[sflag:s17] =	ssyncadd.s32 @!p6 $0xFFFFFEC0;
	s17 =	simm.s32 @!p6 $0x11  }
0x87: {  	[spmem:s7] =	stream.linear.scatter @!p6 [tilespmem:s11], [sflag:$0x11], $0x500, $0x38;
	[tilespmem:$0x1EB68] =	vst v63  }
0x88: {  	s21 =	sadd.s32 $0x500, s7;
	s11 =	simm.s32 @!p5 $0xA00;
	_ =	swait.ge @!p6 [sflag:s17], $0x500  }
.LBB2_4:
0x89: {  	s10 =	sadd.s32 @!p5 s11, s31;
	s7 =	simm.s32 @!p5 $0x4  }
0x8a: {  	[sflag:s17] =	ssyncset.done @!p6 $0x0;
	s28 =	smov.u32 s0;
	s14 =	smov.u32 s21  }
0x8b: {  	s19 =	sor.u32 @!p5 $0x1C12, s19;
	s10 =	sshrl.u32 @!p5 s10, $0x3;
	[sflag:s17] =	ssyncadd.s32 @!p6 $0xFFFFFB00  }
0x8c: {  	s18 =	simm.s32 @!p5 $0x8;
	s20 =	simm.s32 @!p5 $0x12;
	s17 =	simm.s32 @!p5 $0x1  }
0x8d: {  	[spmem:s10@s7], [sflag:s19] =	dma.strided @!p5 [hbm:s23@s18], $0x140, s17, $0x4   }
0x8e: {  	s0 =	sadd.s32 $0x2800, s0;
	p6 =	por p5, p5;
	_ =	swait.ge @!p5 [sflag:s20], $0x140  }
0x8f: {  	p0 =	sne.s32 s0, $0x14000;
	s7 =	sadd.s32 @!p6 s11, s30;
	[sflag:s20] =	ssyncset.done @!p6 $0x0  }
0x90: {  	s23 =	sadd.s32 $0x280, s23;
	s7 =	sshrl.u32 @!p6 s7, $0x3;
	[sflag:s20] =	ssyncadd.s32 @!p6 $0xFFFFFEC0  }
0x91: {  	[spmem:s7], [sflag:s19] =	dma.local @!p6 [spmem:s10], $0x140  }
.Ltmp3:
0x92: {  	s21 =	sadd.s32 $0x500, s21;
	_ =	swait.ge @!p6 [sflag:s20], $0x140;
	(pc) =	sbr.rel @p0 .LBB2_4-.Ltmp3, $4  }
0x93: {  	s25 =	sadd.s32 $0x1, s25;
	s17 =	simm.s32 @!p6 $0x11;
	[sflag:s20] =	ssyncset.done @!p6 $0x0  }
0x94: {  	p5 =	sgt.u32 s25, $0x7C;
	s7 =	simm.s32 @!p6 $0x12000;
	[sflag:s20] =	ssyncadd.s32 @!p6 $0xFFFFFEC0  }
0x95: {  	[spmem:s14] =	stream.linear.scatter @!p6 [tilespmem:s7], [sflag:$0x11], $0x500, $0x38;
	[tilespmem:$0x1EB68] =	vst v63  }
0x96: {  	s11 =	sshra.s32 @!p5 s28, $0x2;
	s19 =	sshll.u32 @!p5 s4, $0x6;
	_ =	swait.ge @!p6 [sflag:s17], $0x500  }
0x97: {  	s0 =	sadd.s32 @!p5 s11, s31;
	s7 =	simm.s32 @!p5 $0x4  }
0x98: {  	[sflag:s17] =	ssyncset.done @!p6 $0x0;
	s10 =	sor.u32 @!p5 $0x1C12, s19;
	s14 =	simm.s32 @!p5 $0x1  }
0x99: {  	s0 =	sshrl.u32 @!p5 s0, $0x3;
	[sflag:s17] =	ssyncadd.s32 @!p6 $0xFFFFFB00;
	s17 =	simm.s32 @!p5 $0x8  }
0x9a: {  	[spmem:s0@s7], [sflag:s10] =	dma.strided @!p5 [hbm:s23@s17], $0x140, s14, $0x4   }
0x9b: {  	s7 =	simm.s32 @!p5 $0x12  }
0x9c: {  	p0 =	por p5, p5;
	_ =	swait.ge @!p5 [sflag:s7], $0x140  }
0x9d: {  	s11 =	sadd.s32 @!p0 s11, s30;
	[sflag:s7] =	ssyncset.done @!p0 $0x0  }
0x9e: {  	s11 =	sshrl.u32 @!p0 s11, $0x3;
	[sflag:s7] =	ssyncadd.s32 @!p0 $0xFFFFFEC0  }
0x9f: {  	[spmem:s11], [sflag:s10] =	dma.local @!p0 [spmem:s0], $0x140  }
0xa0: {  	_ =	swait.ge @!p0 [sflag:s7], $0x140  }
0xa1: {  	[sflag:s7] =	ssyncset.done @!p0 $0x0  }
0xa2: {  	s0 =	simm.s32 @!p0 $0x12000;
	[sflag:s7] =	ssyncadd.s32 @!p0 $0xFFFFFEC0  }
0xa3: {  	[spmem:s21] =	stream.linear.scatter @!p0 [tilespmem:s0], [sflag:$0x11], $0x500, $0x38;
	[tilespmem:$0x1EB68] =	vst v63  }
0xa4: {  	s0 =	simm.s32 @!p0 $0x11  }
0xa5: {  	_ =	swait.ge @!p0 [sflag:s0], $0x500  }
0xa6: {  	[sflag:s0] =	ssyncset.done @!p0 $0x0  }
0xa7: {  	[sflag:s0] =	ssyncadd.s32 @!p0 $0xFFFFFB00  }
0xa8: {  	s23 =	simm.s32 $0x0;
	s21 =	simm.s32 $0xA000;
	[bflag:$0x0] =	sbarrier.arrive $0xFFFF  }
0xa9: {  	[tilespmem:s21], [sflag:$0x1] =	stream.indirect.gather [spmem:s1], $0x20, s23, s15, $0xb8;
	[tilespmem:$0x1EB68] =	vst v63  }
0xaa: {  	s14 =	simm.s32 $0xB000  }
0xab: {  	[tilespmem:s14], [sflag:$0x2] =	stream.indirect.gather [spmem:s1], $0x20, s15, s15, $0xb8;
	[tilespmem:$0x1EB68] =	vst v63  }
0xac: {  	s25 =	simm.s32 $0x100;
	s17 =	simm.s32 $0xC000  }
0xad: {  	[tilespmem:s17], [sflag:$0x3] =	stream.indirect.gather [spmem:s1], $0x20, s25, s15, $0xb8;
	[tilespmem:$0x1EB68] =	vst v63  }
0xae: {  	s18 =	simm.s32 $0xD000;
	s7 =	simm.s32 $0x180  }
0xaf: {  	[tilespmem:s18], [sflag:$0x4] =	stream.indirect.gather [spmem:s1], $0x20, s7, s15, $0xb8;
	[tilespmem:$0x1EB68] =	vst v63  }
0xb0: {  	s19 =	simm.s32 $0xE000;
	s10 =	simm.s32 $0x200  }
0xb1: {  	[tilespmem:s19], [sflag:$0x5] =	stream.indirect.gather [spmem:s1], $0x20, s10, s15, $0xb8;
	[tilespmem:$0x1EB68] =	vst v63  }
0xb2: {  	s20 =	simm.s32 $0xF000;
	s11 =	simm.s32 $0x280  }
0xb3: {  	[tilespmem:s20], [sflag:$0x6] =	stream.indirect.gather [spmem:s1], $0x20, s11, s15, $0xb8;
	[tilespmem:$0x1EB68] =	vst v63  }
0xb4: {  	s28 =	simm.s32 $0x10000;
	s21 =	simm.s32 $0x300  }
0xb5: {  	[tilespmem:s28], [sflag:$0x7] =	stream.indirect.gather [spmem:s1], $0x20, s21, s15, $0xb8;
	[tilespmem:$0x1EB68] =	vst v63  }
0xb6: {  	s25 =	simm.s32 $0x380;
	s7 =	simm.s32 $0x11000  }
0xb7: {  	[tilespmem:s7], [sflag:$0x8] =	stream.indirect.gather [spmem:s1], $0x20, s25, s15, $0xb8;
	[tilespmem:$0x1EB68] =	vst v63  }
.LBB2_6:
0xb8: {  	_ =	swait.ge [sflag:s8], $0x1000  }
0xb9: {  	s21 =	sshra.s32 s23, $0x2;
	[sflag:s8] =	ssyncset.done $0x0  }
0xba: {  	s10 =	simm.s32 $0xA000;
	s0 =	sadd.s32 $0x5000, s21;
	[sflag:s8] =	ssyncadd.s32 $0xFFFFF000  }
0xbb: {  	[spmem:s2] =	stream.indirect.scatter.add.bf16 [tilespmem:s10], [sflag:$0x9], $0x20, s0, s15, $0xb8;
	[tilespmem:$0x1EB68] =	vst v63  }
0xbc: {  	s11 =	simm.s32 $0x2  }
0xbd: {  	[spmem:s3] =	stream.indirect.scatter.add.bf16 [tilespmem:s13], [sflag:$0x9], $0x10, s0, s15, $0xb8;
	[tilespmem:$0x1EB68] =	vst v63  }
0xbe: {  	_ =	swait.ge [sflag:s11], $0x1000  }
0xbf: {  	[sflag:s11] =	ssyncset.done $0x0  }
0xc0: {  	s25 =	sadd.s32 $0x5080, s21;
	[sflag:s11] =	ssyncadd.s32 $0xFFFFF000  }
0xc1: {  	[spmem:s2] =	stream.indirect.scatter.add.bf16 [tilespmem:s14], [sflag:$0xA], $0x20, s25, s15, $0xb8;
	[tilespmem:$0x1EB68] =	vst v63  }
0xc2: {  	s10 =	simm.s32 $0x3  }
0xc3: {  	[spmem:s3] =	stream.indirect.scatter.add.bf16 [tilespmem:s13], [sflag:$0xA], $0x10, s25, s15, $0xb8;
	[tilespmem:$0x1EB68] =	vst v63  }
0xc4: {  	_ =	swait.ge [sflag:s10], $0x1000  }
0xc5: {  	[sflag:s10] =	ssyncset.done $0x0  }
0xc6: {  	s11 =	sadd.s32 $0x5100, s21;
	[sflag:s10] =	ssyncadd.s32 $0xFFFFF000  }
0xc7: {  	[spmem:s2] =	stream.indirect.scatter.add.bf16 [tilespmem:s17], [sflag:$0xB], $0x20, s11, s15, $0xb8;
	[tilespmem:$0x1EB68] =	vst v63  }
0xc8: {  	_ = 	snop  }
0xc9: {  	[spmem:s3] =	stream.indirect.scatter.add.bf16 [tilespmem:s13], [sflag:$0xB], $0x10, s11, s15, $0xb8;
	[tilespmem:$0x1EB68] =	vst v63  }
0xca: {  	_ =	swait.ge [sflag:s16], $0x1000  }
0xcb: {  	[sflag:s16] =	ssyncset.done $0x0  }
0xcc: {  	s25 =	sadd.s32 $0x5180, s21;
	[sflag:s16] =	ssyncadd.s32 $0xFFFFF000  }
0xcd: {  	[spmem:s2] =	stream.indirect.scatter.add.bf16 [tilespmem:s18], [sflag:$0xC], $0x20, s25, s15, $0xb8;
	[tilespmem:$0x1EB68] =	vst v63  }
0xce: {  	s10 =	simm.s32 $0x5  }
0xcf: {  	[spmem:s3] =	stream.indirect.scatter.add.bf16 [tilespmem:s13], [sflag:$0xC], $0x10, s25, s15, $0xb8;
	[tilespmem:$0x1EB68] =	vst v63  }
0xd0: {  	_ =	swait.ge [sflag:s10], $0x1000  }
0xd1: {  	[sflag:s10] =	ssyncset.done $0x0  }
0xd2: {  	s11 =	sadd.s32 $0x5200, s21;
	[sflag:s10] =	ssyncadd.s32 $0xFFFFF000  }
0xd3: {  	[spmem:s2] =	stream.indirect.scatter.add.bf16 [tilespmem:s19], [sflag:$0xD], $0x20, s11, s15, $0xb8;
	[tilespmem:$0x1EB68] =	vst v63  }
0xd4: {  	s25 =	simm.s32 $0x6  }
0xd5: {  	[spmem:s3] =	stream.indirect.scatter.add.bf16 [tilespmem:s13], [sflag:$0xD], $0x10, s11, s15, $0xb8;
	[tilespmem:$0x1EB68] =	vst v63  }
0xd6: {  	_ =	swait.ge [sflag:s25], $0x1000  }
0xd7: {  	[sflag:s25] =	ssyncset.done $0x0  }
0xd8: {  	s10 =	sadd.s32 $0x5280, s21;
	[sflag:s25] =	ssyncadd.s32 $0xFFFFF000  }
0xd9: {  	[spmem:s2] =	stream.indirect.scatter.add.bf16 [tilespmem:s20], [sflag:$0xE], $0x20, s10, s15, $0xb8;
	[tilespmem:$0x1EB68] =	vst v63  }
0xda: {  	_ = 	snop  }
0xdb: {  	[spmem:s3] =	stream.indirect.scatter.add.bf16 [tilespmem:s13], [sflag:$0xE], $0x10, s10, s15, $0xb8;
	[tilespmem:$0x1EB68] =	vst v63  }
0xdc: {  	_ =	swait.ge [sflag:s22], $0x1000  }
0xdd: {  	[sflag:s22] =	ssyncset.done $0x0  }
0xde: {  	s11 =	sadd.s32 $0x5300, s21;
	[sflag:s22] =	ssyncadd.s32 $0xFFFFF000  }
0xdf: {  	[spmem:s2] =	stream.indirect.scatter.add.bf16 [tilespmem:s28], [sflag:$0xF], $0x20, s11, s15, $0xb8;
	[tilespmem:$0x1EB68] =	vst v63  }
0xe0: {  	_ = 	snop  }
0xe1: {  	[spmem:s3] =	stream.indirect.scatter.add.bf16 [tilespmem:s13], [sflag:$0xF], $0x10, s11, s15, $0xb8;
	[tilespmem:$0x1EB68] =	vst v63  }
0xe2: {  	_ =	swait.ge [sflag:s24], $0x1000  }
0xe3: {  	[sflag:s24] =	ssyncset.done $0x0  }
0xe4: {  	s25 =	sadd.s32 $0x5380, s21;
	[sflag:s24] =	ssyncadd.s32 $0xFFFFF000  }
0xe5: {  	[spmem:s2] =	stream.indirect.scatter.add.bf16 [tilespmem:s7], [sflag:$0x10], $0x20, s25, s15, $0xb8;
	[tilespmem:$0x1EB68] =	vst v63  }
0xe6: {  	_ = 	snop  }
0xe7: {  	[spmem:s3] =	stream.indirect.scatter.add.bf16 [tilespmem:s13], [sflag:$0x10], $0x10, s25, s15, $0xb8;
	[tilespmem:$0x1EB68] =	vst v63  }
0xe8: {  	_ =	swait.ge [sflag:s12], $0x1000  }
0xe9: {  	[sflag:s12] =	ssyncset.done $0x0  }
0xea: {  	[sflag:s12] =	ssyncadd.s32 $0xFFFFF000  }
0xeb: {  	_ =	swait.ge [sflag:s12], $0x800  }
0xec: {  	p6 =	seq.s32 s23, $0x13000;
	[sflag:s12] =	ssyncset.done $0x0  }
0xed: {  	s0 =	simm.s32 @p6 $0xA;
	[sflag:s12] =	ssyncadd.s32 $0xFFFFF800  }
0xee: {  	_ =	swait.ge @p6 [sflag:s0], $0x1000  }
0xef: {  	[sflag:s0] =	ssyncset.done @p6 $0x0  }
0xf0: {  	[sflag:s0] =	ssyncadd.s32 @p6 $0xFFFFF000  }
0xf1: {  	_ =	swait.ge @p6 [sflag:s0], $0x800  }
0xf2: {  	s10 =	simm.s32 @!p6 $0xA000;
	s25 =	sshra.s32 @!p6 s23, $0x2;
	[sflag:s0] =	ssyncset.done @p6 $0x0  }
0xf3: {  	s7 =	sadd.s32 @!p6 $0x400, s25;
	[sflag:s0] =	ssyncadd.s32 @p6 $0xFFFFF800;
	s0 =	simm.s32 @!p6 $0x80  }
0xf4: {  	[tilespmem:s10], [sflag:$0x1] =	stream.indirect.gather @!p6 [spmem:s1], $0x20, s7, s0, $0xb8;
	[tilespmem:$0x1EB68] =	vst v63  }
0xf5: {  	s7 =	simm.s32 @!p6 $0xA  }
0xf6: {  	_ =	swait.ge @!p6 [sflag:s7], $0x1000  }
0xf7: {  	[sflag:s7] =	ssyncset.done @!p6 $0x0  }
0xf8: {  	[sflag:s7] =	ssyncadd.s32 @!p6 $0xFFFFF000  }
0xf9: {  	_ =	swait.ge @!p6 [sflag:s7], $0x800  }
0xfa: {  	[sflag:s7] =	ssyncset.done @!p6 $0x0  }
0xfb: {  	s10 =	simm.s32 @!p6 $0xB000;
	[sflag:s7] =	ssyncadd.s32 @!p6 $0xFFFFF800;
	s7 =	sadd.s32 @!p6 $0x480, s25  }
0xfc: {  	[tilespmem:s10], [sflag:$0x2] =	stream.indirect.gather @!p6 [spmem:s1], $0x20, s7, s0, $0xb8;
	[tilespmem:$0x1EB68] =	vst v63  }
0xfd: {  	_ =	swait.ge [sflag:s26], $0x1000  }
0xfe: {  	[sflag:s26] =	ssyncset.done $0x0  }
0xff: {  	[sflag:s26] =	ssyncadd.s32 $0xFFFFF000  }
0x100: {  	_ =	swait.ge [sflag:s26], $0x800  }
0x101: {  	[sflag:s26] =	ssyncset.done $0x0  }
0x102: {  	s7 =	simm.s32 @p6 $0xC;
	[sflag:s26] =	ssyncadd.s32 $0xFFFFF800  }
0x103: {  	_ =	swait.ge @p6 [sflag:s7], $0x1000  }
0x104: {  	[sflag:s7] =	ssyncset.done @p6 $0x0  }
0x105: {  	[sflag:s7] =	ssyncadd.s32 @p6 $0xFFFFF000  }
0x106: {  	_ =	swait.ge @p6 [sflag:s7], $0x800  }
0x107: {  	[sflag:s7] =	ssyncset.done @p6 $0x0  }
0x108: {  	s10 =	simm.s32 @!p6 $0xC000;
	[sflag:s7] =	ssyncadd.s32 @p6 $0xFFFFF800;
	s7 =	sadd.s32 @!p6 $0x500, s25  }
0x109: {  	[tilespmem:s10], [sflag:$0x3] =	stream.indirect.gather @!p6 [spmem:s1], $0x20, s7, s0, $0xb8;
	[tilespmem:$0x1EB68] =	vst v63  }
0x10a: {  	s7 =	simm.s32 @!p6 $0xC  }
0x10b: {  	_ =	swait.ge @!p6 [sflag:s7], $0x1000  }
0x10c: {  	[sflag:s7] =	ssyncset.done @!p6 $0x0  }
0x10d: {  	[sflag:s7] =	ssyncadd.s32 @!p6 $0xFFFFF000  }
0x10e: {  	_ =	swait.ge @!p6 [sflag:s7], $0x800  }
0x10f: {  	[sflag:s7] =	ssyncset.done @!p6 $0x0  }
0x110: {  	s10 =	simm.s32 @!p6 $0xD000;
	[sflag:s7] =	ssyncadd.s32 @!p6 $0xFFFFF800;
	s7 =	sadd.s32 @!p6 $0x580, s25  }
0x111: {  	[tilespmem:s10], [sflag:$0x4] =	stream.indirect.gather @!p6 [spmem:s1], $0x20, s7, s0, $0xb8;
	[tilespmem:$0x1EB68] =	vst v63  }
0x112: {  	_ =	swait.ge [sflag:s9], $0x1000  }
0x113: {  	[sflag:s9] =	ssyncset.done $0x0  }
0x114: {  	[sflag:s9] =	ssyncadd.s32 $0xFFFFF000  }
0x115: {  	_ =	swait.ge [sflag:s9], $0x800  }
0x116: {  	[sflag:s9] =	ssyncset.done $0x0  }
0x117: {  	s7 =	simm.s32 @p6 $0xE;
	[sflag:s9] =	ssyncadd.s32 $0xFFFFF800  }
0x118: {  	_ =	swait.ge @p6 [sflag:s7], $0x1000  }
0x119: {  	[sflag:s7] =	ssyncset.done @p6 $0x0  }
0x11a: {  	[sflag:s7] =	ssyncadd.s32 @p6 $0xFFFFF000  }
0x11b: {  	_ =	swait.ge @p6 [sflag:s7], $0x800  }
0x11c: {  	[sflag:s7] =	ssyncset.done @p6 $0x0  }
0x11d: {  	s10 =	simm.s32 @!p6 $0xE000;
	[sflag:s7] =	ssyncadd.s32 @p6 $0xFFFFF800;
	s7 =	sadd.s32 @!p6 $0x600, s25  }
0x11e: {  	[tilespmem:s10], [sflag:$0x5] =	stream.indirect.gather @!p6 [spmem:s1], $0x20, s7, s0, $0xb8;
	[tilespmem:$0x1EB68] =	vst v63  }
0x11f: {  	s7 =	simm.s32 @!p6 $0xE  }
0x120: {  	_ =	swait.ge @!p6 [sflag:s7], $0x1000  }
0x121: {  	[sflag:s7] =	ssyncset.done @!p6 $0x0  }
0x122: {  	[sflag:s7] =	ssyncadd.s32 @!p6 $0xFFFFF000  }
0x123: {  	_ =	swait.ge @!p6 [sflag:s7], $0x800  }
0x124: {  	[sflag:s7] =	ssyncset.done @!p6 $0x0  }
0x125: {  	s10 =	simm.s32 @!p6 $0xF000;
	[sflag:s7] =	ssyncadd.s32 @!p6 $0xFFFFF800;
	s7 =	sadd.s32 @!p6 $0x680, s25  }
0x126: {  	[tilespmem:s10], [sflag:$0x6] =	stream.indirect.gather @!p6 [spmem:s1], $0x20, s7, s0, $0xb8;
	[tilespmem:$0x1EB68] =	vst v63  }
0x127: {  	_ =	swait.ge [sflag:s29], $0x1000  }
.Ltmp4:
0x128: {  	[sflag:s29] =	ssyncset.done $0x0;
	(pc) =	sbr.rel @p6 .LBB2_8-.Ltmp4, $4  }
0x129: {  	[sflag:s29] =	ssyncadd.s32 $0xFFFFF000  }
0x12a: {  	_ =	swait.ge [sflag:s29], $0x800  }
0x12b: {  	[sflag:s29] =	ssyncset.done $0x0  }
0x12c: {  	s11 =	simm.s32 $0x11000;
	[sflag:s29] =	ssyncadd.s32 $0xFFFFF800  }
0x12d: {  	s0 =	sadd.s32 $0x700, s21  }
0x12e: {  	[tilespmem:s28], [sflag:$0x7] =	stream.indirect.gather [spmem:s1], $0x20, s0, s15, $0xb8;
	[tilespmem:$0x1EB68] =	vst v63  }
0x12f: {  	_ =	swait.ge [sflag:s5], $0x1000  }
0x130: {  	[sflag:s5] =	ssyncset.done $0x0  }
.Ltmp5:
0x131: {  	[sflag:s5] =	ssyncadd.s32 $0xFFFFF000;
	(pc) =	sbr.rel .LBB2_6-.Ltmp5, $4  }
0x132: {  	_ =	swait.ge [sflag:s5], $0x800  }
0x133: {  	s25 =	sadd.s32 $0x780, s21;
	[sflag:s5] =	ssyncset.done $0x0  }
0x134: {  	s23 =	sadd.s32 $0x1000, s23;
	s7 =	simm.s32 $0x11000;
	[sflag:s5] =	ssyncadd.s32 $0xFFFFF800  }
0x135: {  	[tilespmem:s11], [sflag:$0x8] =	stream.indirect.gather [spmem:s1], $0x20, s25, s15, $0xb8;
	[tilespmem:$0x1EB68] =	vst v63  }
.LBB2_8:
0x136: {  	_ =	swait.ge [sflag:s5], $0x1000  }
0x137: {  	[sflag:s5] =	ssyncset.done $0x0  }
0x138: {  	[sflag:s5] =	ssyncadd.s32 $0xFFFFF000  }
0x139: {  	_ =	swait.ge [sflag:s5], $0x800  }
0x13a: {  	[sflag:s5] =	ssyncset.done $0x0  }
0x13b: {  	[sflag:s5] =	ssyncadd.s32 $0xFFFFF800  }
0x13c: {  	[bflag:$0x0] =	sbarrier.arrive $0xFFFF  }
0x13d: {  	s0 =	sld [smem:$0x7D5];
	_ =	sdelay $0x2  }
0x13e: {  	p0 =	seq.s32 s0, $0x1  }
.Ltmp6:
0x13f: {  	_ = 	snop;
	(pc) =	sbr.rel @p0 .LBB2_12-.Ltmp6, $1  }
0x140: {  	_ =	sdelay $0x3  }
0x141: {  	s0 =	sadd.s32 $0x0, s6  }
0x142: {  	s18 =	sld [smem:$0x7E2];
	p6 =	sgt.u32 s0, $0x7C  }
0x143: {  	s0 =	sshll.u32 @!p6 s4, $0x6;
	s7 =	simm.s32 @!p6 $0x1;
	s10 =	simm.s32 @!p6 $0x8  }
0x144: {  	s14 =	sshrl.u32 @!p6 s30, $0x3;
	s17 =	simm.s32 @!p6 $0x4;
	s11 =	sor.u32 @!p6 $0x1C12, s0  }
0x145: {  	[hbm:s18@s10], [sflag:s11] =	dma.strided @!p6 [spmem:s14@s17], $0x140, s7, $0x4   }
0x146: {  	s7 =	simm.s32 @!p6 $0x12  }
0x147: {  	_ =	swait.ge @!p6 [sflag:s7], $0x140  }
0x148: {  	[sflag:s7] =	ssyncset.done @!p6 $0x0;
	s14 =	sld [smem:$0x7DF]  }
0x149: {  	s25 =	simm.s32 $0x1;
	[sflag:s7] =	ssyncadd.s32 @!p6 $0xFFFFFEC0;
	s7 =	sld [smem:$0x7E5]  }
0x14a: {  	s19 =	simm.s32 @!p6 $0x11;
	s0 =	sor.u32 @!p6 $0x1C11, s0;
	s23 =	sadd.s32 $0x280, s18  }
0x14b: {  	s11 =	simm.s32 $0x2;
	s17 =	sadd.s32 $0xA00, s30;
	s10 =	sshrl.u32 @!p6 s14, $0x3  }
0x14c: {  	[hbm:s7], [sflag:s0] =	dma.local @!p6 [spmem:s10], $0xA0  }
0x14d: {  	s21 =	sadd.s32 $0xA0, s7;
	s0 =	sadd.s32 $0x500, s14;
	_ =	swait.ge @!p6 [sflag:s19], $0xA0  }
.LBB2_10:
0x14e: {  	s7 =	sadd.s32 s25, s6;
	[sflag:s19] =	ssyncset.done @!p6 $0x0  }
0x14f: {  	s25 =	smov.u32 s11;
	s11 =	sadd.s32 $0x1, s11;
	s10 =	smov.u32 s21  }
0x150: {  	p5 =	seq.s32 s11, $0x8;
	[sflag:s19] =	ssyncadd.s32 @!p6 $0xFFFFFF60;
	p6 =	sgt.u32 s7, $0x7C  }
0x151: {  	s7 =	sshll.u32 @!p6 s4, $0x6;
	s14 =	simm.s32 @!p6 $0x1;
	s18 =	simm.s32 @!p6 $0x8  }
0x152: {  	s20 =	sshrl.u32 @!p6 s17, $0x3;
	s28 =	simm.s32 @!p6 $0x4;
	s19 =	sor.u32 @!p6 $0x1C12, s7  }
0x153: {  	[hbm:s23@s18], [sflag:s19] =	dma.strided @!p6 [spmem:s20@s28], $0x140, s14, $0x4   }
0x154: {  	s7 =	sor.u32 @!p6 $0x1C11, s7;
	s14 =	simm.s32 @!p6 $0x12  }
.Ltmp7:
0x155: {  	_ =	swait.ge @!p6 [sflag:s14], $0x140;
	(pc) =	sbr.rel @!p5 .LBB2_10-.Ltmp7, $4  }
0x156: {  	s21 =	sadd.s32 $0xA0, s21;
	s18 =	sshrl.u32 @!p6 s0, $0x3;
	[sflag:s14] =	ssyncset.done @!p6 $0x0  }
0x157: {  	s19 =	simm.s32 @!p6 $0x11;
	s0 =	sadd.s32 $0x500, s0;
	[sflag:s14] =	ssyncadd.s32 @!p6 $0xFFFFFEC0  }
0x158: {  	[hbm:s10], [sflag:s7] =	dma.local @!p6 [spmem:s18], $0xA0  }
0x159: {  	s17 =	sadd.s32 $0xA00, s17;
	s23 =	sadd.s32 $0x280, s23;
	_ =	swait.ge @!p6 [sflag:s19], $0xA0  }
0x15a: {  	s7 =	sadd.s32 s25, s6;
	[sflag:s19] =	ssyncset.done @!p6 $0x0  }
0x15b: {  	p0 =	sgt.u32 s7, $0x7C;
	[sflag:s19] =	ssyncadd.s32 @!p6 $0xFFFFFF60  }
0x15c: {  	s7 =	sshll.u32 @!p0 s4, $0x6;
	s10 =	simm.s32 @!p0 $0x1;
	s11 =	simm.s32 @!p0 $0x8  }
0x15d: {  	s17 =	sshrl.u32 @!p0 s17, $0x3;
	s18 =	simm.s32 @!p0 $0x4;
	s14 =	sor.u32 @!p0 $0x1C12, s7  }
0x15e: {  	[hbm:s23@s11], [sflag:s14] =	dma.strided @!p0 [spmem:s17@s18], $0x140, s10, $0x4   }
0x15f: {  	s10 =	simm.s32 @!p0 $0x12  }
0x160: {  	_ =	swait.ge @!p0 [sflag:s10], $0x140  }
0x161: {  	s0 =	sshrl.u32 @!p0 s0, $0x3;
	s7 =	sor.u32 @!p0 $0x1C11, s7;
	[sflag:s10] =	ssyncset.done @!p0 $0x0  }
.Ltmp8:
0x162: {  	[sflag:s10] =	ssyncadd.s32 @!p0 $0xFFFFFEC0;
	s10 =	simm.s32 @!p0 $0x11;
	(pc) =	sbr.rel .LBB2_15-.Ltmp8, $4  }
0x163: {  	[hbm:s21], [sflag:s7] =	dma.local @!p0 [spmem:s0], $0xA0  }
0x164: {  	_ =	swait.ge @!p0 [sflag:s10], $0xA0  }
0x165: {  	[sflag:s10] =	ssyncset.done @!p0 $0x0  }
0x166: {  	[sflag:s10] =	ssyncadd.s32 @!p0 $0xFFFFFF60  }
.LBB2_12:
0x167: {  	s0 =	sadd.s32 $0x0, s6  }
0x168: {  	s18 =	sld [smem:$0x7E1];
	p6 =	sgt.u32 s0, $0x7C  }
0x169: {  	s0 =	sshll.u32 @!p6 s4, $0x6;
	s7 =	simm.s32 @!p6 $0x1;
	s10 =	simm.s32 @!p6 $0x8  }
0x16a: {  	s14 =	sshrl.u32 @!p6 s30, $0x3;
	s17 =	simm.s32 @!p6 $0x4;
	s11 =	sor.u32 @!p6 $0x1C12, s0  }
0x16b: {  	[hbm:s18@s10], [sflag:s11] =	dma.strided @!p6 [spmem:s14@s17], $0x140, s7, $0x4   }
0x16c: {  	s7 =	simm.s32 @!p6 $0x12  }
0x16d: {  	_ =	swait.ge @!p6 [sflag:s7], $0x140  }
0x16e: {  	[sflag:s7] =	ssyncset.done @!p6 $0x0;
	s14 =	sld [smem:$0x7DF]  }
0x16f: {  	s25 =	simm.s32 $0x1;
	[sflag:s7] =	ssyncadd.s32 @!p6 $0xFFFFFEC0;
	s7 =	sld [smem:$0x7E4]  }
0x170: {  	s19 =	simm.s32 @!p6 $0x11;
	s0 =	sor.u32 @!p6 $0x1C11, s0;
	s23 =	sadd.s32 $0x280, s18  }
0x171: {  	s11 =	simm.s32 $0x2;
	s17 =	sadd.s32 $0xA00, s30;
	s10 =	sshrl.u32 @!p6 s14, $0x3  }
0x172: {  	[hbm:s7], [sflag:s0] =	dma.local @!p6 [spmem:s10], $0xA0  }
0x173: {  	s21 =	sadd.s32 $0xA0, s7;
	s0 =	sadd.s32 $0x500, s14;
	_ =	swait.ge @!p6 [sflag:s19], $0xA0  }
.LBB2_13:
0x174: {  	s7 =	sadd.s32 s25, s6;
	[sflag:s19] =	ssyncset.done @!p6 $0x0  }
0x175: {  	s25 =	smov.u32 s11;
	s11 =	sadd.s32 $0x1, s11;
	s10 =	smov.u32 s21  }
0x176: {  	p5 =	sne.s32 s11, $0x8;
	[sflag:s19] =	ssyncadd.s32 @!p6 $0xFFFFFF60;
	p6 =	sgt.u32 s7, $0x7C  }
0x177: {  	s7 =	sshll.u32 @!p6 s4, $0x6;
	s14 =	simm.s32 @!p6 $0x1;
	s18 =	simm.s32 @!p6 $0x8  }
0x178: {  	s20 =	sshrl.u32 @!p6 s17, $0x3;
	s28 =	simm.s32 @!p6 $0x4;
	s19 =	sor.u32 @!p6 $0x1C12, s7  }
0x179: {  	[hbm:s23@s18], [sflag:s19] =	dma.strided @!p6 [spmem:s20@s28], $0x140, s14, $0x4   }
0x17a: {  	s7 =	sor.u32 @!p6 $0x1C11, s7;
	s14 =	simm.s32 @!p6 $0x12  }
.Ltmp9:
0x17b: {  	_ =	swait.ge @!p6 [sflag:s14], $0x140;
	(pc) =	sbr.rel @p5 .LBB2_13-.Ltmp9, $4  }
0x17c: {  	s21 =	sadd.s32 $0xA0, s21;
	s18 =	sshrl.u32 @!p6 s0, $0x3;
	[sflag:s14] =	ssyncset.done @!p6 $0x0  }
0x17d: {  	s19 =	simm.s32 @!p6 $0x11;
	s0 =	sadd.s32 $0x500, s0;
	[sflag:s14] =	ssyncadd.s32 @!p6 $0xFFFFFEC0  }
0x17e: {  	[hbm:s10], [sflag:s7] =	dma.local @!p6 [spmem:s18], $0xA0  }
0x17f: {  	s17 =	sadd.s32 $0xA00, s17;
	s23 =	sadd.s32 $0x280, s23;
	_ =	swait.ge @!p6 [sflag:s19], $0xA0  }
0x180: {  	s7 =	sadd.s32 s25, s6;
	[sflag:s19] =	ssyncset.done @!p6 $0x0  }
0x181: {  	p0 =	sgt.u32 s7, $0x7C;
	[sflag:s19] =	ssyncadd.s32 @!p6 $0xFFFFFF60  }
0x182: {  	s7 =	sshll.u32 @!p0 s4, $0x6;
	s10 =	simm.s32 @!p0 $0x1;
	s11 =	simm.s32 @!p0 $0x8  }
0x183: {  	s17 =	sshrl.u32 @!p0 s17, $0x3;
	s18 =	simm.s32 @!p0 $0x4;
	s14 =	sor.u32 @!p0 $0x1C12, s7  }
0x184: {  	[hbm:s23@s11], [sflag:s14] =	dma.strided @!p0 [spmem:s17@s18], $0x140, s10, $0x4   }
0x185: {  	s10 =	simm.s32 @!p0 $0x12  }
0x186: {  	_ =	swait.ge @!p0 [sflag:s10], $0x140  }
0x187: {  	s0 =	sshrl.u32 @!p0 s0, $0x3;
	[sflag:s10] =	ssyncset.done @!p0 $0x0  }
0x188: {  	s7 =	sor.u32 @!p0 $0x1C11, s7;
	[sflag:s10] =	ssyncadd.s32 @!p0 $0xFFFFFEC0;
	s10 =	simm.s32 @!p0 $0x11  }
0x189: {  	[hbm:s21], [sflag:s7] =	dma.local @!p0 [spmem:s0], $0xA0  }
0x18a: {  	_ =	swait.ge @!p0 [sflag:s10], $0xA0  }
0x18b: {  	[sflag:s10] =	ssyncset.done @!p0 $0x0  }
0x18c: {  	[sflag:s10] =	ssyncadd.s32 @!p0 $0xFFFFFF60  }
.LBB2_15:
0x18d: {  	s10 =	sld [smem:$0x7E7]  }
0x18e: {  	s0 =	sshll.u32 s4, $0x6  }
0x18f: {  	s7 =	rddreg [dreg:$0x10];
	s11 =	simm.s32 $0x12;
	s21 =	sor.u32 $0x1C12, s0  }
0x190: {  	[spmem:s10@s16], [sflag:s21] =	dma.strided [hbm:s7@s24], $0x140, s8, $0x4   }
0x191: {  	_ =	swait.ge [sflag:s11], $0x140  }
0x192: {  	s19 =	sld [smem:$0x7E9]  }
0x193: {  	[sflag:s11] =	ssyncset.done $0x0  }
0x194: {  	s18 =	simm.s32 $0x11;
	s17 =	sor.u32 $0x1C11, s0;
	[sflag:s11] =	ssyncadd.s32 $0xFFFFFEC0  }
0x195: {  	[spmem:s19], [sflag:s17] =	dma.local [spmem:s10], $0x140  }
0x196: {  	_ =	swait.ge [sflag:s18], $0x140  }
0x197: {  	s23 =	sld [smem:$0x7EB]  }
0x198: {  	[sflag:s18] =	ssyncset.done $0x0  }
0x199: {  	s20 =	rddreg [dreg:$0x11];
	[sflag:s18] =	ssyncadd.s32 $0xFFFFFEC0  }
0x19a: {  	[spmem:s23@s16], [sflag:s21] =	dma.strided [hbm:s20@s24], $0x140, s8, $0x4   }
0x19b: {  	_ =	swait.ge [sflag:s11], $0x140  }
0x19c: {  	s25 =	sld [smem:$0x7ED]  }
0x19d: {  	[sflag:s11] =	ssyncset.done $0x0  }
0x19e: {  	[sflag:s11] =	ssyncadd.s32 $0xFFFFFEC0  }
0x19f: {  	[spmem:s25], [sflag:s17] =	dma.local [spmem:s23], $0x140  }
0x1a0: {  	_ =	swait.ge [sflag:s18], $0x140  }
0x1a1: {  	s14 =	sld [smem:$0x7EF]  }
0x1a2: {  	[sflag:s18] =	ssyncset.done $0x0  }
0x1a3: {  	s10 =	rddreg [dreg:$0x12];
	[sflag:s18] =	ssyncadd.s32 $0xFFFFFEC0  }
0x1a4: {  	[spmem:s14@s16], [sflag:s21] =	dma.strided [hbm:s10@s24], $0x140, s8, $0x4   }
0x1a5: {  	_ =	swait.ge [sflag:s11], $0x140  }
0x1a6: {  	s19 =	sld [smem:$0x7F1]  }
0x1a7: {  	[sflag:s11] =	ssyncset.done $0x0  }
0x1a8: {  	[sflag:s11] =	ssyncadd.s32 $0xFFFFFEC0  }
0x1a9: {  	[spmem:s19], [sflag:s17] =	dma.local [spmem:s14], $0x140  }
0x1aa: {  	_ =	swait.ge [sflag:s18], $0x140  }
0x1ab: {  	s23 =	sld [smem:$0x7F3]  }
0x1ac: {  	[sflag:s18] =	ssyncset.done $0x0  }
0x1ad: {  	s20 =	rddreg [dreg:$0x13];
	[sflag:s18] =	ssyncadd.s32 $0xFFFFFEC0  }
0x1ae: {  	[spmem:s23@s16], [sflag:s21] =	dma.strided [hbm:s20@s24], $0x140, s8, $0x4   }
0x1af: {  	_ =	swait.ge [sflag:s11], $0x140  }
0x1b0: {  	s25 =	sld [smem:$0x7F4]  }
0x1b1: {  	[sflag:s11] =	ssyncset.done $0x0  }
0x1b2: {  	[sflag:s11] =	ssyncadd.s32 $0xFFFFFEC0  }
0x1b3: {  	[spmem:s25], [sflag:s17] =	dma.local [spmem:s23], $0x140  }
0x1b4: {  	_ =	swait.ge [sflag:s18], $0x140  }
0x1b5: {  	s10 =	sld [smem:$0x7F5]  }
0x1b6: {  	[sflag:s18] =	ssyncset.done $0x0  }
0x1b7: {  	s7 =	rddreg [dreg:$0x14];
	[sflag:s18] =	ssyncadd.s32 $0xFFFFFEC0  }
0x1b8: {  	[spmem:s10@s16], [sflag:s21] =	dma.strided [hbm:s7@s24], $0x140, s8, $0x4   }
0x1b9: {  	_ =	swait.ge [sflag:s11], $0x140  }
0x1ba: {  	s14 =	sld [smem:$0x7F6]  }
0x1bb: {  	[sflag:s11] =	ssyncset.done $0x0  }
0x1bc: {  	[sflag:s11] =	ssyncadd.s32 $0xFFFFFEC0  }
0x1bd: {  	[spmem:s14], [sflag:s17] =	dma.local [spmem:s10], $0x140  }
0x1be: {  	_ =	swait.ge [sflag:s18], $0x140  }
0x1bf: {  	s14 =	sld [smem:$0x7F7]  }
0x1c0: {  	s0 =	simm.s32 @!p1 $0x1;
	s7 =	simm.s32 @!p1 $0x4;
	[sflag:s18] =	ssyncset.done $0x0  }
0x1c1: {  	s10 =	simm.s32 @!p1 $0x8;
	s11 =	rddreg [dreg:$0x15];
	[sflag:s18] =	ssyncadd.s32 $0xFFFFFEC0  }
0x1c2: {  	[spmem:s14@s7], [sflag:s21] =	dma.strided @!p1 [hbm:s11@s10], $0x140, s0, $0x4   }
0x1c3: {  	s0 =	simm.s32 @!p1 $0x12  }
0x1c4: {  	_ =	swait.ge @!p1 [sflag:s0], $0x140  }
0x1c5: {  	[sflag:s0] =	ssyncset.done @!p1 $0x0  }
0x1c6: {  	[sflag:s0] =	ssyncadd.s32 @!p1 $0xFFFFFEC0;
	s0 =	sld [smem:$0x7F8];
	_ =	sdelay $0x2  }
0x1c7: {  	[spmem:s0], [sflag:s17] =	dma.local @!p1 [spmem:s14], $0x140  }
0x1c8: {  	s0 =	simm.s32 @!p1 $0x11  }
0x1c9: {  	_ =	swait.ge @!p1 [sflag:s0], $0x140  }
0x1ca: {  	s14 =	sld [smem:$0x7F9]  }
0x1cb: {  	s7 =	simm.s32 @!p3 $0x4;
	s10 =	simm.s32 @!p3 $0x8;
	[sflag:s0] =	ssyncset.done @!p1 $0x0  }
0x1cc: {  	s11 =	rddreg [dreg:$0xe];
	[sflag:s0] =	ssyncadd.s32 @!p1 $0xFFFFFEC0;
	s0 =	simm.s32 @!p3 $0x1  }
0x1cd: {  	[spmem:s14@s7], [sflag:s21] =	dma.strided @!p3 [hbm:s11@s10], $0x140, s0, $0x4   }
0x1ce: {  	s0 =	simm.s32 @!p3 $0x12  }
0x1cf: {  	_ =	swait.ge @!p3 [sflag:s0], $0x140  }
0x1d0: {  	[sflag:s0] =	ssyncset.done @!p3 $0x0  }
0x1d1: {  	[sflag:s0] =	ssyncadd.s32 @!p3 $0xFFFFFEC0;
	s0 =	sld [smem:$0x7FA];
	_ =	sdelay $0x2  }
0x1d2: {  	[spmem:s0], [sflag:s17] =	dma.local @!p3 [spmem:s14], $0x140  }
0x1d3: {  	s0 =	simm.s32 @!p3 $0x11  }
0x1d4: {  	_ =	swait.ge @!p3 [sflag:s0], $0x140  }
0x1d5: {  	s14 =	sld [smem:$0x7FB]  }
0x1d6: {  	s7 =	simm.s32 @!p4 $0x4;
	s10 =	simm.s32 @!p4 $0x8;
	[sflag:s0] =	ssyncset.done @!p3 $0x0  }
0x1d7: {  	s11 =	rddreg [dreg:$0xf];
	[sflag:s0] =	ssyncadd.s32 @!p3 $0xFFFFFEC0;
	s0 =	simm.s32 @!p4 $0x1  }
0x1d8: {  	[spmem:s14@s7], [sflag:s21] =	dma.strided @!p4 [hbm:s11@s10], $0x140, s0, $0x4   }
0x1d9: {  	s0 =	simm.s32 @!p4 $0x12  }
0x1da: {  	_ =	swait.ge @!p4 [sflag:s0], $0x140  }
0x1db: {  	[sflag:s0] =	ssyncset.done @!p4 $0x0  }
0x1dc: {  	[sflag:s0] =	ssyncadd.s32 @!p4 $0xFFFFFEC0;
	s0 =	sld [smem:$0x7FC];
	_ =	sdelay $0x1  }
0x1dd: {  	[smem:$0x7D4] =	sst s17  }
0x1de: {  	[spmem:s0], [sflag:s17] =	dma.local @!p4 [spmem:s14], $0x140  }
0x1df: {  	s0 =	simm.s32 @!p4 $0x11  }
0x1e0: {  	_ =	swait.ge @!p4 [sflag:s0], $0x140  }
0x1e1: {  	[sflag:s0] =	ssyncset.done @!p4 $0x0  }
0x1e2: {  	[sflag:s0] =	ssyncadd.s32 @!p4 $0xFFFFFEC0  }
0x1e3: {  	s21 =	simm.s32 $0x0;
	s7 =	simm.s32 $0xA000;
	[bflag:$0x0] =	sbarrier.arrive $0xFFFF  }
0x1e4: {  	[tilespmem:s7], [sflag:$0x1] =	stream.indirect.gather [spmem:s1], $0x20, s21, s15, $0xb8;
	[tilespmem:$0x1EB68] =	vst v63  }
0x1e5: {  	s10 =	simm.s32 $0xB000  }
0x1e6: {  	[tilespmem:s10], [sflag:$0x2] =	stream.indirect.gather [spmem:s1], $0x20, s15, s15, $0xb8;
	[tilespmem:$0x1EB68] =	vst v63  }
0x1e7: {  	s11 =	simm.s32 $0xC000;
	s17 =	simm.s32 $0x100  }
0x1e8: {  	[tilespmem:s11], [sflag:$0x3] =	stream.indirect.gather [spmem:s1], $0x20, s17, s15, $0xb8;
	[tilespmem:$0x1EB68] =	vst v63  }
0x1e9: {  	s19 =	simm.s32 $0x180;
	s14 =	simm.s32 $0xD000  }
0x1ea: {  	[tilespmem:s14], [sflag:$0x4] =	stream.indirect.gather [spmem:s1], $0x20, s19, s15, $0xb8;
	[tilespmem:$0x1EB68] =	vst v63  }
0x1eb: {  	s20 =	simm.s32 $0x200;
	s17 =	simm.s32 $0xE000  }
0x1ec: {  	[tilespmem:s17], [sflag:$0x5] =	stream.indirect.gather [spmem:s1], $0x20, s20, s15, $0xb8;
	[tilespmem:$0x1EB68] =	vst v63  }
0x1ed: {  	s23 =	simm.s32 $0x280;
	s19 =	simm.s32 $0xF000  }
0x1ee: {  	[tilespmem:s19], [sflag:$0x6] =	stream.indirect.gather [spmem:s1], $0x20, s23, s15, $0xb8;
	[tilespmem:$0x1EB68] =	vst v63  }
0x1ef: {  	s25 =	simm.s32 $0x300;
	s20 =	simm.s32 $0x10000  }
0x1f0: {  	[tilespmem:s20], [sflag:$0x7] =	stream.indirect.gather [spmem:s1], $0x20, s25, s15, $0xb8;
	[tilespmem:$0x1EB68] =	vst v63  }
0x1f1: {  	s23 =	simm.s32 $0x380;
	s25 =	simm.s32 $0x11000  }
0x1f2: {  	[tilespmem:s25], [sflag:$0x8] =	stream.indirect.gather [spmem:s1], $0x20, s23, s15, $0xb8;
	[tilespmem:$0x1EB68] =	vst v63  }
0x1f3: {  	s23 =	sld [smem:$0x7FD];
	_ =	sdelay $0x2  }
0x1f4: {  	p0 =	por @!p1 $0x0, $0x0;
	p5 =	por @!p4 $0x1, $0x1;
	p6 =	seq.s32 s23, $0x1  }
0x1f5: {  	p5 =	por @!p6 p0, p0;
	p6 =	por $0x0, $0x0  }
0x1f6: {  	s28 =	simm.s32 $0xA;
	p6 =	por @!p1 p5, p5  }
.LBB2_16:
0x1f7: {  	_ =	swait.ge [sflag:s8], $0x1000  }
0x1f8: {  	s23 =	sshra.s32 s21, $0x2;
	[sflag:s8] =	ssyncset.done $0x0  }
0x1f9: {  	s0 =	sadd.s32 $0x5000, s23;
	[sflag:s8] =	ssyncadd.s32 $0xFFFFF000  }
0x1fa: {  	[spmem:s2] =	stream.indirect.scatter.add.bf16 [tilespmem:s7], [sflag:$0x9], $0x20, s0, s15, $0xb8;
	[tilespmem:$0x1EB68] =	vst v63  }
0x1fb: {  	s0 =	simm.s32 $0x2  }
0x1fc: {  	_ =	swait.ge [sflag:s0], $0x1000  }
0x1fd: {  	[sflag:s0] =	ssyncset.done $0x0  }
0x1fe: {  	[sflag:s0] =	ssyncadd.s32 $0xFFFFF000;
	s0 =	sadd.s32 $0x5080, s23  }
0x1ff: {  	[spmem:s2] =	stream.indirect.scatter.add.bf16 [tilespmem:s10], [sflag:$0xA], $0x20, s0, s15, $0xb8;
	[tilespmem:$0x1EB68] =	vst v63  }
0x200: {  	s0 =	simm.s32 $0x3  }
0x201: {  	_ =	swait.ge [sflag:s0], $0x1000  }
0x202: {  	[sflag:s0] =	ssyncset.done $0x0  }
0x203: {  	[sflag:s0] =	ssyncadd.s32 $0xFFFFF000;
	s0 =	sadd.s32 $0x5100, s23  }
0x204: {  	[spmem:s2] =	stream.indirect.scatter.add.bf16 [tilespmem:s11], [sflag:$0xB], $0x20, s0, s15, $0xb8;
	[tilespmem:$0x1EB68] =	vst v63  }
0x205: {  	_ =	swait.ge [sflag:s16], $0x1000  }
0x206: {  	[sflag:s16] =	ssyncset.done $0x0  }
0x207: {  	s0 =	sadd.s32 $0x5180, s23;
	[sflag:s16] =	ssyncadd.s32 $0xFFFFF000  }
0x208: {  	[spmem:s2] =	stream.indirect.scatter.add.bf16 [tilespmem:s14], [sflag:$0xC], $0x20, s0, s15, $0xb8;
	[tilespmem:$0x1EB68] =	vst v63  }
0x209: {  	s0 =	simm.s32 $0x5  }
0x20a: {  	_ =	swait.ge [sflag:s0], $0x1000  }
0x20b: {  	[sflag:s0] =	ssyncset.done $0x0  }
0x20c: {  	[sflag:s0] =	ssyncadd.s32 $0xFFFFF000;
	s0 =	sadd.s32 $0x5200, s23  }
0x20d: {  	[spmem:s2] =	stream.indirect.scatter.add.bf16 [tilespmem:s17], [sflag:$0xD], $0x20, s0, s15, $0xb8;
	[tilespmem:$0x1EB68] =	vst v63  }
0x20e: {  	s0 =	simm.s32 $0x6  }
0x20f: {  	_ =	swait.ge [sflag:s0], $0x1000  }
0x210: {  	[sflag:s0] =	ssyncset.done $0x0  }
0x211: {  	[sflag:s0] =	ssyncadd.s32 $0xFFFFF000;
	s0 =	sadd.s32 $0x5280, s23  }
0x212: {  	[spmem:s2] =	stream.indirect.scatter.add.bf16 [tilespmem:s19], [sflag:$0xE], $0x20, s0, s15, $0xb8;
	[tilespmem:$0x1EB68] =	vst v63  }
0x213: {  	_ =	swait.ge [sflag:s22], $0x1000  }
0x214: {  	[sflag:s22] =	ssyncset.done $0x0  }
0x215: {  	s0 =	sadd.s32 $0x5300, s23;
	[sflag:s22] =	ssyncadd.s32 $0xFFFFF000  }
0x216: {  	[spmem:s2] =	stream.indirect.scatter.add.bf16 [tilespmem:s20], [sflag:$0xF], $0x20, s0, s15, $0xb8;
	[tilespmem:$0x1EB68] =	vst v63  }
0x217: {  	_ =	swait.ge [sflag:s24], $0x1000  }
0x218: {  	p0 =	seq.s32 s21, $0x13000;
	[sflag:s24] =	ssyncset.done $0x0  }
.Ltmp10:
0x219: {  	s0 =	sadd.s32 $0x5380, s23;
	[sflag:s24] =	ssyncadd.s32 $0xFFFFF000;
	(pc) =	sbr.rel @p0 .LBB2_18-.Ltmp10, $4  }
0x21a: {  	[spmem:s2] =	stream.indirect.scatter.add.bf16 [tilespmem:s25], [sflag:$0x10], $0x20, s0, s15, $0xb8;
	[tilespmem:$0x1EB68] =	vst v63  }
0x21b: {  	_ =	swait.ge [sflag:s12], $0x1000  }
0x21c: {  	[sflag:s12] =	ssyncset.done $0x0  }
0x21d: {  	[sflag:s12] =	ssyncadd.s32 $0xFFFFF000  }
0x21e: {  	s0 =	sadd.s32 $0x400, s23  }
0x21f: {  	[tilespmem:s7], [sflag:$0x1] =	stream.indirect.gather [spmem:s1], $0x20, s0, s15, $0xb8;
	[tilespmem:$0x1EB68] =	vst v63  }
0x220: {  	_ =	swait.ge [sflag:s28], $0x1000  }
0x221: {  	[sflag:s28] =	ssyncset.done $0x0  }
0x222: {  	s0 =	sadd.s32 $0x480, s23;
	[sflag:s28] =	ssyncadd.s32 $0xFFFFF000  }
0x223: {  	[tilespmem:s10], [sflag:$0x2] =	stream.indirect.gather [spmem:s1], $0x20, s0, s15, $0xb8;
	[tilespmem:$0x1EB68] =	vst v63  }
0x224: {  	_ =	swait.ge [sflag:s26], $0x1000  }
0x225: {  	[sflag:s26] =	ssyncset.done $0x0  }
0x226: {  	s0 =	sadd.s32 $0x500, s23;
	[sflag:s26] =	ssyncadd.s32 $0xFFFFF000  }
0x227: {  	[tilespmem:s11], [sflag:$0x3] =	stream.indirect.gather [spmem:s1], $0x20, s0, s15, $0xb8;
	[tilespmem:$0x1EB68] =	vst v63  }
0x228: {  	s0 =	simm.s32 $0xC  }
0x229: {  	_ =	swait.ge [sflag:s0], $0x1000  }
0x22a: {  	[sflag:s0] =	ssyncset.done $0x0  }
0x22b: {  	[sflag:s0] =	ssyncadd.s32 $0xFFFFF000;
	s0 =	sadd.s32 $0x580, s23  }
0x22c: {  	[tilespmem:s14], [sflag:$0x4] =	stream.indirect.gather [spmem:s1], $0x20, s0, s15, $0xb8;
	[tilespmem:$0x1EB68] =	vst v63  }
0x22d: {  	_ =	swait.ge [sflag:s9], $0x1000  }
0x22e: {  	[sflag:s9] =	ssyncset.done $0x0  }
0x22f: {  	s0 =	sadd.s32 $0x600, s23;
	[sflag:s9] =	ssyncadd.s32 $0xFFFFF000  }
0x230: {  	[tilespmem:s17], [sflag:$0x5] =	stream.indirect.gather [spmem:s1], $0x20, s0, s15, $0xb8;
	[tilespmem:$0x1EB68] =	vst v63  }
0x231: {  	s0 =	simm.s32 $0xE  }
0x232: {  	_ =	swait.ge [sflag:s0], $0x1000  }
0x233: {  	[sflag:s0] =	ssyncset.done $0x0  }
0x234: {  	[sflag:s0] =	ssyncadd.s32 $0xFFFFF000;
	s0 =	sadd.s32 $0x680, s23  }
0x235: {  	[tilespmem:s19], [sflag:$0x6] =	stream.indirect.gather [spmem:s1], $0x20, s0, s15, $0xb8;
	[tilespmem:$0x1EB68] =	vst v63  }
0x236: {  	_ =	swait.ge [sflag:s29], $0x1000  }
0x237: {  	[sflag:s29] =	ssyncset.done $0x0  }
0x238: {  	s0 =	sadd.s32 $0x700, s23;
	[sflag:s29] =	ssyncadd.s32 $0xFFFFF000  }
0x239: {  	[tilespmem:s20], [sflag:$0x7] =	stream.indirect.gather [spmem:s1], $0x20, s0, s15, $0xb8;
	[tilespmem:$0x1EB68] =	vst v63  }
.Ltmp11:
0x23a: {  	_ = 	snop;
	(pc) =	sbr.rel .LBB2_16-.Ltmp11, $4  }
0x23b: {  	_ =	swait.ge [sflag:s5], $0x1000  }
0x23c: {  	[sflag:s5] =	ssyncset.done $0x0  }
0x23d: {  	s21 =	sadd.s32 $0x1000, s21;
	s23 =	sadd.s32 $0x780, s23;
	[sflag:s5] =	ssyncadd.s32 $0xFFFFF000  }
0x23e: {  	[tilespmem:s25], [sflag:$0x8] =	stream.indirect.gather [spmem:s1], $0x20, s23, s15, $0xb8;
	[tilespmem:$0x1EB68] =	vst v63  }
.LBB2_18:
0x23f: {  	_ =	swait.ge [sflag:s28], $0x1000  }
0x240: {  	[sflag:s28] =	ssyncset.done $0x0  }
0x241: {  	[sflag:s28] =	ssyncadd.s32 $0xFFFFF000  }
0x242: {  	_ =	swait.ge [sflag:s26], $0x1000  }
0x243: {  	[sflag:s26] =	ssyncset.done $0x0  }
0x244: {  	s0 =	simm.s32 $0xC;
	[sflag:s26] =	ssyncadd.s32 $0xFFFFF000  }
0x245: {  	_ =	swait.ge [sflag:s0], $0x1000  }
0x246: {  	[sflag:s0] =	ssyncset.done $0x0  }
0x247: {  	[sflag:s0] =	ssyncadd.s32 $0xFFFFF000  }
0x248: {  	_ =	swait.ge [sflag:s9], $0x1000  }
0x249: {  	[sflag:s9] =	ssyncset.done $0x0  }
0x24a: {  	s25 =	simm.s32 $0xE;
	[sflag:s9] =	ssyncadd.s32 $0xFFFFF000  }
0x24b: {  	_ =	swait.ge [sflag:s25], $0x1000  }
0x24c: {  	[sflag:s25] =	ssyncset.done $0x0  }
0x24d: {  	[sflag:s25] =	ssyncadd.s32 $0xFFFFF000  }
0x24e: {  	_ =	swait.ge [sflag:s29], $0x1000  }
0x24f: {  	[sflag:s29] =	ssyncset.done $0x0  }
0x250: {  	[sflag:s29] =	ssyncadd.s32 $0xFFFFF000  }
0x251: {  	_ =	swait.ge [sflag:s5], $0x1000  }
0x252: {  	[sflag:s5] =	ssyncset.done $0x0  }
0x253: {  	[sflag:s5] =	ssyncadd.s32 $0xFFFFF000  }
0x254: {  	s10 =	rddreg [dreg:$0xc];
	[bflag:$0x0] =	sbarrier.arrive $0xFFFF  }
0x255: {  	s28 =	sld [smem:$0x7D5];
	_ =	sdelay $0x2  }
0x256: {  	p0 =	seq.s32 s28, $0x1  }
.Ltmp12:
0x257: {  	_ = 	snop;
	(pc) =	sbr.rel @p0 .LBB2_20-.Ltmp12, $4  }
0x258: {  	_ = 	snop  }
0x259: {  	s7 =	smul.u32 @p2 $0x2800, s10  }
0x25a: {  	s11 =	sshrl.u32 s30, $0x3;
	s0 =	rddreg [dreg:$0x1a]  }
0x25b: {  	s21 =	smul.u32 @p2 $0x280, s10;
	s23 =	sshrl.u32 @p2 s7, $0x2;
	s0 =	sshrl.u32 @!p1 s0, $0x3  }
0x25c: {  	s19 =	sld [smem:$0x7D4];
	_ =	sdelay $0x1  }
0x25d: {  	s7 =	rddreg [dreg:$0x1d]  }
0x25e: {  	[hbm:s7@s24], [sflag:s19] =	dma.strided [spmem:s11@s16], $0x140, s8, $0x4   }
0x25f: {  	_ =	swait.ge [sflag:s18], $0x140  }
0x260: {  	[sflag:s18] =	ssyncset.done $0x0;
	s10 =	rddreg [dreg:$0x16]  }
0x261: {  	[sflag:s18] =	ssyncadd.s32 $0xFFFFFEC0;
	s7 =	sshrl.u32 s10, $0x3;
	s10 =	rddreg [dreg:$0x1f]  }
0x262: {  	[hbm:s10@s24], [sflag:s19] =	dma.strided [spmem:s7@s16], $0x140, s8, $0x4   }
0x263: {  	_ =	swait.ge [sflag:s18], $0x140  }
0x264: {  	s14 =	sld [smem:$0x7D7]  }
0x265: {  	[sflag:s18] =	ssyncset.done $0x0;
	s11 =	rddreg [dreg:$0x17]  }
0x266: {  	[sflag:s18] =	ssyncadd.s32 $0xFFFFFEC0;
	s7 =	sshrl.u32 s11, $0x3  }
0x267: {  	[hbm:s14@s24], [sflag:s19] =	dma.strided [spmem:s7@s16], $0x140, s8, $0x4   }
0x268: {  	_ =	swait.ge [sflag:s18], $0x140  }
0x269: {  	s20 =	sld [smem:$0x7D9]  }
0x26a: {  	[sflag:s18] =	ssyncset.done $0x0;
	s17 =	rddreg [dreg:$0x18]  }
0x26b: {  	[sflag:s18] =	ssyncadd.s32 $0xFFFFFEC0;
	s7 =	sshrl.u32 s17, $0x3  }
0x26c: {  	[hbm:s20@s24], [sflag:s19] =	dma.strided [spmem:s7@s16], $0x140, s8, $0x4   }
0x26d: {  	_ =	swait.ge [sflag:s18], $0x140  }
0x26e: {  	s28 =	sld [smem:$0x7DB]  }
0x26f: {  	[sflag:s18] =	ssyncset.done $0x0;
	s25 =	rddreg [dreg:$0x19]  }
0x270: {  	[sflag:s18] =	ssyncadd.s32 $0xFFFFFEC0;
	s7 =	sshrl.u32 s25, $0x3  }
0x271: {  	[hbm:s28@s24], [sflag:s19] =	dma.strided [spmem:s7@s16], $0x140, s8, $0x4   }
0x272: {  	_ =	swait.ge [sflag:s18], $0x140  }
0x273: {  	s14 =	sld [smem:$0x7DE]  }
0x274: {  	s10 =	simm.s32 @!p1 $0x8;
	[sflag:s18] =	ssyncset.done $0x0  }
0x275: {  	s11 =	simm.s32 @!p1 $0x4;
	s7 =	simm.s32 @!p1 $0x1;
	[sflag:s18] =	ssyncadd.s32 $0xFFFFFEC0  }
0x276: {  	[hbm:s14@s10], [sflag:s19] =	dma.strided @!p1 [spmem:s0@s11], $0x140, s7, $0x4   }
0x277: {  	s0 =	simm.s32 @!p1 $0x11;
	s7 =	sadd.s32 @p2 s23, s2  }
0x278: {  	s10 =	simm.s32 @p2 $0x1;
	s11 =	simm.s32 @p2 $0x8;
	_ =	swait.ge @!p1 [sflag:s0], $0x140  }
0x279: {  	s14 =	simm.s32 @p2 $0x4;
	[sflag:s0] =	ssyncset.done @!p1 $0x0;
	s17 =	rddreg [dreg:$0x8]  }
0x27a: {  	s7 =	sshrl.u32 @p2 s7, $0x3;
	[sflag:s0] =	ssyncadd.s32 @!p1 $0xFFFFFEC0;
	s0 =	sadd.s32 @p2 s21, s17  }
0x27b: {  	[hbm:s0@s11], [sflag:s19] =	dma.strided @p2 [spmem:s7@s14], $0x140, s10, $0x4   }
.Ltmp13:
0x27c: {  	_ = 	snop;
	(pc) =	sbr.rel @p6 .LBB2_21-.Ltmp13, $4  }
.Ltmp14:
0x27d: {  	s0 =	simm.s32 @p2 $0x11;
	(pc) =	sbr.rel @!p6 .LBB2_22-.Ltmp14, $4  }
0x27e: {  	_ =	swait.ge @p2 [sflag:s0], $0x140  }
0x27f: {  	[sflag:s0] =	ssyncset.done @p2 $0x0  }
0x280: {  	s11 =	rddreg [dreg:$0x6];
	[sflag:s0] =	ssyncadd.s32 @p2 $0xFFFFFEC0;
	s0 =	smov.u32 s17  }
0x281: {  	_ = 	snop  }
.LBB2_20:
0x282: {  	s19 =	sld [smem:$0x7D4];
	_ =	sdelay $0x1  }
0x283: {  	s7 =	rddreg [dreg:$0x1c]  }
0x284: {  	[hbm:s7@s24], [sflag:s19] =	dma.strided [spmem:s11@s16], $0x140, s8, $0x4   }
0x285: {  	_ =	swait.ge [sflag:s18], $0x140  }
0x286: {  	[sflag:s18] =	ssyncset.done $0x0;
	s10 =	rddreg [dreg:$0x16]  }
0x287: {  	[sflag:s18] =	ssyncadd.s32 $0xFFFFFEC0;
	s7 =	sshrl.u32 s10, $0x3;
	s10 =	rddreg [dreg:$0x1e]  }
0x288: {  	[hbm:s10@s24], [sflag:s19] =	dma.strided [spmem:s7@s16], $0x140, s8, $0x4   }
0x289: {  	_ =	swait.ge [sflag:s18], $0x140  }
0x28a: {  	s14 =	sld [smem:$0x7D6]  }
0x28b: {  	[sflag:s18] =	ssyncset.done $0x0;
	s11 =	rddreg [dreg:$0x17]  }
0x28c: {  	[sflag:s18] =	ssyncadd.s32 $0xFFFFFEC0;
	s7 =	sshrl.u32 s11, $0x3  }
0x28d: {  	[hbm:s14@s24], [sflag:s19] =	dma.strided [spmem:s7@s16], $0x140, s8, $0x4   }
0x28e: {  	_ =	swait.ge [sflag:s18], $0x140  }
0x28f: {  	s20 =	sld [smem:$0x7D8]  }
0x290: {  	[sflag:s18] =	ssyncset.done $0x0;
	s17 =	rddreg [dreg:$0x18]  }
0x291: {  	[sflag:s18] =	ssyncadd.s32 $0xFFFFFEC0;
	s7 =	sshrl.u32 s17, $0x3  }
0x292: {  	[hbm:s20@s24], [sflag:s19] =	dma.strided [spmem:s7@s16], $0x140, s8, $0x4   }
0x293: {  	_ =	swait.ge [sflag:s18], $0x140  }
0x294: {  	s28 =	sld [smem:$0x7DA]  }
0x295: {  	[sflag:s18] =	ssyncset.done $0x0;
	s25 =	rddreg [dreg:$0x19]  }
0x296: {  	[sflag:s18] =	ssyncadd.s32 $0xFFFFFEC0;
	s7 =	sshrl.u32 s25, $0x3  }
0x297: {  	[hbm:s28@s24], [sflag:s19] =	dma.strided [spmem:s7@s16], $0x140, s8, $0x4   }
0x298: {  	_ =	swait.ge [sflag:s18], $0x140  }
0x299: {  	s14 =	sld [smem:$0x7DD]  }
0x29a: {  	s10 =	simm.s32 @!p1 $0x8;
	[sflag:s18] =	ssyncset.done $0x0  }
0x29b: {  	s11 =	simm.s32 @!p1 $0x4;
	s7 =	simm.s32 @!p1 $0x1;
	[sflag:s18] =	ssyncadd.s32 $0xFFFFFEC0  }
0x29c: {  	[hbm:s14@s10], [sflag:s19] =	dma.strided @!p1 [spmem:s0@s11], $0x140, s7, $0x4   }
0x29d: {  	s0 =	simm.s32 @!p1 $0x11;
	s7 =	sadd.s32 @p2 s23, s2  }
0x29e: {  	s10 =	simm.s32 @p2 $0x1;
	s11 =	simm.s32 @p2 $0x8;
	_ =	swait.ge @!p1 [sflag:s0], $0x140  }
0x29f: {  	s14 =	simm.s32 @p2 $0x4;
	[sflag:s0] =	ssyncset.done @!p1 $0x0;
	s17 =	rddreg [dreg:$0x7]  }
0x2a0: {  	s7 =	sshrl.u32 @p2 s7, $0x3;
	[sflag:s0] =	ssyncadd.s32 @!p1 $0xFFFFFEC0;
	s0 =	sadd.s32 @p2 s21, s17  }
0x2a1: {  	[hbm:s0@s11], [sflag:s19] =	dma.strided @p2 [spmem:s7@s14], $0x140, s10, $0x4   }
.Ltmp15:
0x2a2: {  	_ = 	snop;
	(pc) =	sbr.rel @!p6 .LBB2_22-.Ltmp15, $4  }
.Ltmp16:
0x2a3: {  	s0 =	simm.s32 @p2 $0x11;
	(pc) =	sbr.rel @p6 .LBB2_21-.Ltmp16, $4  }
0x2a4: {  	_ =	swait.ge @p2 [sflag:s0], $0x140  }
0x2a5: {  	[sflag:s0] =	ssyncset.done @p2 $0x0  }
0x2a6: {  	s11 =	rddreg [dreg:$0x6];
	[sflag:s0] =	ssyncadd.s32 @p2 $0xFFFFFEC0;
	s0 =	smov.u32 s17  }
0x2a7: {  	_ = 	snop  }
.LBB2_23:
0x2a8: {  	_ =	sfence.sel $0x180000  }
0x2a9: {  	[bflag:$0x0] =	sbarrier.arrive $0xFFFF  }
0x2aa: {  	_ =	strace $0x90000047  }
0x2ab: {  	[bflag:$0x2] =	sbarrier.arrive $0xFFFF  }
0x2ac: {  	p0 =	sne.s32 s4, $0x0;
	s0 =	rddreg [dreg:$0x5]  }
0x2ad: {  	s0 =	sadd.s32 @!p0 $0x100000, s0  }
0x2ae: {  	[sflag:s0] =	ssyncadd.tile.s32 @!p0 $0x1;
	_ =	shalt  }
.Lfunc_end2:
_tile_overlayer_lowered:
.L_overlay_start_2:
0x2af: {  	(tag) =	ssettag $0x2  }
0x2b0: {  	s0 =	rddreg [dreg:$0x0];
	s2 =	stileid.u32  }
0x2b1: {  	s1 =	rddreg [dreg:$0x1];
	p0 =	sne.s32 s2, $0x0  }
0x2b2: {  	s3 =	rddreg [dreg:$0x2];
	[bflag:$0x3] =	sbarrier.arrive $0xFFFF;
	s2 =	simm.s32 @!p0 $0x1C11  }
0x2b3: {  	[timem:s3], [sflag:s2] =	dma.local @!p0 [hbm:s0], s1  }
0x2b4: {  	s0 =	simm.s32 @!p0 $0x11  }
0x2b5: {  	_ =	swait.ge @!p0 [sflag:s0], s1  }
0x2b6: {  	s1 =	ssub.s32 @!p0 $0x0, s1;
	[sflag:s0] =	ssyncset.done @!p0 $0x0  }
0x2b7: {  	[sflag:s0] =	ssyncadd.s32 @!p0 s1  }
0x2b8: {  	[bflag:$0x3] =	sbarrier.arrive $0xFFFF  }
0x2b9: {  	_ =	shalt  }

</sc_bundles>
